<compile_context>
chip_gen: v7x
topology: tpu7x:2x2x1
jax: 0.10.2.dev20260603
libtpu: 0.0.44.dev20260713+nightly
codegen_flags: <defaults>
</compile_context>

<pallas_src>
import functools

import jax
import jax.numpy as jnp
from jax import lax
from jax.experimental import pallas as pl
from jax.experimental.pallas import tpu as pltpu
from jax.experimental.pallas import tpu_sc as plsc


def _sc_geometry():
    try:
        info = plsc.get_sparse_core_info()
        return info.num_cores, info.num_subcores
    except Exception:
        return 2, 16



def _proj_body(nf_ref, w_ref, o_ref, obf_ref):
    h = jnp.dot(nf_ref[...], w_ref[...], preferred_element_type=jnp.float32)
    o_ref[...] = h
    obf_ref[...] = h.astype(jnp.bfloat16)


def _project(node_feat, W_in, block_rows):
    n, d_in = node_feat.shape
    d = W_in.shape[1]
    grid = n // block_rows
    return pl.pallas_call(
        _proj_body,
        grid=(grid,),
        in_specs=[
            pl.BlockSpec((block_rows, d_in), lambda i: (i, 0)),
            pl.BlockSpec((d_in, d), lambda i: (0, 0)),
        ],
        out_specs=[
            pl.BlockSpec((block_rows, d), lambda i: (i, 0)),
            pl.BlockSpec((block_rows, d), lambda i: (i, 0)),
        ],
        out_shape=[
            jax.ShapeDtypeStruct((n, d), jnp.float32),
            jax.ShapeDtypeStruct((n, d), jnp.bfloat16),
        ],
    )(node_feat, W_in)



_GROUP = 8


def _sc_aggregate(h, sd3, zeros_pad, n_pad, chunks, chunk):
    d = h.shape[1]
    nc, ns = _sc_geometry()
    rows_per_tile = n_pad // ns
    ngroups = chunks // _GROUP
    mesh = plsc.VectorSubcoreMesh(core_axis_name="c", subcore_axis_name="s")

    @functools.partial(
        pl.kernel,
        mesh=mesh,
        out_type=jax.ShapeDtypeStruct((nc, n_pad, d), jnp.bfloat16),
        scratch_types=[
            pltpu.VMEM((2, chunks, chunk), jnp.int32),
            pltpu.VMEM((2, _GROUP, chunk, d), jnp.bfloat16),
            pltpu.VMEM_SHARED((n_pad, d), jnp.bfloat16),
            pltpu.VMEM_SHARED((h.shape[0], d), jnp.bfloat16),
            pltpu.SemaphoreType.DMA,
            pltpu.SemaphoreType.DMA,
        ],
        compiler_params=pltpu.CompilerParams(use_tc_tiling_on_sc=False),
    )
    def agg_kernel(h_hbm, sd_hbm, zero_hbm, out_hbm,
                   sd_v, rows_v, acc_sh, h_sh, sem_g, sem_s):
        cid = lax.axis_index("c")
        sid = lax.axis_index("s")
        wid = cid * ns + sid
        src_v = sd_v.at[0]
        dst_v = sd_v.at[1]

        pltpu.sync_copy(sd_hbm.at[wid], sd_v)

        row0 = sid * rows_per_tile
        h_stripe = h_hbm.shape[0] // ns
        pltpu.sync_copy(h_hbm.at[pl.ds(sid * h_stripe, h_stripe)],
                        h_sh.at[pl.ds(sid * h_stripe, h_stripe)])
        pltpu.sync_copy(zero_hbm.at[pl.ds(row0, rows_per_tile)],
                        acc_sh.at[pl.ds(row0, rows_per_tile)])
        plsc.subcore_barrier()

        def fire_gathers(g, half):
            for b in range(_GROUP):
                pltpu.async_copy(h_sh.at[src_v.at[g * _GROUP + b]],
                                 rows_v.at[half, b], sem_g)

        def drain_scatters(g, half):
            for b in range(_GROUP):
                pltpu.make_async_copy(rows_v.at[half, b],
                                      acc_sh.at[dst_v.at[g * _GROUP + b]],
                                      sem_s).wait()

        def half_step(g, half):
            for b in range(_GROUP):
                pltpu.make_async_copy(h_sh.at[src_v.at[g * _GROUP + b]],
                                      rows_v.at[half, b], sem_g).wait()

            @pl.when(g >= 1)
            def _():
                drain_scatters(g - 1, 1 - half)

            @pl.when(g + 1 < ngroups)
            def _():
                fire_gathers(g + 1, 1 - half)

            for b in range(_GROUP):
                pltpu.async_copy(rows_v.at[half, b],
                                 acc_sh.at[dst_v.at[g * _GROUP + b]],
                                 sem_s, add=True)

        fire_gathers(0, 0)

        def outer(o, _):
            half_step(2 * o, 0)
            half_step(2 * o + 1, 1)
            return ()

        lax.fori_loop(0, ngroups // 2, outer, ())
        drain_scatters(ngroups - 1, 1)
        plsc.subcore_barrier()

        pltpu.sync_copy(acc_sh.at[pl.ds(row0, rows_per_tile)],
                        out_hbm.at[cid, pl.ds(row0, rows_per_tile)])

    return agg_kernel(h, sd3, zeros_pad)



def _silu(x):
    return x * jax.nn.sigmoid(x)


def _tail_body(n_nodes, parts_ref, h_ref, wmsg_ref, wupd_ref,
               state_ref, wstate_ref, lat_ref, wlat_ref,
               w1_ref, b1_ref, w2_ref, b2_ref, o_ref, acc_ref):
    i = pl.program_id(0)
    nblk = pl.num_programs(0)

    @pl.when(i == 0)
    def _():
        acc_ref[...] = jnp.zeros_like(acc_ref)

    agg0 = (parts_ref[0].astype(jnp.float32)
            + parts_ref[1].astype(jnp.float32))
    agg = jnp.dot(agg0, wmsg_ref[...], preferred_element_type=jnp.float32)
    h2 = _silu(jnp.dot(h_ref[...], wupd_ref[...],
                       preferred_element_type=jnp.float32) + agg)
    acc_ref[...] += jnp.sum(h2, axis=0, keepdims=True)

    @pl.when(i == nblk - 1)
    def _():
        cond = (jnp.dot(state_ref[...], wstate_ref[...],
                        preferred_element_type=jnp.float32)
                + jnp.dot(lat_ref[...], wlat_ref[...],
                          preferred_element_type=jnp.float32))
        g = acc_ref[...] / float(n_nodes) + cond
        hid = _silu(jnp.dot(g, w1_ref[...],
                            preferred_element_type=jnp.float32) + b1_ref[...])
        o_ref[...] = jnp.dot(hid, w2_ref[...],
                             preferred_element_type=jnp.float32) + b2_ref[...]


def _tail(parts, h, W_msg, W_upd, state_attr, W_state, lat9, W_lat,
          W1, b1, W2, b2, block_rows):
    n, d = h.shape
    hid = W1.shape[1]
    grid = n // block_rows
    full = lambda shape: pl.BlockSpec(shape, lambda i: tuple(0 for _ in shape))
    return pl.pallas_call(
        functools.partial(_tail_body, n),
        grid=(grid,),
        in_specs=[
            pl.BlockSpec((2, block_rows, d), lambda i: (0, i, 0)),
            pl.BlockSpec((block_rows, d), lambda i: (i, 0)),
            full((d, d)),
            full((d, d)),
            full(state_attr.shape),
            full(W_state.shape),
            full(lat9.shape),
            full(W_lat.shape),
            full((d, hid)),
            full((1, hid)),
            full((hid, 1)),
            full((1, 1)),
        ],
        out_specs=pl.BlockSpec((1, 1), lambda i: (0, 0)),
        out_shape=jax.ShapeDtypeStruct((1, 1), jnp.float32),
        scratch_shapes=[pltpu.VMEM((1, d), jnp.float32)],
    )(parts, h, W_msg, W_upd, state_attr, W_state, lat9, W_lat, W1, b1, W2, b2)



def kernel(node_feat, edge_index, lattice, state_attr, W_in, W_msg, W_upd,
           W_state, W_lat, W1, b1, W2, b2):
    n, d_in = node_feat.shape
    d = W_in.shape[1]
    e = edge_index.shape[1]

    nc, ns = _sc_geometry()
    nw = nc * ns
    chunk = 128
    quantum = nw * chunk * 2 * _GROUP
    e_pad = -(-e // quantum) * quantum
    per_w = e_pad // nw
    chunks = per_w // chunk
    n_pad = -(-(n + 1) // 128) * 128

    src = edge_index[0]
    dst = edge_index[1]
    src3 = jnp.concatenate(
        [src, jnp.zeros((e_pad - e,), jnp.int32)]).reshape(nw, 1, chunks, chunk)
    dst3 = jnp.concatenate(
        [dst, jnp.full((e_pad - e,), n, jnp.int32)]).reshape(nw, 1, chunks, chunk)
    sd3 = jnp.concatenate([src3, dst3], axis=1)
    zeros_pad = jnp.zeros((n_pad, d), jnp.bfloat16)

    h, h_bf = _project(node_feat, W_in, block_rows=2000)
    parts = _sc_aggregate(h_bf, sd3, zeros_pad, n_pad, chunks, chunk)

    out = _tail(parts, h, W_msg, W_upd, state_attr, W_state,
                lattice.reshape(1, 9), W_lat, W1,
                b1.reshape(1, -1), W2, b2.reshape(1, 1), block_rows=2000)
    return out.reshape(1)

# --- scband reference (transcript-rebuilt; emitter-appended) ---
"""Pipeline reference for scband-m3-gnet-voltage-predictor-55224689492320 (READ-ONLY COPY).

The authoritative reference and input builder live on the scoring server;
editing this copy changes nothing except your own understanding.
"""

import jax, jax.numpy as jnp
import numpy as np

N = 10000
E = 320000
D_IN = 128
D = 64
HID = 64


def setup_inputs(seed: int = 0) -> dict:
    key = jax.random.key(seed)
    ks = jax.random.split(key, 13)
    node_feat = jax.random.normal(ks[0], (N, D_IN), dtype=jnp.float32)
    edge_index = jax.random.randint(ks[1], (2, E), 0, N, dtype=jnp.int32)
    lattice = jax.random.normal(ks[2], (1, 3, 3), dtype=jnp.float32)
    state_attr = jax.random.normal(ks[3], (1, 2), dtype=jnp.float32)
    # backbone stand-in parameters (one message-passing round + graph readout)
    W_in = jax.random.normal(ks[4], (D_IN, D), dtype=jnp.float32) * (1.0 / np.sqrt(D_IN))
    W_msg = jax.random.normal(ks[5], (D, D), dtype=jnp.float32) * (1.0 / np.sqrt(D))
    W_upd = jax.random.normal(ks[6], (D, D), dtype=jnp.float32) * (1.0 / np.sqrt(D))
    W_state = jax.random.normal(ks[7], (2, D), dtype=jnp.float32) * 0.1
    W_lat = jax.random.normal(ks[8], (9, D), dtype=jnp.float32) * 0.1
    # regression head parameters
    W1 = jax.random.normal(ks[9], (D, HID), dtype=jnp.float32) * (1.0 / np.sqrt(D))
    b1 = jnp.zeros((HID,), dtype=jnp.float32)
    W2 = jax.random.normal(ks[10], (HID, 1), dtype=jnp.float32) * (1.0 / np.sqrt(HID))
    b2 = jnp.zeros((1,), dtype=jnp.float32)
    return {"node_feat": node_feat, "edge_index": edge_index, "lattice": lattice,
            "state_attr": state_attr, "W_in": W_in, "W_msg": W_msg, "W_upd": W_upd,
            "W_state": W_state, "W_lat": W_lat, "W1": W1, "b1": b1, "W2": W2, "b2": b2}


def reference(node_feat, edge_index, lattice, state_attr, W_in, W_msg, W_upd,
              W_state, W_lat, W1, b1, W2, b2):
    src = edge_index[0]
    dst = edge_index[1]
    # backbone: project, one message-passing round (gather + scatter-add), update
    h = node_feat @ W_in
    msg = jnp.take(h, src, axis=0) @ W_msg
    agg = jax.ops.segment_sum(msg, dst, num_segments=node_feat.shape[0])
    h2 = jax.nn.silu(h @ W_upd + agg)
    # graph-level readout + lattice/state conditioning
    g = jnp.mean(h2, axis=0, keepdims=True)
    g = g + state_attr @ W_state + lattice.reshape(1, 9) @ W_lat
    # regression head: Linear -> SiLU -> Linear, squeeze(-1)
    hid = jax.nn.silu(g @ W1 + b1)
    out = (hid @ W2 + b2).squeeze(-1)
    return out

if __name__ == "__main__":
    import jax
    _d = setup_inputs()
    print(jax.jit(kernel)(*tuple(_d.values())))

</pallas_src>

<mosaic_0001>
#map = affine_map<(d0, d1) -> (0, 0)>
#map1 = affine_map<(d0, d1) -> (0, 0, 0, 0)>
#map2 = affine_map<(d0, d1) -> (0, 0, 0)>
module attributes {stable_mosaic.version = 14 : i64} {
  func.func @agg_kernel(%arg0: i32, %arg1: i32, %arg2: memref<10000x64xbf16, #tpu.memory_space<hbm>>, %arg3: memref<32x2x80x128xi32, #tpu.memory_space<hbm>>, %arg4: memref<10112x64xbf16, #tpu.memory_space<hbm>>, %arg5: memref<2x10112x64xbf16, #tpu.memory_space<hbm>>, %arg6: memref<2x80x128xi32, #tpu.memory_space<vmem>>, %arg7: memref<2x8x128x64xbf16, #tpu.memory_space<vmem>>, %arg8: memref<10112x64xbf16, #tpu.memory_space<vmem_shared>>, %arg9: memref<10000x64xbf16, #tpu.memory_space<vmem_shared>>, %arg10: memref<!tpu.dma_semaphore, #tpu.memory_space<semaphore_mem>>, %arg11: memref<!tpu.dma_semaphore, #tpu.memory_space<semaphore_mem>>) attributes {dimension_semantics = [#tpu.dimension_semantics<core_parallel>, #tpu.dimension_semantics<subcore_parallel>], iteration_bounds = array<i64: 2, 16>, scalar_prefetch = 0 : i64, scratch_operands = 6 : i64, tpu.core_type = #tpu.core_type<sc_vector_subcore>, window_params = [{transform_indices = #map}, {transform_indices = #map1}, {transform_indices = #map}, {transform_indices = #map2}]} {
    %mul3A = arith.constant 16 : i32
    %mul3A_0 = arith.muli %arg0, %mul3A : i32
    %add3A = arith.addi %mul3A_0, %arg1 : i32
    "tpu.region"() ({
      %run_scoped3A = tpu.sem_alloc : memref<!tpu.dma_semaphore, #tpu.memory_space<semaphore_mem>>
      %dma_start3A_300 = arith.constant 0 : i32
      %dma_start3A_301 = arith.constant 0 : i32
      %dma_start3A_302 = arith.constant 0 : i32
      %dma_start3A_303 = tpu.memref_slice %arg3[%add3A, %dma_start3A_300, %dma_start3A_301, %dma_start3A_302] : memref<32x2x80x128xi32, #tpu.memory_space<hbm>> -> memref<1x2x80x128xi32, #tpu.memory_space<hbm>>
      %dma_start3A_304 = tpu.memref_squeeze %dma_start3A_303 : memref<1x2x80x128xi32, #tpu.memory_space<hbm>> -> memref<2x80x128xi32, #tpu.memory_space<hbm>>
      %dma_start3A_305 = arith.constant 0 : i32
      %dma_start3A_306 = arith.constant 0 : i32
      %dma_start3A_307 = arith.constant 0 : i32
      %dma_start3A_308 = tpu.memref_slice %arg3[%add3A, %dma_start3A_305, %dma_start3A_306, %dma_start3A_307] : memref<32x2x80x128xi32, #tpu.memory_space<hbm>> -> memref<1x2x80x128xi32, #tpu.memory_space<hbm>>
      %dma_start3A_309 = tpu.memref_squeeze %dma_start3A_308 : memref<1x2x80x128xi32, #tpu.memory_space<hbm>> -> memref<2x80x128xi32, #tpu.memory_space<hbm>>
      tpu.enqueue_dma source(%dma_start3A_309 : memref<2x80x128xi32, #tpu.memory_space<hbm>>) target(%arg6 : memref<2x80x128xi32, #tpu.memory_space<vmem>>) target_semaphore(%run_scoped3A : memref<!tpu.dma_semaphore, #tpu.memory_space<semaphore_mem>>)
      %dma_wait3A_310 = arith.constant 0 : i32
      %dma_wait3A_311 = arith.constant 0 : i32
      %dma_wait3A_312 = arith.constant 0 : i32
      %dma_wait3A_313 = tpu.memref_slice %arg3[%add3A, %dma_wait3A_310, %dma_wait3A_311, %dma_wait3A_312] : memref<32x2x80x128xi32, #tpu.memory_space<hbm>> -> memref<1x2x80x128xi32, #tpu.memory_space<hbm>>
      %dma_wait3A_314 = tpu.memref_squeeze %dma_wait3A_313 : memref<1x2x80x128xi32, #tpu.memory_space<hbm>> -> memref<2x80x128xi32, #tpu.memory_space<hbm>>
      %dma_wait3A_315 = arith.constant 0 : i32
      %dma_wait3A_316 = arith.constant 0 : i32
      %dma_wait3A_317 = arith.constant 0 : i32
      %dma_wait3A_318 = tpu.memref_slice %arg3[%add3A, %dma_wait3A_315, %dma_wait3A_316, %dma_wait3A_317] : memref<32x2x80x128xi32, #tpu.memory_space<hbm>> -> memref<1x2x80x128xi32, #tpu.memory_space<hbm>>
      %dma_wait3A_319 = tpu.memref_squeeze %dma_wait3A_318 : memref<1x2x80x128xi32, #tpu.memory_space<hbm>> -> memref<2x80x128xi32, #tpu.memory_space<hbm>>
      tpu.wait_dma2 semaphore(%run_scoped3A : memref<!tpu.dma_semaphore, #tpu.memory_space<semaphore_mem>>) src(%dma_wait3A_319 : memref<2x80x128xi32, #tpu.memory_space<hbm>>) dst(%arg6 : memref<2x80x128xi32, #tpu.memory_space<vmem>>)
      tpu.yield
    }) : () -> ()
    %mul3A_1 = arith.constant 632 : i32
    %mul3A_2 = arith.muli %arg1, %mul3A_1 : i32
    %mul3A_3 = arith.constant 625 : i32
    %mul3A_4 = arith.muli %arg1, %mul3A_3 : i32
    %mul3A_5 = arith.constant 625 : i32
    %mul3A_6 = arith.muli %arg1, %mul3A_5 : i32
    "tpu.region"() ({
      %run_scoped3A = tpu.sem_alloc : memref<!tpu.dma_semaphore, #tpu.memory_space<semaphore_mem>>
      %dma_start3A_300 = arith.constant 0 : i32
      %dma_start3A_301 = tpu.memref_slice %arg9[%mul3A_6, %dma_start3A_300] : memref<10000x64xbf16, #tpu.memory_space<vmem_shared>> -> memref<625x64xbf16, #tpu.memory_space<vmem_shared>>
      %dma_start3A_302 = arith.constant 0 : i32
      %dma_start3A_303 = tpu.memref_slice %arg2[%mul3A_4, %dma_start3A_302] : memref<10000x64xbf16, #tpu.memory_space<hbm>> -> memref<625x64xbf16, #tpu.memory_space<hbm>>
      tpu.enqueue_dma source(%dma_start3A_303 : memref<625x64xbf16, #tpu.memory_space<hbm>>) target(%dma_start3A_301 : memref<625x64xbf16, #tpu.memory_space<vmem_shared>>) target_semaphore(%run_scoped3A : memref<!tpu.dma_semaphore, #tpu.memory_space<semaphore_mem>>)
      %dma_wait3A_304 = arith.constant 0 : i32
      %dma_wait3A_305 = tpu.memref_slice %arg9[%mul3A_6, %dma_wait3A_304] : memref<10000x64xbf16, #tpu.memory_space<vmem_shared>> -> memref<625x64xbf16, #tpu.memory_space<vmem_shared>>
      %dma_wait3A_306 = arith.constant 0 : i32
      %dma_wait3A_307 = tpu.memref_slice %arg2[%mul3A_4, %dma_wait3A_306] : memref<10000x64xbf16, #tpu.memory_space<hbm>> -> memref<625x64xbf16, #tpu.memory_space<hbm>>
      tpu.wait_dma2 semaphore(%run_scoped3A : memref<!tpu.dma_semaphore, #tpu.memory_space<semaphore_mem>>) src(%dma_wait3A_307 : memref<625x64xbf16, #tpu.memory_space<hbm>>) dst(%dma_wait3A_305 : memref<625x64xbf16, #tpu.memory_space<vmem_shared>>)
      tpu.yield
    }) : () -> ()
    "tpu.region"() ({
      %run_scoped3A = tpu.sem_alloc : memref<!tpu.dma_semaphore, #tpu.memory_space<semaphore_mem>>
      %dma_start3A_300 = arith.constant 0 : i32
      %dma_start3A_301 = tpu.memref_slice %arg8[%mul3A_2, %dma_start3A_300] : memref<10112x64xbf16, #tpu.memory_space<vmem_shared>> -> memref<632x64xbf16, #tpu.memory_space<vmem_shared>>
      %dma_start3A_302 = arith.constant 0 : i32
      %dma_start3A_303 = tpu.memref_slice %arg4[%mul3A_2, %dma_start3A_302] : memref<10112x64xbf16, #tpu.memory_space<hbm>> -> memref<632x64xbf16, #tpu.memory_space<hbm>>
      tpu.enqueue_dma source(%dma_start3A_303 : memref<632x64xbf16, #tpu.memory_space<hbm>>) target(%dma_start3A_301 : memref<632x64xbf16, #tpu.memory_space<vmem_shared>>) target_semaphore(%run_scoped3A : memref<!tpu.dma_semaphore, #tpu.memory_space<semaphore_mem>>)
      %dma_wait3A_304 = arith.constant 0 : i32
      %dma_wait3A_305 = tpu.memref_slice %arg8[%mul3A_2, %dma_wait3A_304] : memref<10112x64xbf16, #tpu.memory_space<vmem_shared>> -> memref<632x64xbf16, #tpu.memory_space<vmem_shared>>
      %dma_wait3A_306 = arith.constant 0 : i32
      %dma_wait3A_307 = tpu.memref_slice %arg4[%mul3A_2, %dma_wait3A_306] : memref<10112x64xbf16, #tpu.memory_space<hbm>> -> memref<632x64xbf16, #tpu.memory_space<hbm>>
      tpu.wait_dma2 semaphore(%run_scoped3A : memref<!tpu.dma_semaphore, #tpu.memory_space<semaphore_mem>>) src(%dma_wait3A_307 : memref<632x64xbf16, #tpu.memory_space<hbm>>) dst(%dma_wait3A_305 : memref<632x64xbf16, #tpu.memory_space<vmem_shared>>)
      tpu.yield
    }) : () -> ()
    %barrier3A = arith.constant 0 : index
    tpu.barrier barrier_id(%barrier3A)
    %dma_start3A = arith.constant 0 : i32
    %dma_start3A_7 = arith.constant 0 : i32
    %dma_start3A_8 = arith.constant 0 : i32
    %dma_start3A_9 = arith.constant 0 : i32
    %dma_start3A_10 = arith.constant 0 : i32
    %dma_start3A_11 = arith.constant 0 : i32
    %dma_start3A_12 = tpu.memref_slice %arg7[%dma_start3A_8, %dma_start3A_9, %dma_start3A_10, %dma_start3A_11] : memref<2x8x128x64xbf16, #tpu.memory_space<vmem>> -> memref<1x1x128x64xbf16, #tpu.memory_space<vmem>>
    %dma_start3A_13 = tpu.memref_squeeze %dma_start3A_12 : memref<1x1x128x64xbf16, #tpu.memory_space<vmem>> -> memref<128x64xbf16, #tpu.memory_space<vmem>>
    %dma_start3A_14 = arith.constant 0 : i32
    %dma_start3A_15 = arith.constant 0 : i32
    %dma_start3A_16 = tpu.memref_slice %arg6[%dma_start3A, %dma_start3A_14, %dma_start3A_15] : memref<2x80x128xi32, #tpu.memory_space<vmem>> -> memref<1x80x128xi32, #tpu.memory_space<vmem>>
    %dma_start3A_17 = tpu.memref_squeeze %dma_start3A_16 : memref<1x80x128xi32, #tpu.memory_space<vmem>> -> memref<80x128xi32, #tpu.memory_space<vmem>>
    %dma_start3A_18 = arith.constant 0 : i32
    %dma_start3A_19 = tpu.memref_slice %dma_start3A_17[%dma_start3A_7, %dma_start3A_18] : memref<80x128xi32, #tpu.memory_space<vmem>> -> memref<1x128xi32, #tpu.memory_space<vmem>>
    %dma_start3A_20 = tpu.memref_squeeze %dma_start3A_19 : memref<1x128xi32, #tpu.memory_space<vmem>> -> memref<128xi32, #tpu.memory_space<vmem>>
    %dma_start3A_21 = arith.constant 0 : i32
    %dma_start3A_22 = arith.constant 0 : i32
    %dma_start3A_23 = tpu.memref_slice %arg9[%dma_start3A_21, %dma_start3A_22] : memref<10000x64xbf16, #tpu.memory_space<vmem_shared>> -> memref<10000x64xbf16, #tpu.memory_space<vmem_shared>>
    tpu.enqueue_indirect_dma source(%dma_start3A_23 : memref<10000x64xbf16, #tpu.memory_space<vmem_shared>>) target(%dma_start3A_13 : memref<128x64xbf16, #tpu.memory_space<vmem>>) offsets(%dma_start3A_20 : memref<128xi32, #tpu.memory_space<vmem>>) semaphore(%arg10 : memref<!tpu.dma_semaphore, #tpu.memory_space<semaphore_mem>>)
    %dma_start3A_24 = arith.constant 0 : i32
    %dma_start3A_25 = arith.constant 1 : i32
    %dma_start3A_26 = arith.constant 0 : i32
    %dma_start3A_27 = arith.constant 1 : i32
    %dma_start3A_28 = arith.constant 0 : i32
    %dma_start3A_29 = arith.constant 0 : i32
    %dma_start3A_30 = tpu.memref_slice %arg7[%dma_start3A_26, %dma_start3A_27, %dma_start3A_28, %dma_start3A_29] : memref<2x8x128x64xbf16, #tpu.memory_space<vmem>> -> memref<1x1x128x64xbf16, #tpu.memory_space<vmem>>
    %dma_start3A_31 = tpu.memref_squeeze %dma_start3A_30 : memref<1x1x128x64xbf16, #tpu.memory_space<vmem>> -> memref<128x64xbf16, #tpu.memory_space<vmem>>
    %dma_start3A_32 = arith.constant 0 : i32
    %dma_start3A_33 = arith.constant 0 : i32
    %dma_start3A_34 = tpu.memref_slice %arg6[%dma_start3A_24, %dma_start3A_32, %dma_start3A_33] : memref<2x80x128xi32, #tpu.memory_space<vmem>> -> memref<1x80x128xi32, #tpu.memory_space<vmem>>
    %dma_start3A_35 = tpu.memref_squeeze %dma_start3A_34 : memref<1x80x128xi32, #tpu.memory_space<vmem>> -> memref<80x128xi32, #tpu.memory_space<vmem>>
    %dma_start3A_36 = arith.constant 0 : i32
    %dma_start3A_37 = tpu.memref_slice %dma_start3A_35[%dma_start3A_25, %dma_start3A_36] : memref<80x128xi32, #tpu.memory_space<vmem>> -> memref<1x128xi32, #tpu.memory_space<vmem>>
    %dma_start3A_38 = tpu.memref_squeeze %dma_start3A_37 : memref<1x128xi32, #tpu.memory_space<vmem>> -> memref<128xi32, #tpu.memory_space<vmem>>
    %dma_start3A_39 = arith.constant 0 : i32
    %dma_start3A_40 = arith.constant 0 : i32
    %dma_start3A_41 = tpu.memref_slice %arg9[%dma_start3A_39, %dma_start3A_40] : memref<10000x64xbf16, #tpu.memory_space<vmem_shared>> -> memref<10000x64xbf16, #tpu.memory_space<vmem_shared>>
    tpu.enqueue_indirect_dma source(%dma_start3A_41 : memref<10000x64xbf16, #tpu.memory_space<vmem_shared>>) target(%dma_start3A_31 : memref<128x64xbf16, #tpu.memory_space<vmem>>) offsets(%dma_start3A_38 : memref<128xi32, #tpu.memory_space<vmem>>) semaphore(%arg10 : memref<!tpu.dma_semaphore, #tpu.memory_space<semaphore_mem>>)
    %dma_start3A_42 = arith.constant 0 : i32
    %dma_start3A_43 = arith.constant 2 : i32
    %dma_start3A_44 = arith.constant 0 : i32
    %dma_start3A_45 = arith.constant 2 : i32
    %dma_start3A_46 = arith.constant 0 : i32
    %dma_start3A_47 = arith.constant 0 : i32
    %dma_start3A_48 = tpu.memref_slice %arg7[%dma_start3A_44, %dma_start3A_45, %dma_start3A_46, %dma_start3A_47] : memref<2x8x128x64xbf16, #tpu.memory_space<vmem>> -> memref<1x1x128x64xbf16, #tpu.memory_space<vmem>>
    %dma_start3A_49 = tpu.memref_squeeze %dma_start3A_48 : memref<1x1x128x64xbf16, #tpu.memory_space<vmem>> -> memref<128x64xbf16, #tpu.memory_space<vmem>>
    %dma_start3A_50 = arith.constant 0 : i32
    %dma_start3A_51 = arith.constant 0 : i32
    %dma_start3A_52 = tpu.memref_slice %arg6[%dma_start3A_42, %dma_start3A_50, %dma_start3A_51] : memref<2x80x128xi32, #tpu.memory_space<vmem>> -> memref<1x80x128xi32, #tpu.memory_space<vmem>>
    %dma_start3A_53 = tpu.memref_squeeze %dma_start3A_52 : memref<1x80x128xi32, #tpu.memory_space<vmem>> -> memref<80x128xi32, #tpu.memory_space<vmem>>
    %dma_start3A_54 = arith.constant 0 : i32
    %dma_start3A_55 = tpu.memref_slice %dma_start3A_53[%dma_start3A_43, %dma_start3A_54] : memref<80x128xi32, #tpu.memory_space<vmem>> -> memref<1x128xi32, #tpu.memory_space<vmem>>
    %dma_start3A_56 = tpu.memref_squeeze %dma_start3A_55 : memref<1x128xi32, #tpu.memory_space<vmem>> -> memref<128xi32, #tpu.memory_space<vmem>>
    %dma_start3A_57 = arith.constant 0 : i32
    %dma_start3A_58 = arith.constant 0 : i32
    %dma_start3A_59 = tpu.memref_slice %arg9[%dma_start3A_57, %dma_start3A_58] : memref<10000x64xbf16, #tpu.memory_space<vmem_shared>> -> memref<10000x64xbf16, #tpu.memory_space<vmem_shared>>
    tpu.enqueue_indirect_dma source(%dma_start3A_59 : memref<10000x64xbf16, #tpu.memory_space<vmem_shared>>) target(%dma_start3A_49 : memref<128x64xbf16, #tpu.memory_space<vmem>>) offsets(%dma_start3A_56 : memref<128xi32, #tpu.memory_space<vmem>>) semaphore(%arg10 : memref<!tpu.dma_semaphore, #tpu.memory_space<semaphore_mem>>)
    %dma_start3A_60 = arith.constant 0 : i32
    %dma_start3A_61 = arith.constant 3 : i32
    %dma_start3A_62 = arith.constant 0 : i32
    %dma_start3A_63 = arith.constant 3 : i32
    %dma_start3A_64 = arith.constant 0 : i32
    %dma_start3A_65 = arith.constant 0 : i32
    %dma_start3A_66 = tpu.memref_slice %arg7[%dma_start3A_62, %dma_start3A_63, %dma_start3A_64, %dma_start3A_65] : memref<2x8x128x64xbf16, #tpu.memory_space<vmem>> -> memref<1x1x128x64xbf16, #tpu.memory_space<vmem>>
    %dma_start3A_67 = tpu.memref_squeeze %dma_start3A_66 : memref<1x1x128x64xbf16, #tpu.memory_space<vmem>> -> memref<128x64xbf16, #tpu.memory_space<vmem>>
    %dma_start3A_68 = arith.constant 0 : i32
    %dma_start3A_69 = arith.constant 0 : i32
    %dma_start3A_70 = tpu.memref_slice %arg6[%dma_start3A_60, %dma_start3A_68, %dma_start3A_69] : memref<2x80x128xi32, #tpu.memory_space<vmem>> -> memref<1x80x128xi32, #tpu.memory_space<vmem>>
    %dma_start3A_71 = tpu.memref_squeeze %dma_start3A_70 : memref<1x80x128xi32, #tpu.memory_space<vmem>> -> memref<80x128xi32, #tpu.memory_space<vmem>>
    %dma_start3A_72 = arith.constant 0 : i32
    %dma_start3A_73 = tpu.memref_slice %dma_start3A_71[%dma_start3A_61, %dma_start3A_72] : memref<80x128xi32, #tpu.memory_space<vmem>> -> memref<1x128xi32, #tpu.memory_space<vmem>>
    %dma_start3A_74 = tpu.memref_squeeze %dma_start3A_73 : memref<1x128xi32, #tpu.memory_space<vmem>> -> memref<128xi32, #tpu.memory_space<vmem>>
    %dma_start3A_75 = arith.constant 0 : i32
    %dma_start3A_76 = arith.constant 0 : i32
    %dma_start3A_77 = tpu.memref_slice %arg9[%dma_start3A_75, %dma_start3A_76] : memref<10000x64xbf16, #tpu.memory_space<vmem_shared>> -> memref<10000x64xbf16, #tpu.memory_space<vmem_shared>>
    tpu.enqueue_indirect_dma source(%dma_start3A_77 : memref<10000x64xbf16, #tpu.memory_space<vmem_shared>>) target(%dma_start3A_67 : memref<128x64xbf16, #tpu.memory_space<vmem>>) offsets(%dma_start3A_74 : memref<128xi32, #tpu.memory_space<vmem>>) semaphore(%arg10 : memref<!tpu.dma_semaphore, #tpu.memory_space<semaphore_mem>>)
    %dma_start3A_78 = arith.constant 0 : i32
    %dma_start3A_79 = arith.constant 4 : i32
    %dma_start3A_80 = arith.constant 0 : i32
    %dma_start3A_81 = arith.constant 4 : i32
    %dma_start3A_82 = arith.constant 0 : i32
    %dma_start3A_83 = arith.constant 0 : i32
    %dma_start3A_84 = tpu.memref_slice %arg7[%dma_start3A_80, %dma_start3A_81, %dma_start3A_82, %dma_start3A_83] : memref<2x8x128x64xbf16, #tpu.memory_space<vmem>> -> memref<1x1x128x64xbf16, #tpu.memory_space<vmem>>
    %dma_start3A_85 = tpu.memref_squeeze %dma_start3A_84 : memref<1x1x128x64xbf16, #tpu.memory_space<vmem>> -> memref<128x64xbf16, #tpu.memory_space<vmem>>
    %dma_start3A_86 = arith.constant 0 : i32
    %dma_start3A_87 = arith.constant 0 : i32
    %dma_start3A_88 = tpu.memref_slice %arg6[%dma_start3A_78, %dma_start3A_86, %dma_start3A_87] : memref<2x80x128xi32, #tpu.memory_space<vmem>> -> memref<1x80x128xi32, #tpu.memory_space<vmem>>
    %dma_start3A_89 = tpu.memref_squeeze %dma_start3A_88 : memref<1x80x128xi32, #tpu.memory_space<vmem>> -> memref<80x128xi32, #tpu.memory_space<vmem>>
    %dma_start3A_90 = arith.constant 0 : i32
    %dma_start3A_91 = tpu.memref_slice %dma_start3A_89[%dma_start3A_79, %dma_start3A_90] : memref<80x128xi32, #tpu.memory_space<vmem>> -> memref<1x128xi32, #tpu.memory_space<vmem>>
    %dma_start3A_92 = tpu.memref_squeeze %dma_start3A_91 : memref<1x128xi32, #tpu.memory_space<vmem>> -> memref<128xi32, #tpu.memory_space<vmem>>
    %dma_start3A_93 = arith.constant 0 : i32
    %dma_start3A_94 = arith.constant 0 : i32
    %dma_start3A_95 = tpu.memref_slice %arg9[%dma_start3A_93, %dma_start3A_94] : memref<10000x64xbf16, #tpu.memory_space<vmem_shared>> -> memref<10000x64xbf16, #tpu.memory_space<vmem_shared>>
    tpu.enqueue_indirect_dma source(%dma_start3A_95 : memref<10000x64xbf16, #tpu.memory_space<vmem_shared>>) target(%dma_start3A_85 : memref<128x64xbf16, #tpu.memory_space<vmem>>) offsets(%dma_start3A_92 : memref<128xi32, #tpu.memory_space<vmem>>) semaphore(%arg10 : memref<!tpu.dma_semaphore, #tpu.memory_space<semaphore_mem>>)
    %dma_start3A_96 = arith.constant 0 : i32
    %dma_start3A_97 = arith.constant 5 : i32
    %dma_start3A_98 = arith.constant 0 : i32
    %dma_start3A_99 = arith.constant 5 : i32
    %dma_start3A_100 = arith.constant 0 : i32
    %dma_start3A_101 = arith.constant 0 : i32
    %dma_start3A_102 = tpu.memref_slice %arg7[%dma_start3A_98, %dma_start3A_99, %dma_start3A_100, %dma_start3A_101] : memref<2x8x128x64xbf16, #tpu.memory_space<vmem>> -> memref<1x1x128x64xbf16, #tpu.memory_space<vmem>>
    %dma_start3A_103 = tpu.memref_squeeze %dma_start3A_102 : memref<1x1x128x64xbf16, #tpu.memory_space<vmem>> -> memref<128x64xbf16, #tpu.memory_space<vmem>>
    %dma_start3A_104 = arith.constant 0 : i32
    %dma_start3A_105 = arith.constant 0 : i32
    %dma_start3A_106 = tpu.memref_slice %arg6[%dma_start3A_96, %dma_start3A_104, %dma_start3A_105] : memref<2x80x128xi32, #tpu.memory_space<vmem>> -> memref<1x80x128xi32, #tpu.memory_space<vmem>>
    %dma_start3A_107 = tpu.memref_squeeze %dma_start3A_106 : memref<1x80x128xi32, #tpu.memory_space<vmem>> -> memref<80x128xi32, #tpu.memory_space<vmem>>
    %dma_start3A_108 = arith.constant 0 : i32
    %dma_start3A_109 = tpu.memref_slice %dma_start3A_107[%dma_start3A_97, %dma_start3A_108] : memref<80x128xi32, #tpu.memory_space<vmem>> -> memref<1x128xi32, #tpu.memory_space<vmem>>
    %dma_start3A_110 = tpu.memref_squeeze %dma_start3A_109 : memref<1x128xi32, #tpu.memory_space<vmem>> -> memref<128xi32, #tpu.memory_space<vmem>>
    %dma_start3A_111 = arith.constant 0 : i32
    %dma_start3A_112 = arith.constant 0 : i32
    %dma_start3A_113 = tpu.memref_slice %arg9[%dma_start3A_111, %dma_start3A_112] : memref<10000x64xbf16, #tpu.memory_space<vmem_shared>> -> memref<10000x64xbf16, #tpu.memory_space<vmem_shared>>
    tpu.enqueue_indirect_dma source(%dma_start3A_113 : memref<10000x64xbf16, #tpu.memory_space<vmem_shared>>) target(%dma_start3A_103 : memref<128x64xbf16, #tpu.memory_space<vmem>>) offsets(%dma_start3A_110 : memref<128xi32, #tpu.memory_space<vmem>>) semaphore(%arg10 : memref<!tpu.dma_semaphore, #tpu.memory_space<semaphore_mem>>)
    %dma_start3A_114 = arith.constant 0 : i32
    %dma_start3A_115 = arith.constant 6 : i32
    %dma_start3A_116 = arith.constant 0 : i32
    %dma_start3A_117 = arith.constant 6 : i32
    %dma_start3A_118 = arith.constant 0 : i32
    %dma_start3A_119 = arith.constant 0 : i32
    %dma_start3A_120 = tpu.memref_slice %arg7[%dma_start3A_116, %dma_start3A_117, %dma_start3A_118, %dma_start3A_119] : memref<2x8x128x64xbf16, #tpu.memory_space<vmem>> -> memref<1x1x128x64xbf16, #tpu.memory_space<vmem>>
    %dma_start3A_121 = tpu.memref_squeeze %dma_start3A_120 : memref<1x1x128x64xbf16, #tpu.memory_space<vmem>> -> memref<128x64xbf16, #tpu.memory_space<vmem>>
    %dma_start3A_122 = arith.constant 0 : i32
    %dma_start3A_123 = arith.constant 0 : i32
    %dma_start3A_124 = tpu.memref_slice %arg6[%dma_start3A_114, %dma_start3A_122, %dma_start3A_123] : memref<2x80x128xi32, #tpu.memory_space<vmem>> -> memref<1x80x128xi32, #tpu.memory_space<vmem>>
    %dma_start3A_125 = tpu.memref_squeeze %dma_start3A_124 : memref<1x80x128xi32, #tpu.memory_space<vmem>> -> memref<80x128xi32, #tpu.memory_space<vmem>>
    %dma_start3A_126 = arith.constant 0 : i32
    %dma_start3A_127 = tpu.memref_slice %dma_start3A_125[%dma_start3A_115, %dma_start3A_126] : memref<80x128xi32, #tpu.memory_space<vmem>> -> memref<1x128xi32, #tpu.memory_space<vmem>>
    %dma_start3A_128 = tpu.memref_squeeze %dma_start3A_127 : memref<1x128xi32, #tpu.memory_space<vmem>> -> memref<128xi32, #tpu.memory_space<vmem>>
    %dma_start3A_129 = arith.constant 0 : i32
    %dma_start3A_130 = arith.constant 0 : i32
    %dma_start3A_131 = tpu.memref_slice %arg9[%dma_start3A_129, %dma_start3A_130] : memref<10000x64xbf16, #tpu.memory_space<vmem_shared>> -> memref<10000x64xbf16, #tpu.memory_space<vmem_shared>>
    tpu.enqueue_indirect_dma source(%dma_start3A_131 : memref<10000x64xbf16, #tpu.memory_space<vmem_shared>>) target(%dma_start3A_121 : memref<128x64xbf16, #tpu.memory_space<vmem>>) offsets(%dma_start3A_128 : memref<128xi32, #tpu.memory_space<vmem>>) semaphore(%arg10 : memref<!tpu.dma_semaphore, #tpu.memory_space<semaphore_mem>>)
    %dma_start3A_132 = arith.constant 0 : i32
    %dma_start3A_133 = arith.constant 7 : i32
    %dma_start3A_134 = arith.constant 0 : i32
    %dma_start3A_135 = arith.constant 7 : i32
    %dma_start3A_136 = arith.constant 0 : i32
    %dma_start3A_137 = arith.constant 0 : i32
    %dma_start3A_138 = tpu.memref_slice %arg7[%dma_start3A_134, %dma_start3A_135, %dma_start3A_136, %dma_start3A_137] : memref<2x8x128x64xbf16, #tpu.memory_space<vmem>> -> memref<1x1x128x64xbf16, #tpu.memory_space<vmem>>
    %dma_start3A_139 = tpu.memref_squeeze %dma_start3A_138 : memref<1x1x128x64xbf16, #tpu.memory_space<vmem>> -> memref<128x64xbf16, #tpu.memory_space<vmem>>
    %dma_start3A_140 = arith.constant 0 : i32
    %dma_start3A_141 = arith.constant 0 : i32
    %dma_start3A_142 = tpu.memref_slice %arg6[%dma_start3A_132, %dma_start3A_140, %dma_start3A_141] : memref<2x80x128xi32, #tpu.memory_space<vmem>> -> memref<1x80x128xi32, #tpu.memory_space<vmem>>
    %dma_start3A_143 = tpu.memref_squeeze %dma_start3A_142 : memref<1x80x128xi32, #tpu.memory_space<vmem>> -> memref<80x128xi32, #tpu.memory_space<vmem>>
    %dma_start3A_144 = arith.constant 0 : i32
    %dma_start3A_145 = tpu.memref_slice %dma_start3A_143[%dma_start3A_133, %dma_start3A_144] : memref<80x128xi32, #tpu.memory_space<vmem>> -> memref<1x128xi32, #tpu.memory_space<vmem>>
    %dma_start3A_146 = tpu.memref_squeeze %dma_start3A_145 : memref<1x128xi32, #tpu.memory_space<vmem>> -> memref<128xi32, #tpu.memory_space<vmem>>
    %dma_start3A_147 = arith.constant 0 : i32
    %dma_start3A_148 = arith.constant 0 : i32
    %dma_start3A_149 = tpu.memref_slice %arg9[%dma_start3A_147, %dma_start3A_148] : memref<10000x64xbf16, #tpu.memory_space<vmem_shared>> -> memref<10000x64xbf16, #tpu.memory_space<vmem_shared>>
    tpu.enqueue_indirect_dma source(%dma_start3A_149 : memref<10000x64xbf16, #tpu.memory_space<vmem_shared>>) target(%dma_start3A_139 : memref<128x64xbf16, #tpu.memory_space<vmem>>) offsets(%dma_start3A_146 : memref<128xi32, #tpu.memory_space<vmem>>) semaphore(%arg10 : memref<!tpu.dma_semaphore, #tpu.memory_space<semaphore_mem>>)
    %scan3A = arith.constant 0 : i32
    %scan3A_150 = arith.constant 1 : i32
    %scan3A_151 = arith.constant 0 : i32
    %scan3A_152 = arith.constant 5 : i32
    %scan3A_153 = arith.addi %scan3A_151, %scan3A_152 : i32
    %scan3A_154 = arith.constant 1 : i32
    scf.for %scan3A_300 = %scan3A_151 to %scan3A_153 step %scan3A_154  : i32 {
      %mul3A_301 = arith.constant 2 : i32
      %mul3A_302 = arith.muli %mul3A_301, %scan3A_300 : i32
      %mul3A_303 = arith.constant 8 : i32
      %mul3A_304 = arith.muli %mul3A_302, %mul3A_303 : i32
      %add3A_305 = arith.constant 0 : i32
      %add3A_306 = arith.addi %mul3A_304, %add3A_305 : i32
      %dma_wait3A_307 = arith.constant 0 : i32
      %dma_wait3A_308 = arith.constant 0 : i32
      %dma_wait3A_309 = arith.constant 0 : i32
      %dma_wait3A_310 = arith.constant 0 : i32
      %dma_wait3A_311 = tpu.memref_slice %arg7[%dma_wait3A_307, %dma_wait3A_308, %dma_wait3A_309, %dma_wait3A_310] : memref<2x8x128x64xbf16, #tpu.memory_space<vmem>> -> memref<1x1x128x64xbf16, #tpu.memory_space<vmem>>
      %dma_wait3A_312 = tpu.memref_squeeze %dma_wait3A_311 : memref<1x1x128x64xbf16, #tpu.memory_space<vmem>> -> memref<128x64xbf16, #tpu.memory_space<vmem>>
      %dma_wait3A_313 = arith.constant 0 : i32
      %dma_wait3A_314 = arith.constant 0 : i32
      %dma_wait3A_315 = tpu.memref_slice %arg6[%scan3A, %dma_wait3A_313, %dma_wait3A_314] : memref<2x80x128xi32, #tpu.memory_space<vmem>> -> memref<1x80x128xi32, #tpu.memory_space<vmem>>
      %dma_wait3A_316 = tpu.memref_squeeze %dma_wait3A_315 : memref<1x80x128xi32, #tpu.memory_space<vmem>> -> memref<80x128xi32, #tpu.memory_space<vmem>>
      %dma_wait3A_317 = arith.constant 0 : i32
      %dma_wait3A_318 = tpu.memref_slice %dma_wait3A_316[%add3A_306, %dma_wait3A_317] : memref<80x128xi32, #tpu.memory_space<vmem>> -> memref<1x128xi32, #tpu.memory_space<vmem>>
      %dma_wait3A_319 = tpu.memref_squeeze %dma_wait3A_318 : memref<1x128xi32, #tpu.memory_space<vmem>> -> memref<128xi32, #tpu.memory_space<vmem>>
      %dma_wait3A_320 = arith.constant 0 : i32
      %dma_wait3A_321 = arith.constant 0 : i32
      %dma_wait3A_322 = tpu.memref_slice %arg9[%dma_wait3A_320, %dma_wait3A_321] : memref<10000x64xbf16, #tpu.memory_space<vmem_shared>> -> memref<10000x64xbf16, #tpu.memory_space<vmem_shared>>
      tpu.wait_indirect_dma semaphore(%arg10 : memref<!tpu.dma_semaphore, #tpu.memory_space<semaphore_mem>>) src(%dma_wait3A_322 : memref<10000x64xbf16, #tpu.memory_space<vmem_shared>>) dst(%dma_wait3A_312 : memref<128x64xbf16, #tpu.memory_space<vmem>>)
      %mul3A_323 = arith.constant 8 : i32
      %mul3A_324 = arith.muli %mul3A_302, %mul3A_323 : i32
      %add3A_325 = arith.constant 1 : i32
      %add3A_326 = arith.addi %mul3A_324, %add3A_325 : i32
      %dma_wait3A_327 = arith.constant 0 : i32
      %dma_wait3A_328 = arith.constant 1 : i32
      %dma_wait3A_329 = arith.constant 0 : i32
      %dma_wait3A_330 = arith.constant 0 : i32
      %dma_wait3A_331 = tpu.memref_slice %arg7[%dma_wait3A_327, %dma_wait3A_328, %dma_wait3A_329, %dma_wait3A_330] : memref<2x8x128x64xbf16, #tpu.memory_space<vmem>> -> memref<1x1x128x64xbf16, #tpu.memory_space<vmem>>
      %dma_wait3A_332 = tpu.memref_squeeze %dma_wait3A_331 : memref<1x1x128x64xbf16, #tpu.memory_space<vmem>> -> memref<128x64xbf16, #tpu.memory_space<vmem>>
      %dma_wait3A_333 = arith.constant 0 : i32
      %dma_wait3A_334 = arith.constant 0 : i32
      %dma_wait3A_335 = tpu.memref_slice %arg6[%scan3A, %dma_wait3A_333, %dma_wait3A_334] : memref<2x80x128xi32, #tpu.memory_space<vmem>> -> memref<1x80x128xi32, #tpu.memory_space<vmem>>
      %dma_wait3A_336 = tpu.memref_squeeze %dma_wait3A_335 : memref<1x80x128xi32, #tpu.memory_space<vmem>> -> memref<80x128xi32, #tpu.memory_space<vmem>>
      %dma_wait3A_337 = arith.constant 0 : i32
      %dma_wait3A_338 = tpu.memref_slice %dma_wait3A_336[%add3A_326, %dma_wait3A_337] : memref<80x128xi32, #tpu.memory_space<vmem>> -> memref<1x128xi32, #tpu.memory_space<vmem>>
      %dma_wait3A_339 = tpu.memref_squeeze %dma_wait3A_338 : memref<1x128xi32, #tpu.memory_space<vmem>> -> memref<128xi32, #tpu.memory_space<vmem>>
      %dma_wait3A_340 = arith.constant 0 : i32
      %dma_wait3A_341 = arith.constant 0 : i32
      %dma_wait3A_342 = tpu.memref_slice %arg9[%dma_wait3A_340, %dma_wait3A_341] : memref<10000x64xbf16, #tpu.memory_space<vmem_shared>> -> memref<10000x64xbf16, #tpu.memory_space<vmem_shared>>
      tpu.wait_indirect_dma semaphore(%arg10 : memref<!tpu.dma_semaphore, #tpu.memory_space<semaphore_mem>>) src(%dma_wait3A_342 : memref<10000x64xbf16, #tpu.memory_space<vmem_shared>>) dst(%dma_wait3A_332 : memref<128x64xbf16, #tpu.memory_space<vmem>>)
      %mul3A_343 = arith.constant 8 : i32
      %mul3A_344 = arith.muli %mul3A_302, %mul3A_343 : i32
      %add3A_345 = arith.constant 2 : i32
      %add3A_346 = arith.addi %mul3A_344, %add3A_345 : i32
      %dma_wait3A_347 = arith.constant 0 : i32
      %dma_wait3A_348 = arith.constant 2 : i32
      %dma_wait3A_349 = arith.constant 0 : i32
      %dma_wait3A_350 = arith.constant 0 : i32
      %dma_wait3A_351 = tpu.memref_slice %arg7[%dma_wait3A_347, %dma_wait3A_348, %dma_wait3A_349, %dma_wait3A_350] : memref<2x8x128x64xbf16, #tpu.memory_space<vmem>> -> memref<1x1x128x64xbf16, #tpu.memory_space<vmem>>
      %dma_wait3A_352 = tpu.memref_squeeze %dma_wait3A_351 : memref<1x1x128x64xbf16, #tpu.memory_space<vmem>> -> memref<128x64xbf16, #tpu.memory_space<vmem>>
      %dma_wait3A_353 = arith.constant 0 : i32
      %dma_wait3A_354 = arith.constant 0 : i32
      %dma_wait3A_355 = tpu.memref_slice %arg6[%scan3A, %dma_wait3A_353, %dma_wait3A_354] : memref<2x80x128xi32, #tpu.memory_space<vmem>> -> memref<1x80x128xi32, #tpu.memory_space<vmem>>
      %dma_wait3A_356 = tpu.memref_squeeze %dma_wait3A_355 : memref<1x80x128xi32, #tpu.memory_space<vmem>> -> memref<80x128xi32, #tpu.memory_space<vmem>>
      %dma_wait3A_357 = arith.constant 0 : i32
      %dma_wait3A_358 = tpu.memref_slice %dma_wait3A_356[%add3A_346, %dma_wait3A_357] : memref<80x128xi32, #tpu.memory_space<vmem>> -> memref<1x128xi32, #tpu.memory_space<vmem>>
      %dma_wait3A_359 = tpu.memref_squeeze %dma_wait3A_358 : memref<1x128xi32, #tpu.memory_space<vmem>> -> memref<128xi32, #tpu.memory_space<vmem>>
      %dma_wait3A_360 = arith.constant 0 : i32
      %dma_wait3A_361 = arith.constant 0 : i32
      %dma_wait3A_362 = tpu.memref_slice %arg9[%dma_wait3A_360, %dma_wait3A_361] : memref<10000x64xbf16, #tpu.memory_space<vmem_shared>> -> memref<10000x64xbf16, #tpu.memory_space<vmem_shared>>
      tpu.wait_indirect_dma semaphore(%arg10 : memref<!tpu.dma_semaphore, #tpu.memory_space<semaphore_mem>>) src(%dma_wait3A_362 : memref<10000x64xbf16, #tpu.memory_space<vmem_shared>>) dst(%dma_wait3A_352 : memref<128x64xbf16, #tpu.memory_space<vmem>>)
      %mul3A_363 = arith.constant 8 : i32
      %mul3A_364 = arith.muli %mul3A_302, %mul3A_363 : i32
      %add3A_365 = arith.constant 3 : i32
      %add3A_366 = arith.addi %mul3A_364, %add3A_365 : i32
      %dma_wait3A_367 = arith.constant 0 : i32
      %dma_wait3A_368 = arith.constant 3 : i32
      %dma_wait3A_369 = arith.constant 0 : i32
      %dma_wait3A_370 = arith.constant 0 : i32
      %dma_wait3A_371 = tpu.memref_slice %arg7[%dma_wait3A_367, %dma_wait3A_368, %dma_wait3A_369, %dma_wait3A_370] : memref<2x8x128x64xbf16, #tpu.memory_space<vmem>> -> memref<1x1x128x64xbf16, #tpu.memory_space<vmem>>
      %dma_wait3A_372 = tpu.memref_squeeze %dma_wait3A_371 : memref<1x1x128x64xbf16, #tpu.memory_space<vmem>> -> memref<128x64xbf16, #tpu.memory_space<vmem>>
      %dma_wait3A_373 = arith.constant 0 : i32
      %dma_wait3A_374 = arith.constant 0 : i32
      %dma_wait3A_375 = tpu.memref_slice %arg6[%scan3A, %dma_wait3A_373, %dma_wait3A_374] : memref<2x80x128xi32, #tpu.memory_space<vmem>> -> memref<1x80x128xi32, #tpu.memory_space<vmem>>
      %dma_wait3A_376 = tpu.memref_squeeze %dma_wait3A_375 : memref<1x80x128xi32, #tpu.memory_space<vmem>> -> memref<80x128xi32, #tpu.memory_space<vmem>>
      %dma_wait3A_377 = arith.constant 0 : i32
      %dma_wait3A_378 = tpu.memref_slice %dma_wait3A_376[%add3A_366, %dma_wait3A_377] : memref<80x128xi32, #tpu.memory_space<vmem>> -> memref<1x128xi32, #tpu.memory_space<vmem>>
      %dma_wait3A_379 = tpu.memref_squeeze %dma_wait3A_378 : memref<1x128xi32, #tpu.memory_space<vmem>> -> memref<128xi32, #tpu.memory_space<vmem>>
      %dma_wait3A_380 = arith.constant 0 : i32
      %dma_wait3A_381 = arith.constant 0 : i32
      %dma_wait3A_382 = tpu.memref_slice %arg9[%dma_wait3A_380, %dma_wait3A_381] : memref<10000x64xbf16, #tpu.memory_space<vmem_shared>> -> memref<10000x64xbf16, #tpu.memory_space<vmem_shared>>
      tpu.wait_indirect_dma semaphore(%arg10 : memref<!tpu.dma_semaphore, #tpu.memory_space<semaphore_mem>>) src(%dma_wait3A_382 : memref<10000x64xbf16, #tpu.memory_space<vmem_shared>>) dst(%dma_wait3A_372 : memref<128x64xbf16, #tpu.memory_space<vmem>>)
      %mul3A_383 = arith.constant 8 : i32
      %mul3A_384 = arith.muli %mul3A_302, %mul3A_383 : i32
      %add3A_385 = arith.constant 4 : i32
      %add3A_386 = arith.addi %mul3A_384, %add3A_385 : i32
      %dma_wait3A_387 = arith.constant 0 : i32
      %dma_wait3A_388 = arith.constant 4 : i32
      %dma_wait3A_389 = arith.constant 0 : i32
      %dma_wait3A_390 = arith.constant 0 : i32
      %dma_wait3A_391 = tpu.memref_slice %arg7[%dma_wait3A_387, %dma_wait3A_388, %dma_wait3A_389, %dma_wait3A_390] : memref<2x8x128x64xbf16, #tpu.memory_space<vmem>> -> memref<1x1x128x64xbf16, #tpu.memory_space<vmem>>
      %dma_wait3A_392 = tpu.memref_squeeze %dma_wait3A_391 : memref<1x1x128x64xbf16, #tpu.memory_space<vmem>> -> memref<128x64xbf16, #tpu.memory_space<vmem>>
      %dma_wait3A_393 = arith.constant 0 : i32
      %dma_wait3A_394 = arith.constant 0 : i32
      %dma_wait3A_395 = tpu.memref_slice %arg6[%scan3A, %dma_wait3A_393, %dma_wait3A_394] : memref<2x80x128xi32, #tpu.memory_space<vmem>> -> memref<1x80x128xi32, #tpu.memory_space<vmem>>
      %dma_wait3A_396 = tpu.memref_squeeze %dma_wait3A_395 : memref<1x80x128xi32, #tpu.memory_space<vmem>> -> memref<80x128xi32, #tpu.memory_space<vmem>>
      %dma_wait3A_397 = arith.constant 0 : i32
      %dma_wait3A_398 = tpu.memref_slice %dma_wait3A_396[%add3A_386, %dma_wait3A_397] : memref<80x128xi32, #tpu.memory_space<vmem>> -> memref<1x128xi32, #tpu.memory_space<vmem>>
      %dma_wait3A_399 = tpu.memref_squeeze %dma_wait3A_398 : memref<1x128xi32, #tpu.memory_space<vmem>> -> memref<128xi32, #tpu.memory_space<vmem>>
      %dma_wait3A_400 = arith.constant 0 : i32
      %dma_wait3A_401 = arith.constant 0 : i32
      %dma_wait3A_402 = tpu.memref_slice %arg9[%dma_wait3A_400, %dma_wait3A_401] : memref<10000x64xbf16, #tpu.memory_space<vmem_shared>> -> memref<10000x64xbf16, #tpu.memory_space<vmem_shared>>
      tpu.wait_indirect_dma semaphore(%arg10 : memref<!tpu.dma_semaphore, #tpu.memory_space<semaphore_mem>>) src(%dma_wait3A_402 : memref<10000x64xbf16, #tpu.memory_space<vmem_shared>>) dst(%dma_wait3A_392 : memref<128x64xbf16, #tpu.memory_space<vmem>>)
      %mul3A_403 = arith.constant 8 : i32
      %mul3A_404 = arith.muli %mul3A_302, %mul3A_403 : i32
      %add3A_405 = arith.constant 5 : i32
      %add3A_406 = arith.addi %mul3A_404, %add3A_405 : i32
      %dma_wait3A_407 = arith.constant 0 : i32
      %dma_wait3A_408 = arith.constant 5 : i32
      %dma_wait3A_409 = arith.constant 0 : i32
      %dma_wait3A_410 = arith.constant 0 : i32
      %dma_wait3A_411 = tpu.memref_slice %arg7[%dma_wait3A_407, %dma_wait3A_408, %dma_wait3A_409, %dma_wait3A_410] : memref<2x8x128x64xbf16, #tpu.memory_space<vmem>> -> memref<1x1x128x64xbf16, #tpu.memory_space<vmem>>
      %dma_wait3A_412 = tpu.memref_squeeze %dma_wait3A_411 : memref<1x1x128x64xbf16, #tpu.memory_space<vmem>> -> memref<128x64xbf16, #tpu.memory_space<vmem>>
      %dma_wait3A_413 = arith.constant 0 : i32
      %dma_wait3A_414 = arith.constant 0 : i32
      %dma_wait3A_415 = tpu.memref_slice %arg6[%scan3A, %dma_wait3A_413, %dma_wait3A_414] : memref<2x80x128xi32, #tpu.memory_space<vmem>> -> memref<1x80x128xi32, #tpu.memory_space<vmem>>
      %dma_wait3A_416 = tpu.memref_squeeze %dma_wait3A_415 : memref<1x80x128xi32, #tpu.memory_space<vmem>> -> memref<80x128xi32, #tpu.memory_space<vmem>>
      %dma_wait3A_417 = arith.constant 0 : i32
      %dma_wait3A_418 = tpu.memref_slice %dma_wait3A_416[%add3A_406, %dma_wait3A_417] : memref<80x128xi32, #tpu.memory_space<vmem>> -> memref<1x128xi32, #tpu.memory_space<vmem>>
      %dma_wait3A_419 = tpu.memref_squeeze %dma_wait3A_418 : memref<1x128xi32, #tpu.memory_space<vmem>> -> memref<128xi32, #tpu.memory_space<vmem>>
      %dma_wait3A_420 = arith.constant 0 : i32
      %dma_wait3A_421 = arith.constant 0 : i32
      %dma_wait3A_422 = tpu.memref_slice %arg9[%dma_wait3A_420, %dma_wait3A_421] : memref<10000x64xbf16, #tpu.memory_space<vmem_shared>> -> memref<10000x64xbf16, #tpu.memory_space<vmem_shared>>
      tpu.wait_indirect_dma semaphore(%arg10 : memref<!tpu.dma_semaphore, #tpu.memory_space<semaphore_mem>>) src(%dma_wait3A_422 : memref<10000x64xbf16, #tpu.memory_space<vmem_shared>>) dst(%dma_wait3A_412 : memref<128x64xbf16, #tpu.memory_space<vmem>>)
      %mul3A_423 = arith.constant 8 : i32
      %mul3A_424 = arith.muli %mul3A_302, %mul3A_423 : i32
      %add3A_425 = arith.constant 6 : i32
      %add3A_426 = arith.addi %mul3A_424, %add3A_425 : i32
      %dma_wait3A_427 = arith.constant 0 : i32
      %dma_wait3A_428 = arith.constant 6 : i32
      %dma_wait3A_429 = arith.constant 0 : i32
      %dma_wait3A_430 = arith.constant 0 : i32
      %dma_wait3A_431 = tpu.memref_slice %arg7[%dma_wait3A_427, %dma_wait3A_428, %dma_wait3A_429, %dma_wait3A_430] : memref<2x8x128x64xbf16, #tpu.memory_space<vmem>> -> memref<1x1x128x64xbf16, #tpu.memory_space<vmem>>
      %dma_wait3A_432 = tpu.memref_squeeze %dma_wait3A_431 : memref<1x1x128x64xbf16, #tpu.memory_space<vmem>> -> memref<128x64xbf16, #tpu.memory_space<vmem>>
      %dma_wait3A_433 = arith.constant 0 : i32
      %dma_wait3A_434 = arith.constant 0 : i32
      %dma_wait3A_435 = tpu.memref_slice %arg6[%scan3A, %dma_wait3A_433, %dma_wait3A_434] : memref<2x80x128xi32, #tpu.memory_space<vmem>> -> memref<1x80x128xi32, #tpu.memory_space<vmem>>
      %dma_wait3A_436 = tpu.memref_squeeze %dma_wait3A_435 : memref<1x80x128xi32, #tpu.memory_space<vmem>> -> memref<80x128xi32, #tpu.memory_space<vmem>>
      %dma_wait3A_437 = arith.constant 0 : i32
      %dma_wait3A_438 = tpu.memref_slice %dma_wait3A_436[%add3A_426, %dma_wait3A_437] : memref<80x128xi32, #tpu.memory_space<vmem>> -> memref<1x128xi32, #tpu.memory_space<vmem>>
      %dma_wait3A_439 = tpu.memref_squeeze %dma_wait3A_438 : memref<1x128xi32, #tpu.memory_space<vmem>> -> memref<128xi32, #tpu.memory_space<vmem>>
      %dma_wait3A_440 = arith.constant 0 : i32
      %dma_wait3A_441 = arith.constant 0 : i32
      %dma_wait3A_442 = tpu.memref_slice %arg9[%dma_wait3A_440, %dma_wait3A_441] : memref<10000x64xbf16, #tpu.memory_space<vmem_shared>> -> memref<10000x64xbf16, #tpu.memory_space<vmem_shared>>
      tpu.wait_indirect_dma semaphore(%arg10 : memref<!tpu.dma_semaphore, #tpu.memory_space<semaphore_mem>>) src(%dma_wait3A_442 : memref<10000x64xbf16, #tpu.memory_space<vmem_shared>>) dst(%dma_wait3A_432 : memref<128x64xbf16, #tpu.memory_space<vmem>>)
      %mul3A_443 = arith.constant 8 : i32
      %mul3A_444 = arith.muli %mul3A_302, %mul3A_443 : i32
      %add3A_445 = arith.constant 7 : i32
      %add3A_446 = arith.addi %mul3A_444, %add3A_445 : i32
      %dma_wait3A_447 = arith.constant 0 : i32
      %dma_wait3A_448 = arith.constant 7 : i32
      %dma_wait3A_449 = arith.constant 0 : i32
      %dma_wait3A_450 = arith.constant 0 : i32
      %dma_wait3A_451 = tpu.memref_slice %arg7[%dma_wait3A_447, %dma_wait3A_448, %dma_wait3A_449, %dma_wait3A_450] : memref<2x8x128x64xbf16, #tpu.memory_space<vmem>> -> memref<1x1x128x64xbf16, #tpu.memory_space<vmem>>
      %dma_wait3A_452 = tpu.memref_squeeze %dma_wait3A_451 : memref<1x1x128x64xbf16, #tpu.memory_space<vmem>> -> memref<128x64xbf16, #tpu.memory_space<vmem>>
      %dma_wait3A_453 = arith.constant 0 : i32
      %dma_wait3A_454 = arith.constant 0 : i32
      %dma_wait3A_455 = tpu.memref_slice %arg6[%scan3A, %dma_wait3A_453, %dma_wait3A_454] : memref<2x80x128xi32, #tpu.memory_space<vmem>> -> memref<1x80x128xi32, #tpu.memory_space<vmem>>
      %dma_wait3A_456 = tpu.memref_squeeze %dma_wait3A_455 : memref<1x80x128xi32, #tpu.memory_space<vmem>> -> memref<80x128xi32, #tpu.memory_space<vmem>>
      %dma_wait3A_457 = arith.constant 0 : i32
      %dma_wait3A_458 = tpu.memref_slice %dma_wait3A_456[%add3A_446, %dma_wait3A_457] : memref<80x128xi32, #tpu.memory_space<vmem>> -> memref<1x128xi32, #tpu.memory_space<vmem>>
      %dma_wait3A_459 = tpu.memref_squeeze %dma_wait3A_458 : memref<1x128xi32, #tpu.memory_space<vmem>> -> memref<128xi32, #tpu.memory_space<vmem>>
      %dma_wait3A_460 = arith.constant 0 : i32
      %dma_wait3A_461 = arith.constant 0 : i32
      %dma_wait3A_462 = tpu.memref_slice %arg9[%dma_wait3A_460, %dma_wait3A_461] : memref<10000x64xbf16, #tpu.memory_space<vmem_shared>> -> memref<10000x64xbf16, #tpu.memory_space<vmem_shared>>
      tpu.wait_indirect_dma semaphore(%arg10 : memref<!tpu.dma_semaphore, #tpu.memory_space<semaphore_mem>>) src(%dma_wait3A_462 : memref<10000x64xbf16, #tpu.memory_space<vmem_shared>>) dst(%dma_wait3A_452 : memref<128x64xbf16, #tpu.memory_space<vmem>>)
      %ge3A = arith.constant 1 : i32
      %ge3A_463 = arith.cmpi sge, %mul3A_302, %ge3A : i32
      %convert_element_type3A = arith.extui %ge3A_463 : i1 to i32
      %cond3A = arith.constant 0 : i32
      %cond3A_464 = arith.cmpi ne, %convert_element_type3A, %cond3A : i32
      scf.if %cond3A_464 {
        %sub3A = arith.constant 1 : i32
        %sub3A_967 = arith.subi %mul3A_302, %sub3A : i32
        %mul3A_968 = arith.constant 8 : i32
        %mul3A_969 = arith.muli %sub3A_967, %mul3A_968 : i32
        %add3A_970 = arith.constant 0 : i32
        %add3A_971 = arith.addi %mul3A_969, %add3A_970 : i32
        %dma_wait3A_972 = arith.constant 1 : i32
        %dma_wait3A_973 = arith.constant 0 : i32
        %dma_wait3A_974 = arith.constant 0 : i32
        %dma_wait3A_975 = arith.constant 0 : i32
        %dma_wait3A_976 = tpu.memref_slice %arg7[%dma_wait3A_972, %dma_wait3A_973, %dma_wait3A_974, %dma_wait3A_975] : memref<2x8x128x64xbf16, #tpu.memory_space<vmem>> -> memref<1x1x128x64xbf16, #tpu.memory_space<vmem>>
        %dma_wait3A_977 = tpu.memref_squeeze %dma_wait3A_976 : memref<1x1x128x64xbf16, #tpu.memory_space<vmem>> -> memref<128x64xbf16, #tpu.memory_space<vmem>>
        %dma_wait3A_978 = arith.constant 0 : i32
        %dma_wait3A_979 = arith.constant 0 : i32
        %dma_wait3A_980 = tpu.memref_slice %arg6[%scan3A_150, %dma_wait3A_978, %dma_wait3A_979] : memref<2x80x128xi32, #tpu.memory_space<vmem>> -> memref<1x80x128xi32, #tpu.memory_space<vmem>>
        %dma_wait3A_981 = tpu.memref_squeeze %dma_wait3A_980 : memref<1x80x128xi32, #tpu.memory_space<vmem>> -> memref<80x128xi32, #tpu.memory_space<vmem>>
        %dma_wait3A_982 = arith.constant 0 : i32
        %dma_wait3A_983 = tpu.memref_slice %dma_wait3A_981[%add3A_971, %dma_wait3A_982] : memref<80x128xi32, #tpu.memory_space<vmem>> -> memref<1x128xi32, #tpu.memory_space<vmem>>
        %dma_wait3A_984 = tpu.memref_squeeze %dma_wait3A_983 : memref<1x128xi32, #tpu.memory_space<vmem>> -> memref<128xi32, #tpu.memory_space<vmem>>
        %dma_wait3A_985 = arith.constant 0 : i32
        %dma_wait3A_986 = arith.constant 0 : i32
        %dma_wait3A_987 = tpu.memref_slice %arg8[%dma_wait3A_985, %dma_wait3A_986] : memref<10112x64xbf16, #tpu.memory_space<vmem_shared>> -> memref<10112x64xbf16, #tpu.memory_space<vmem_shared>>
        tpu.wait_indirect_dma semaphore(%arg11 : memref<!tpu.dma_semaphore, #tpu.memory_space<semaphore_mem>>) src(%dma_wait3A_977 : memref<128x64xbf16, #tpu.memory_space<vmem>>) dst(%dma_wait3A_987 : memref<10112x64xbf16, #tpu.memory_space<vmem_shared>>)
        %mul3A_988 = arith.constant 8 : i32
        %mul3A_989 = arith.muli %sub3A_967, %mul3A_988 : i32
        %add3A_990 = arith.constant 1 : i32
        %add3A_991 = arith.addi %mul3A_989, %add3A_990 : i32
        %dma_wait3A_992 = arith.constant 1 : i32
        %dma_wait3A_993 = arith.constant 1 : i32
        %dma_wait3A_994 = arith.constant 0 : i32
        %dma_wait3A_995 = arith.constant 0 : i32
        %dma_wait3A_996 = tpu.memref_slice %arg7[%dma_wait3A_992, %dma_wait3A_993, %dma_wait3A_994, %dma_wait3A_995] : memref<2x8x128x64xbf16, #tpu.memory_space<vmem>> -> memref<1x1x128x64xbf16, #tpu.memory_space<vmem>>
        %dma_wait3A_997 = tpu.memref_squeeze %dma_wait3A_996 : memref<1x1x128x64xbf16, #tpu.memory_space<vmem>> -> memref<128x64xbf16, #tpu.memory_space<vmem>>
        %dma_wait3A_998 = arith.constant 0 : i32
        %dma_wait3A_999 = arith.constant 0 : i32
        %dma_wait3A_1000 = tpu.memref_slice %arg6[%scan3A_150, %dma_wait3A_998, %dma_wait3A_999] : memref<2x80x128xi32, #tpu.memory_space<vmem>> -> memref<1x80x128xi32, #tpu.memory_space<vmem>>
        %dma_wait3A_1001 = tpu.memref_squeeze %dma_wait3A_1000 : memref<1x80x128xi32, #tpu.memory_space<vmem>> -> memref<80x128xi32, #tpu.memory_space<vmem>>
        %dma_wait3A_1002 = arith.constant 0 : i32
        %dma_wait3A_1003 = tpu.memref_slice %dma_wait3A_1001[%add3A_991, %dma_wait3A_1002] : memref<80x128xi32, #tpu.memory_space<vmem>> -> memref<1x128xi32, #tpu.memory_space<vmem>>
        %dma_wait3A_1004 = tpu.memref_squeeze %dma_wait3A_1003 : memref<1x128xi32, #tpu.memory_space<vmem>> -> memref<128xi32, #tpu.memory_space<vmem>>
        %dma_wait3A_1005 = arith.constant 0 : i32
        %dma_wait3A_1006 = arith.constant 0 : i32
        %dma_wait3A_1007 = tpu.memref_slice %arg8[%dma_wait3A_1005, %dma_wait3A_1006] : memref<10112x64xbf16, #tpu.memory_space<vmem_shared>> -> memref<10112x64xbf16, #tpu.memory_space<vmem_shared>>
        tpu.wait_indirect_dma semaphore(%arg11 : memref<!tpu.dma_semaphore, #tpu.memory_space<semaphore_mem>>) src(%dma_wait3A_997 : memref<128x64xbf16, #tpu.memory_space<vmem>>) dst(%dma_wait3A_1007 : memref<10112x64xbf16, #tpu.memory_space<vmem_shared>>)
        %mul3A_1008 = arith.constant 8 : i32
        %mul3A_1009 = arith.muli %sub3A_967, %mul3A_1008 : i32
        %add3A_1010 = arith.constant 2 : i32
        %add3A_1011 = arith.addi %mul3A_1009, %add3A_1010 : i32
        %dma_wait3A_1012 = arith.constant 1 : i32
        %dma_wait3A_1013 = arith.constant 2 : i32
        %dma_wait3A_1014 = arith.constant 0 : i32
        %dma_wait3A_1015 = arith.constant 0 : i32
        %dma_wait3A_1016 = tpu.memref_slice %arg7[%dma_wait3A_1012, %dma_wait3A_1013, %dma_wait3A_1014, %dma_wait3A_1015] : memref<2x8x128x64xbf16, #tpu.memory_space<vmem>> -> memref<1x1x128x64xbf16, #tpu.memory_space<vmem>>
        %dma_wait3A_1017 = tpu.memref_squeeze %dma_wait3A_1016 : memref<1x1x128x64xbf16, #tpu.memory_space<vmem>> -> memref<128x64xbf16, #tpu.memory_space<vmem>>
        %dma_wait3A_1018 = arith.constant 0 : i32
        %dma_wait3A_1019 = arith.constant 0 : i32
        %dma_wait3A_1020 = tpu.memref_slice %arg6[%scan3A_150, %dma_wait3A_1018, %dma_wait3A_1019] : memref<2x80x128xi32, #tpu.memory_space<vmem>> -> memref<1x80x128xi32, #tpu.memory_space<vmem>>
        %dma_wait3A_1021 = tpu.memref_squeeze %dma_wait3A_1020 : memref<1x80x128xi32, #tpu.memory_space<vmem>> -> memref<80x128xi32, #tpu.memory_space<vmem>>
        %dma_wait3A_1022 = arith.constant 0 : i32
        %dma_wait3A_1023 = tpu.memref_slice %dma_wait3A_1021[%add3A_1011, %dma_wait3A_1022] : memref<80x128xi32, #tpu.memory_space<vmem>> -> memref<1x128xi32, #tpu.memory_space<vmem>>
        %dma_wait3A_1024 = tpu.memref_squeeze %dma_wait3A_1023 : memref<1x128xi32, #tpu.memory_space<vmem>> -> memref<128xi32, #tpu.memory_space<vmem>>
        %dma_wait3A_1025 = arith.constant 0 : i32
        %dma_wait3A_1026 = arith.constant 0 : i32
        %dma_wait3A_1027 = tpu.memref_slice %arg8[%dma_wait3A_1025, %dma_wait3A_1026] : memref<10112x64xbf16, #tpu.memory_space<vmem_shared>> -> memref<10112x64xbf16, #tpu.memory_space<vmem_shared>>
        tpu.wait_indirect_dma semaphore(%arg11 : memref<!tpu.dma_semaphore, #tpu.memory_space<semaphore_mem>>) src(%dma_wait3A_1017 : memref<128x64xbf16, #tpu.memory_space<vmem>>) dst(%dma_wait3A_1027 : memref<10112x64xbf16, #tpu.memory_space<vmem_shared>>)
        %mul3A_1028 = arith.constant 8 : i32
        %mul3A_1029 = arith.muli %sub3A_967, %mul3A_1028 : i32
        %add3A_1030 = arith.constant 3 : i32
        %add3A_1031 = arith.addi %mul3A_1029, %add3A_1030 : i32
        %dma_wait3A_1032 = arith.constant 1 : i32
        %dma_wait3A_1033 = arith.constant 3 : i32
        %dma_wait3A_1034 = arith.constant 0 : i32
        %dma_wait3A_1035 = arith.constant 0 : i32
        %dma_wait3A_1036 = tpu.memref_slice %arg7[%dma_wait3A_1032, %dma_wait3A_1033, %dma_wait3A_1034, %dma_wait3A_1035] : memref<2x8x128x64xbf16, #tpu.memory_space<vmem>> -> memref<1x1x128x64xbf16, #tpu.memory_space<vmem>>
        %dma_wait3A_1037 = tpu.memref_squeeze %dma_wait3A_1036 : memref<1x1x128x64xbf16, #tpu.memory_space<vmem>> -> memref<128x64xbf16, #tpu.memory_space<vmem>>
        %dma_wait3A_1038 = arith.constant 0 : i32
        %dma_wait3A_1039 = arith.constant 0 : i32
        %dma_wait3A_1040 = tpu.memref_slice %arg6[%scan3A_150, %dma_wait3A_1038, %dma_wait3A_1039] : memref<2x80x128xi32, #tpu.memory_space<vmem>> -> memref<1x80x128xi32, #tpu.memory_space<vmem>>
        %dma_wait3A_1041 = tpu.memref_squeeze %dma_wait3A_1040 : memref<1x80x128xi32, #tpu.memory_space<vmem>> -> memref<80x128xi32, #tpu.memory_space<vmem>>
        %dma_wait3A_1042 = arith.constant 0 : i32
        %dma_wait3A_1043 = tpu.memref_slice %dma_wait3A_1041[%add3A_1031, %dma_wait3A_1042] : memref<80x128xi32, #tpu.memory_space<vmem>> -> memref<1x128xi32, #tpu.memory_space<vmem>>
        %dma_wait3A_1044 = tpu.memref_squeeze %dma_wait3A_1043 : memref<1x128xi32, #tpu.memory_space<vmem>> -> memref<128xi32, #tpu.memory_space<vmem>>
        %dma_wait3A_1045 = arith.constant 0 : i32
        %dma_wait3A_1046 = arith.constant 0 : i32
        %dma_wait3A_1047 = tpu.memref_slice %arg8[%dma_wait3A_1045, %dma_wait3A_1046] : memref<10112x64xbf16, #tpu.memory_space<vmem_shared>> -> memref<10112x64xbf16, #tpu.memory_space<vmem_shared>>
        tpu.wait_indirect_dma semaphore(%arg11 : memref<!tpu.dma_semaphore, #tpu.memory_space<semaphore_mem>>) src(%dma_wait3A_1037 : memref<128x64xbf16, #tpu.memory_space<vmem>>) dst(%dma_wait3A_1047 : memref<10112x64xbf16, #tpu.memory_space<vmem_shared>>)
        %mul3A_1048 = arith.constant 8 : i32
        %mul3A_1049 = arith.muli %sub3A_967, %mul3A_1048 : i32
        %add3A_1050 = arith.constant 4 : i32
        %add3A_1051 = arith.addi %mul3A_1049, %add3A_1050 : i32
        %dma_wait3A_1052 = arith.constant 1 : i32
        %dma_wait3A_1053 = arith.constant 4 : i32
        %dma_wait3A_1054 = arith.constant 0 : i32
        %dma_wait3A_1055 = arith.constant 0 : i32
        %dma_wait3A_1056 = tpu.memref_slice %arg7[%dma_wait3A_1052, %dma_wait3A_1053, %dma_wait3A_1054, %dma_wait3A_1055] : memref<2x8x128x64xbf16, #tpu.memory_space<vmem>> -> memref<1x1x128x64xbf16, #tpu.memory_space<vmem>>
        %dma_wait3A_1057 = tpu.memref_squeeze %dma_wait3A_1056 : memref<1x1x128x64xbf16, #tpu.memory_space<vmem>> -> memref<128x64xbf16, #tpu.memory_space<vmem>>
        %dma_wait3A_1058 = arith.constant 0 : i32
        %dma_wait3A_1059 = arith.constant 0 : i32
        %dma_wait3A_1060 = tpu.memref_slice %arg6[%scan3A_150, %dma_wait3A_1058, %dma_wait3A_1059] : memref<2x80x128xi32, #tpu.memory_space<vmem>> -> memref<1x80x128xi32, #tpu.memory_space<vmem>>
        %dma_wait3A_1061 = tpu.memref_squeeze %dma_wait3A_1060 : memref<1x80x128xi32, #tpu.memory_space<vmem>> -> memref<80x128xi32, #tpu.memory_space<vmem>>
        %dma_wait3A_1062 = arith.constant 0 : i32
        %dma_wait3A_1063 = tpu.memref_slice %dma_wait3A_1061[%add3A_1051, %dma_wait3A_1062] : memref<80x128xi32, #tpu.memory_space<vmem>> -> memref<1x128xi32, #tpu.memory_space<vmem>>
        %dma_wait3A_1064 = tpu.memref_squeeze %dma_wait3A_1063 : memref<1x128xi32, #tpu.memory_space<vmem>> -> memref<128xi32, #tpu.memory_space<vmem>>
        %dma_wait3A_1065 = arith.constant 0 : i32
        %dma_wait3A_1066 = arith.constant 0 : i32
        %dma_wait3A_1067 = tpu.memref_slice %arg8[%dma_wait3A_1065, %dma_wait3A_1066] : memref<10112x64xbf16, #tpu.memory_space<vmem_shared>> -> memref<10112x64xbf16, #tpu.memory_space<vmem_shared>>
        tpu.wait_indirect_dma semaphore(%arg11 : memref<!tpu.dma_semaphore, #tpu.memory_space<semaphore_mem>>) src(%dma_wait3A_1057 : memref<128x64xbf16, #tpu.memory_space<vmem>>) dst(%dma_wait3A_1067 : memref<10112x64xbf16, #tpu.memory_space<vmem_shared>>)
        %mul3A_1068 = arith.constant 8 : i32
        %mul3A_1069 = arith.muli %sub3A_967, %mul3A_1068 : i32
        %add3A_1070 = arith.constant 5 : i32
        %add3A_1071 = arith.addi %mul3A_1069, %add3A_1070 : i32
        %dma_wait3A_1072 = arith.constant 1 : i32
        %dma_wait3A_1073 = arith.constant 5 : i32
        %dma_wait3A_1074 = arith.constant 0 : i32
        %dma_wait3A_1075 = arith.constant 0 : i32
        %dma_wait3A_1076 = tpu.memref_slice %arg7[%dma_wait3A_1072, %dma_wait3A_1073, %dma_wait3A_1074, %dma_wait3A_1075] : memref<2x8x128x64xbf16, #tpu.memory_space<vmem>> -> memref<1x1x128x64xbf16, #tpu.memory_space<vmem>>
        %dma_wait3A_1077 = tpu.memref_squeeze %dma_wait3A_1076 : memref<1x1x128x64xbf16, #tpu.memory_space<vmem>> -> memref<128x64xbf16, #tpu.memory_space<vmem>>
        %dma_wait3A_1078 = arith.constant 0 : i32
        %dma_wait3A_1079 = arith.constant 0 : i32
        %dma_wait3A_1080 = tpu.memref_slice %arg6[%scan3A_150, %dma_wait3A_1078, %dma_wait3A_1079] : memref<2x80x128xi32, #tpu.memory_space<vmem>> -> memref<1x80x128xi32, #tpu.memory_space<vmem>>
        %dma_wait3A_1081 = tpu.memref_squeeze %dma_wait3A_1080 : memref<1x80x128xi32, #tpu.memory_space<vmem>> -> memref<80x128xi32, #tpu.memory_space<vmem>>
        %dma_wait3A_1082 = arith.constant 0 : i32
        %dma_wait3A_1083 = tpu.memref_slice %dma_wait3A_1081[%add3A_1071, %dma_wait3A_1082] : memref<80x128xi32, #tpu.memory_space<vmem>> -> memref<1x128xi32, #tpu.memory_space<vmem>>
        %dma_wait3A_1084 = tpu.memref_squeeze %dma_wait3A_1083 : memref<1x128xi32, #tpu.memory_space<vmem>> -> memref<128xi32, #tpu.memory_space<vmem>>
        %dma_wait3A_1085 = arith.constant 0 : i32
        %dma_wait3A_1086 = arith.constant 0 : i32
        %dma_wait3A_1087 = tpu.memref_slice %arg8[%dma_wait3A_1085, %dma_wait3A_1086] : memref<10112x64xbf16, #tpu.memory_space<vmem_shared>> -> memref<10112x64xbf16, #tpu.memory_space<vmem_shared>>
        tpu.wait_indirect_dma semaphore(%arg11 : memref<!tpu.dma_semaphore, #tpu.memory_space<semaphore_mem>>) src(%dma_wait3A_1077 : memref<128x64xbf16, #tpu.memory_space<vmem>>) dst(%dma_wait3A_1087 : memref<10112x64xbf16, #tpu.memory_space<vmem_shared>>)
        %mul3A_1088 = arith.constant 8 : i32
        %mul3A_1089 = arith.muli %sub3A_967, %mul3A_1088 : i32
        %add3A_1090 = arith.constant 6 : i32
        %add3A_1091 = arith.addi %mul3A_1089, %add3A_1090 : i32
        %dma_wait3A_1092 = arith.constant 1 : i32
        %dma_wait3A_1093 = arith.constant 6 : i32
        %dma_wait3A_1094 = arith.constant 0 : i32
        %dma_wait3A_1095 = arith.constant 0 : i32
        %dma_wait3A_1096 = tpu.memref_slice %arg7[%dma_wait3A_1092, %dma_wait3A_1093, %dma_wait3A_1094, %dma_wait3A_1095] : memref<2x8x128x64xbf16, #tpu.memory_space<vmem>> -> memref<1x1x128x64xbf16, #tpu.memory_space<vmem>>
        %dma_wait3A_1097 = tpu.memref_squeeze %dma_wait3A_1096 : memref<1x1x128x64xbf16, #tpu.memory_space<vmem>> -> memref<128x64xbf16, #tpu.memory_space<vmem>>
        %dma_wait3A_1098 = arith.constant 0 : i32
        %dma_wait3A_1099 = arith.constant 0 : i32
        %dma_wait3A_1100 = tpu.memref_slice %arg6[%scan3A_150, %dma_wait3A_1098, %dma_wait3A_1099] : memref<2x80x128xi32, #tpu.memory_space<vmem>> -> memref<1x80x128xi32, #tpu.memory_space<vmem>>
        %dma_wait3A_1101 = tpu.memref_squeeze %dma_wait3A_1100 : memref<1x80x128xi32, #tpu.memory_space<vmem>> -> memref<80x128xi32, #tpu.memory_space<vmem>>
        %dma_wait3A_1102 = arith.constant 0 : i32
        %dma_wait3A_1103 = tpu.memref_slice %dma_wait3A_1101[%add3A_1091, %dma_wait3A_1102] : memref<80x128xi32, #tpu.memory_space<vmem>> -> memref<1x128xi32, #tpu.memory_space<vmem>>
        %dma_wait3A_1104 = tpu.memref_squeeze %dma_wait3A_1103 : memref<1x128xi32, #tpu.memory_space<vmem>> -> memref<128xi32, #tpu.memory_space<vmem>>
        %dma_wait3A_1105 = arith.constant 0 : i32
        %dma_wait3A_1106 = arith.constant 0 : i32
        %dma_wait3A_1107 = tpu.memref_slice %arg8[%dma_wait3A_1105, %dma_wait3A_1106] : memref<10112x64xbf16, #tpu.memory_space<vmem_shared>> -> memref<10112x64xbf16, #tpu.memory_space<vmem_shared>>
        tpu.wait_indirect_dma semaphore(%arg11 : memref<!tpu.dma_semaphore, #tpu.memory_space<semaphore_mem>>) src(%dma_wait3A_1097 : memref<128x64xbf16, #tpu.memory_space<vmem>>) dst(%dma_wait3A_1107 : memref<10112x64xbf16, #tpu.memory_space<vmem_shared>>)
        %mul3A_1108 = arith.constant 8 : i32
        %mul3A_1109 = arith.muli %sub3A_967, %mul3A_1108 : i32
        %add3A_1110 = arith.constant 7 : i32
        %add3A_1111 = arith.addi %mul3A_1109, %add3A_1110 : i32
        %dma_wait3A_1112 = arith.constant 1 : i32
        %dma_wait3A_1113 = arith.constant 7 : i32
        %dma_wait3A_1114 = arith.constant 0 : i32
        %dma_wait3A_1115 = arith.constant 0 : i32
        %dma_wait3A_1116 = tpu.memref_slice %arg7[%dma_wait3A_1112, %dma_wait3A_1113, %dma_wait3A_1114, %dma_wait3A_1115] : memref<2x8x128x64xbf16, #tpu.memory_space<vmem>> -> memref<1x1x128x64xbf16, #tpu.memory_space<vmem>>
        %dma_wait3A_1117 = tpu.memref_squeeze %dma_wait3A_1116 : memref<1x1x128x64xbf16, #tpu.memory_space<vmem>> -> memref<128x64xbf16, #tpu.memory_space<vmem>>
        %dma_wait3A_1118 = arith.constant 0 : i32
        %dma_wait3A_1119 = arith.constant 0 : i32
        %dma_wait3A_1120 = tpu.memref_slice %arg6[%scan3A_150, %dma_wait3A_1118, %dma_wait3A_1119] : memref<2x80x128xi32, #tpu.memory_space<vmem>> -> memref<1x80x128xi32, #tpu.memory_space<vmem>>
        %dma_wait3A_1121 = tpu.memref_squeeze %dma_wait3A_1120 : memref<1x80x128xi32, #tpu.memory_space<vmem>> -> memref<80x128xi32, #tpu.memory_space<vmem>>
        %dma_wait3A_1122 = arith.constant 0 : i32
        %dma_wait3A_1123 = tpu.memref_slice %dma_wait3A_1121[%add3A_1111, %dma_wait3A_1122] : memref<80x128xi32, #tpu.memory_space<vmem>> -> memref<1x128xi32, #tpu.memory_space<vmem>>
        %dma_wait3A_1124 = tpu.memref_squeeze %dma_wait3A_1123 : memref<1x128xi32, #tpu.memory_space<vmem>> -> memref<128xi32, #tpu.memory_space<vmem>>
        %dma_wait3A_1125 = arith.constant 0 : i32
        %dma_wait3A_1126 = arith.constant 0 : i32
        %dma_wait3A_1127 = tpu.memref_slice %arg8[%dma_wait3A_1125, %dma_wait3A_1126] : memref<10112x64xbf16, #tpu.memory_space<vmem_shared>> -> memref<10112x64xbf16, #tpu.memory_space<vmem_shared>>
        tpu.wait_indirect_dma semaphore(%arg11 : memref<!tpu.dma_semaphore, #tpu.memory_space<semaphore_mem>>) src(%dma_wait3A_1117 : memref<128x64xbf16, #tpu.memory_space<vmem>>) dst(%dma_wait3A_1127 : memref<10112x64xbf16, #tpu.memory_space<vmem_shared>>)
      } else {
      }
      %add3A_465 = arith.constant 1 : i32
      %add3A_466 = arith.addi %mul3A_302, %add3A_465 : i32
      %lt3A = arith.constant 10 : i32
      %lt3A_467 = arith.cmpi slt, %add3A_466, %lt3A : i32
      %convert_element_type3A_468 = arith.extui %lt3A_467 : i1 to i32
      %cond3A_469 = arith.constant 0 : i32
      %cond3A_470 = arith.cmpi ne, %convert_element_type3A_468, %cond3A_469 : i32
      scf.if %cond3A_470 {
        %add3A_967 = arith.constant 1 : i32
        %add3A_968 = arith.addi %mul3A_302, %add3A_967 : i32
        %mul3A_969 = arith.constant 8 : i32
        %mul3A_970 = arith.muli %add3A_968, %mul3A_969 : i32
        %add3A_971 = arith.constant 0 : i32
        %add3A_972 = arith.addi %mul3A_970, %add3A_971 : i32
        %dma_start3A_973 = arith.constant 1 : i32
        %dma_start3A_974 = arith.constant 0 : i32
        %dma_start3A_975 = arith.constant 0 : i32
        %dma_start3A_976 = arith.constant 0 : i32
        %dma_start3A_977 = tpu.memref_slice %arg7[%dma_start3A_973, %dma_start3A_974, %dma_start3A_975, %dma_start3A_976] : memref<2x8x128x64xbf16, #tpu.memory_space<vmem>> -> memref<1x1x128x64xbf16, #tpu.memory_space<vmem>>
        %dma_start3A_978 = tpu.memref_squeeze %dma_start3A_977 : memref<1x1x128x64xbf16, #tpu.memory_space<vmem>> -> memref<128x64xbf16, #tpu.memory_space<vmem>>
        %dma_start3A_979 = arith.constant 0 : i32
        %dma_start3A_980 = arith.constant 0 : i32
        %dma_start3A_981 = tpu.memref_slice %arg6[%scan3A, %dma_start3A_979, %dma_start3A_980] : memref<2x80x128xi32, #tpu.memory_space<vmem>> -> memref<1x80x128xi32, #tpu.memory_space<vmem>>
        %dma_start3A_982 = tpu.memref_squeeze %dma_start3A_981 : memref<1x80x128xi32, #tpu.memory_space<vmem>> -> memref<80x128xi32, #tpu.memory_space<vmem>>
        %dma_start3A_983 = arith.constant 0 : i32
        %dma_start3A_984 = tpu.memref_slice %dma_start3A_982[%add3A_972, %dma_start3A_983] : memref<80x128xi32, #tpu.memory_space<vmem>> -> memref<1x128xi32, #tpu.memory_space<vmem>>
        %dma_start3A_985 = tpu.memref_squeeze %dma_start3A_984 : memref<1x128xi32, #tpu.memory_space<vmem>> -> memref<128xi32, #tpu.memory_space<vmem>>
        %dma_start3A_986 = arith.constant 0 : i32
        %dma_start3A_987 = arith.constant 0 : i32
        %dma_start3A_988 = tpu.memref_slice %arg9[%dma_start3A_986, %dma_start3A_987] : memref<10000x64xbf16, #tpu.memory_space<vmem_shared>> -> memref<10000x64xbf16, #tpu.memory_space<vmem_shared>>
        tpu.enqueue_indirect_dma source(%dma_start3A_988 : memref<10000x64xbf16, #tpu.memory_space<vmem_shared>>) target(%dma_start3A_978 : memref<128x64xbf16, #tpu.memory_space<vmem>>) offsets(%dma_start3A_985 : memref<128xi32, #tpu.memory_space<vmem>>) semaphore(%arg10 : memref<!tpu.dma_semaphore, #tpu.memory_space<semaphore_mem>>)
        %mul3A_989 = arith.constant 8 : i32
        %mul3A_990 = arith.muli %add3A_968, %mul3A_989 : i32
        %add3A_991 = arith.constant 1 : i32
        %add3A_992 = arith.addi %mul3A_990, %add3A_991 : i32
        %dma_start3A_993 = arith.constant 1 : i32
        %dma_start3A_994 = arith.constant 1 : i32
        %dma_start3A_995 = arith.constant 0 : i32
        %dma_start3A_996 = arith.constant 0 : i32
        %dma_start3A_997 = tpu.memref_slice %arg7[%dma_start3A_993, %dma_start3A_994, %dma_start3A_995, %dma_start3A_996] : memref<2x8x128x64xbf16, #tpu.memory_space<vmem>> -> memref<1x1x128x64xbf16, #tpu.memory_space<vmem>>
        %dma_start3A_998 = tpu.memref_squeeze %dma_start3A_997 : memref<1x1x128x64xbf16, #tpu.memory_space<vmem>> -> memref<128x64xbf16, #tpu.memory_space<vmem>>
        %dma_start3A_999 = arith.constant 0 : i32
        %dma_start3A_1000 = arith.constant 0 : i32
        %dma_start3A_1001 = tpu.memref_slice %arg6[%scan3A, %dma_start3A_999, %dma_start3A_1000] : memref<2x80x128xi32, #tpu.memory_space<vmem>> -> memref<1x80x128xi32, #tpu.memory_space<vmem>>
        %dma_start3A_1002 = tpu.memref_squeeze %dma_start3A_1001 : memref<1x80x128xi32, #tpu.memory_space<vmem>> -> memref<80x128xi32, #tpu.memory_space<vmem>>
        %dma_start3A_1003 = arith.constant 0 : i32
        %dma_start3A_1004 = tpu.memref_slice %dma_start3A_1002[%add3A_992, %dma_start3A_1003] : memref<80x128xi32, #tpu.memory_space<vmem>> -> memref<1x128xi32, #tpu.memory_space<vmem>>
        %dma_start3A_1005 = tpu.memref_squeeze %dma_start3A_1004 : memref<1x128xi32, #tpu.memory_space<vmem>> -> memref<128xi32, #tpu.memory_space<vmem>>
        %dma_start3A_1006 = arith.constant 0 : i32
        %dma_start3A_1007 = arith.constant 0 : i32
        %dma_start3A_1008 = tpu.memref_slice %arg9[%dma_start3A_1006, %dma_start3A_1007] : memref<10000x64xbf16, #tpu.memory_space<vmem_shared>> -> memref<10000x64xbf16, #tpu.memory_space<vmem_shared>>
        tpu.enqueue_indirect_dma source(%dma_start3A_1008 : memref<10000x64xbf16, #tpu.memory_space<vmem_shared>>) target(%dma_start3A_998 : memref<128x64xbf16, #tpu.memory_space<vmem>>) offsets(%dma_start3A_1005 : memref<128xi32, #tpu.memory_space<vmem>>) semaphore(%arg10 : memref<!tpu.dma_semaphore, #tpu.memory_space<semaphore_mem>>)
        %mul3A_1009 = arith.constant 8 : i32
        %mul3A_1010 = arith.muli %add3A_968, %mul3A_1009 : i32
        %add3A_1011 = arith.constant 2 : i32
        %add3A_1012 = arith.addi %mul3A_1010, %add3A_1011 : i32
        %dma_start3A_1013 = arith.constant 1 : i32
        %dma_start3A_1014 = arith.constant 2 : i32
        %dma_start3A_1015 = arith.constant 0 : i32
        %dma_start3A_1016 = arith.constant 0 : i32
        %dma_start3A_1017 = tpu.memref_slice %arg7[%dma_start3A_1013, %dma_start3A_1014, %dma_start3A_1015, %dma_start3A_1016] : memref<2x8x128x64xbf16, #tpu.memory_space<vmem>> -> memref<1x1x128x64xbf16, #tpu.memory_space<vmem>>
        %dma_start3A_1018 = tpu.memref_squeeze %dma_start3A_1017 : memref<1x1x128x64xbf16, #tpu.memory_space<vmem>> -> memref<128x64xbf16, #tpu.memory_space<vmem>>
        %dma_start3A_1019 = arith.constant 0 : i32
        %dma_start3A_1020 = arith.constant 0 : i32
        %dma_start3A_1021 = tpu.memref_slice %arg6[%scan3A, %dma_start3A_1019, %dma_start3A_1020] : memref<2x80x128xi32, #tpu.memory_space<vmem>> -> memref<1x80x128xi32, #tpu.memory_space<vmem>>
        %dma_start3A_1022 = tpu.memref_squeeze %dma_start3A_1021 : memref<1x80x128xi32, #tpu.memory_space<vmem>> -> memref<80x128xi32, #tpu.memory_space<vmem>>
        %dma_start3A_1023 = arith.constant 0 : i32
        %dma_start3A_1024 = tpu.memref_slice %dma_start3A_1022[%add3A_1012, %dma_start3A_1023] : memref<80x128xi32, #tpu.memory_space<vmem>> -> memref<1x128xi32, #tpu.memory_space<vmem>>
        %dma_start3A_1025 = tpu.memref_squeeze %dma_start3A_1024 : memref<1x128xi32, #tpu.memory_space<vmem>> -> memref<128xi32, #tpu.memory_space<vmem>>
        %dma_start3A_1026 = arith.constant 0 : i32
        %dma_start3A_1027 = arith.constant 0 : i32
        %dma_start3A_1028 = tpu.memref_slice %arg9[%dma_start3A_1026, %dma_start3A_1027] : memref<10000x64xbf16, #tpu.memory_space<vmem_shared>> -> memref<10000x64xbf16, #tpu.memory_space<vmem_shared>>
        tpu.enqueue_indirect_dma source(%dma_start3A_1028 : memref<10000x64xbf16, #tpu.memory_space<vmem_shared>>) target(%dma_start3A_1018 : memref<128x64xbf16, #tpu.memory_space<vmem>>) offsets(%dma_start3A_1025 : memref<128xi32, #tpu.memory_space<vmem>>) semaphore(%arg10 : memref<!tpu.dma_semaphore, #tpu.memory_space<semaphore_mem>>)
        %mul3A_1029 = arith.constant 8 : i32
        %mul3A_1030 = arith.muli %add3A_968, %mul3A_1029 : i32
        %add3A_1031 = arith.constant 3 : i32
        %add3A_1032 = arith.addi %mul3A_1030, %add3A_1031 : i32
        %dma_start3A_1033 = arith.constant 1 : i32
        %dma_start3A_1034 = arith.constant 3 : i32
        %dma_start3A_1035 = arith.constant 0 : i32
        %dma_start3A_1036 = arith.constant 0 : i32
        %dma_start3A_1037 = tpu.memref_slice %arg7[%dma_start3A_1033, %dma_start3A_1034, %dma_start3A_1035, %dma_start3A_1036] : memref<2x8x128x64xbf16, #tpu.memory_space<vmem>> -> memref<1x1x128x64xbf16, #tpu.memory_space<vmem>>
        %dma_start3A_1038 = tpu.memref_squeeze %dma_start3A_1037 : memref<1x1x128x64xbf16, #tpu.memory_space<vmem>> -> memref<128x64xbf16, #tpu.memory_space<vmem>>
        %dma_start3A_1039 = arith.constant 0 : i32
        %dma_start3A_1040 = arith.constant 0 : i32
        %dma_start3A_1041 = tpu.memref_slice %arg6[%scan3A, %dma_start3A_1039, %dma_start3A_1040] : memref<2x80x128xi32, #tpu.memory_space<vmem>> -> memref<1x80x128xi32, #tpu.memory_space<vmem>>
        %dma_start3A_1042 = tpu.memref_squeeze %dma_start3A_1041 : memref<1x80x128xi32, #tpu.memory_space<vmem>> -> memref<80x128xi32, #tpu.memory_space<vmem>>
        %dma_start3A_1043 = arith.constant 0 : i32
        %dma_start3A_1044 = tpu.memref_slice %dma_start3A_1042[%add3A_1032, %dma_start3A_1043] : memref<80x128xi32, #tpu.memory_space<vmem>> -> memref<1x128xi32, #tpu.memory_space<vmem>>
        %dma_start3A_1045 = tpu.memref_squeeze %dma_start3A_1044 : memref<1x128xi32, #tpu.memory_space<vmem>> -> memref<128xi32, #tpu.memory_space<vmem>>
        %dma_start3A_1046 = arith.constant 0 : i32
        %dma_start3A_1047 = arith.constant 0 : i32
        %dma_start3A_1048 = tpu.memref_slice %arg9[%dma_start3A_1046, %dma_start3A_1047] : memref<10000x64xbf16, #tpu.memory_space<vmem_shared>> -> memref<10000x64xbf16, #tpu.memory_space<vmem_shared>>
        tpu.enqueue_indirect_dma source(%dma_start3A_1048 : memref<10000x64xbf16, #tpu.memory_space<vmem_shared>>) target(%dma_start3A_1038 : memref<128x64xbf16, #tpu.memory_space<vmem>>) offsets(%dma_start3A_1045 : memref<128xi32, #tpu.memory_space<vmem>>) semaphore(%arg10 : memref<!tpu.dma_semaphore, #tpu.memory_space<semaphore_mem>>)
        %mul3A_1049 = arith.constant 8 : i32
        %mul3A_1050 = arith.muli %add3A_968, %mul3A_1049 : i32
        %add3A_1051 = arith.constant 4 : i32
        %add3A_1052 = arith.addi %mul3A_1050, %add3A_1051 : i32
        %dma_start3A_1053 = arith.constant 1 : i32
        %dma_start3A_1054 = arith.constant 4 : i32
        %dma_start3A_1055 = arith.constant 0 : i32
        %dma_start3A_1056 = arith.constant 0 : i32
        %dma_start3A_1057 = tpu.memref_slice %arg7[%dma_start3A_1053, %dma_start3A_1054, %dma_start3A_1055, %dma_start3A_1056] : memref<2x8x128x64xbf16, #tpu.memory_space<vmem>> -> memref<1x1x128x64xbf16, #tpu.memory_space<vmem>>
        %dma_start3A_1058 = tpu.memref_squeeze %dma_start3A_1057 : memref<1x1x128x64xbf16, #tpu.memory_space<vmem>> -> memref<128x64xbf16, #tpu.memory_space<vmem>>
        %dma_start3A_1059 = arith.constant 0 : i32
        %dma_start3A_1060 = arith.constant 0 : i32
        %dma_start3A_1061 = tpu.memref_slice %arg6[%scan3A, %dma_start3A_1059, %dma_start3A_1060] : memref<2x80x128xi32, #tpu.memory_space<vmem>> -> memref<1x80x128xi32, #tpu.memory_space<vmem>>
        %dma_start3A_1062 = tpu.memref_squeeze %dma_start3A_1061 : memref<1x80x128xi32, #tpu.memory_space<vmem>> -> memref<80x128xi32, #tpu.memory_space<vmem>>
        %dma_start3A_1063 = arith.constant 0 : i32
        %dma_start3A_1064 = tpu.memref_slice %dma_start3A_1062[%add3A_1052, %dma_start3A_1063] : memref<80x128xi32, #tpu.memory_space<vmem>> -> memref<1x128xi32, #tpu.memory_space<vmem>>
        %dma_start3A_1065 = tpu.memref_squeeze %dma_start3A_1064 : memref<1x128xi32, #tpu.memory_space<vmem>> -> memref<128xi32, #tpu.memory_space<vmem>>
        %dma_start3A_1066 = arith.constant 0 : i32
        %dma_start3A_1067 = arith.constant 0 : i32
        %dma_start3A_1068 = tpu.memref_slice %arg9[%dma_start3A_1066, %dma_start3A_1067] : memref<10000x64xbf16, #tpu.memory_space<vmem_shared>> -> memref<10000x64xbf16, #tpu.memory_space<vmem_shared>>
        tpu.enqueue_indirect_dma source(%dma_start3A_1068 : memref<10000x64xbf16, #tpu.memory_space<vmem_shared>>) target(%dma_start3A_1058 : memref<128x64xbf16, #tpu.memory_space<vmem>>) offsets(%dma_start3A_1065 : memref<128xi32, #tpu.memory_space<vmem>>) semaphore(%arg10 : memref<!tpu.dma_semaphore, #tpu.memory_space<semaphore_mem>>)
        %mul3A_1069 = arith.constant 8 : i32
        %mul3A_1070 = arith.muli %add3A_968, %mul3A_1069 : i32
        %add3A_1071 = arith.constant 5 : i32
        %add3A_1072 = arith.addi %mul3A_1070, %add3A_1071 : i32
        %dma_start3A_1073 = arith.constant 1 : i32
        %dma_start3A_1074 = arith.constant 5 : i32
        %dma_start3A_1075 = arith.constant 0 : i32
        %dma_start3A_1076 = arith.constant 0 : i32
        %dma_start3A_1077 = tpu.memref_slice %arg7[%dma_start3A_1073, %dma_start3A_1074, %dma_start3A_1075, %dma_start3A_1076] : memref<2x8x128x64xbf16, #tpu.memory_space<vmem>> -> memref<1x1x128x64xbf16, #tpu.memory_space<vmem>>
        %dma_start3A_1078 = tpu.memref_squeeze %dma_start3A_1077 : memref<1x1x128x64xbf16, #tpu.memory_space<vmem>> -> memref<128x64xbf16, #tpu.memory_space<vmem>>
        %dma_start3A_1079 = arith.constant 0 : i32
        %dma_start3A_1080 = arith.constant 0 : i32
        %dma_start3A_1081 = tpu.memref_slice %arg6[%scan3A, %dma_start3A_1079, %dma_start3A_1080] : memref<2x80x128xi32, #tpu.memory_space<vmem>> -> memref<1x80x128xi32, #tpu.memory_space<vmem>>
        %dma_start3A_1082 = tpu.memref_squeeze %dma_start3A_1081 : memref<1x80x128xi32, #tpu.memory_space<vmem>> -> memref<80x128xi32, #tpu.memory_space<vmem>>
        %dma_start3A_1083 = arith.constant 0 : i32
        %dma_start3A_1084 = tpu.memref_slice %dma_start3A_1082[%add3A_1072, %dma_start3A_1083] : memref<80x128xi32, #tpu.memory_space<vmem>> -> memref<1x128xi32, #tpu.memory_space<vmem>>
        %dma_start3A_1085 = tpu.memref_squeeze %dma_start3A_1084 : memref<1x128xi32, #tpu.memory_space<vmem>> -> memref<128xi32, #tpu.memory_space<vmem>>
        %dma_start3A_1086 = arith.constant 0 : i32
        %dma_start3A_1087 = arith.constant 0 : i32
        %dma_start3A_1088 = tpu.memref_slice %arg9[%dma_start3A_1086, %dma_start3A_1087] : memref<10000x64xbf16, #tpu.memory_space<vmem_shared>> -> memref<10000x64xbf16, #tpu.memory_space<vmem_shared>>
        tpu.enqueue_indirect_dma source(%dma_start3A_1088 : memref<10000x64xbf16, #tpu.memory_space<vmem_shared>>) target(%dma_start3A_1078 : memref<128x64xbf16, #tpu.memory_space<vmem>>) offsets(%dma_start3A_1085 : memref<128xi32, #tpu.memory_space<vmem>>) semaphore(%arg10 : memref<!tpu.dma_semaphore, #tpu.memory_space<semaphore_mem>>)
        %mul3A_1089 = arith.constant 8 : i32
        %mul3A_1090 = arith.muli %add3A_968, %mul3A_1089 : i32
        %add3A_1091 = arith.constant 6 : i32
        %add3A_1092 = arith.addi %mul3A_1090, %add3A_1091 : i32
        %dma_start3A_1093 = arith.constant 1 : i32
        %dma_start3A_1094 = arith.constant 6 : i32
        %dma_start3A_1095 = arith.constant 0 : i32
        %dma_start3A_1096 = arith.constant 0 : i32
        %dma_start3A_1097 = tpu.memref_slice %arg7[%dma_start3A_1093, %dma_start3A_1094, %dma_start3A_1095, %dma_start3A_1096] : memref<2x8x128x64xbf16, #tpu.memory_space<vmem>> -> memref<1x1x128x64xbf16, #tpu.memory_space<vmem>>
        %dma_start3A_1098 = tpu.memref_squeeze %dma_start3A_1097 : memref<1x1x128x64xbf16, #tpu.memory_space<vmem>> -> memref<128x64xbf16, #tpu.memory_space<vmem>>
        %dma_start3A_1099 = arith.constant 0 : i32
        %dma_start3A_1100 = arith.constant 0 : i32
        %dma_start3A_1101 = tpu.memref_slice %arg6[%scan3A, %dma_start3A_1099, %dma_start3A_1100] : memref<2x80x128xi32, #tpu.memory_space<vmem>> -> memref<1x80x128xi32, #tpu.memory_space<vmem>>
        %dma_start3A_1102 = tpu.memref_squeeze %dma_start3A_1101 : memref<1x80x128xi32, #tpu.memory_space<vmem>> -> memref<80x128xi32, #tpu.memory_space<vmem>>
        %dma_start3A_1103 = arith.constant 0 : i32
        %dma_start3A_1104 = tpu.memref_slice %dma_start3A_1102[%add3A_1092, %dma_start3A_1103] : memref<80x128xi32, #tpu.memory_space<vmem>> -> memref<1x128xi32, #tpu.memory_space<vmem>>
        %dma_start3A_1105 = tpu.memref_squeeze %dma_start3A_1104 : memref<1x128xi32, #tpu.memory_space<vmem>> -> memref<128xi32, #tpu.memory_space<vmem>>
        %dma_start3A_1106 = arith.constant 0 : i32
        %dma_start3A_1107 = arith.constant 0 : i32
        %dma_start3A_1108 = tpu.memref_slice %arg9[%dma_start3A_1106, %dma_start3A_1107] : memref<10000x64xbf16, #tpu.memory_space<vmem_shared>> -> memref<10000x64xbf16, #tpu.memory_space<vmem_shared>>
        tpu.enqueue_indirect_dma source(%dma_start3A_1108 : memref<10000x64xbf16, #tpu.memory_space<vmem_shared>>) target(%dma_start3A_1098 : memref<128x64xbf16, #tpu.memory_space<vmem>>) offsets(%dma_start3A_1105 : memref<128xi32, #tpu.memory_space<vmem>>) semaphore(%arg10 : memref<!tpu.dma_semaphore, #tpu.memory_space<semaphore_mem>>)
        %mul3A_1109 = arith.constant 8 : i32
        %mul3A_1110 = arith.muli %add3A_968, %mul3A_1109 : i32
        %add3A_1111 = arith.constant 7 : i32
        %add3A_1112 = arith.addi %mul3A_1110, %add3A_1111 : i32
        %dma_start3A_1113 = arith.constant 1 : i32
        %dma_start3A_1114 = arith.constant 7 : i32
        %dma_start3A_1115 = arith.constant 0 : i32
        %dma_start3A_1116 = arith.constant 0 : i32
        %dma_start3A_1117 = tpu.memref_slice %arg7[%dma_start3A_1113, %dma_start3A_1114, %dma_start3A_1115, %dma_start3A_1116] : memref<2x8x128x64xbf16, #tpu.memory_space<vmem>> -> memref<1x1x128x64xbf16, #tpu.memory_space<vmem>>
        %dma_start3A_1118 = tpu.memref_squeeze %dma_start3A_1117 : memref<1x1x128x64xbf16, #tpu.memory_space<vmem>> -> memref<128x64xbf16, #tpu.memory_space<vmem>>
        %dma_start3A_1119 = arith.constant 0 : i32
        %dma_start3A_1120 = arith.constant 0 : i32
        %dma_start3A_1121 = tpu.memref_slice %arg6[%scan3A, %dma_start3A_1119, %dma_start3A_1120] : memref<2x80x128xi32, #tpu.memory_space<vmem>> -> memref<1x80x128xi32, #tpu.memory_space<vmem>>
        %dma_start3A_1122 = tpu.memref_squeeze %dma_start3A_1121 : memref<1x80x128xi32, #tpu.memory_space<vmem>> -> memref<80x128xi32, #tpu.memory_space<vmem>>
        %dma_start3A_1123 = arith.constant 0 : i32
        %dma_start3A_1124 = tpu.memref_slice %dma_start3A_1122[%add3A_1112, %dma_start3A_1123] : memref<80x128xi32, #tpu.memory_space<vmem>> -> memref<1x128xi32, #tpu.memory_space<vmem>>
        %dma_start3A_1125 = tpu.memref_squeeze %dma_start3A_1124 : memref<1x128xi32, #tpu.memory_space<vmem>> -> memref<128xi32, #tpu.memory_space<vmem>>
        %dma_start3A_1126 = arith.constant 0 : i32
        %dma_start3A_1127 = arith.constant 0 : i32
        %dma_start3A_1128 = tpu.memref_slice %arg9[%dma_start3A_1126, %dma_start3A_1127] : memref<10000x64xbf16, #tpu.memory_space<vmem_shared>> -> memref<10000x64xbf16, #tpu.memory_space<vmem_shared>>
        tpu.enqueue_indirect_dma source(%dma_start3A_1128 : memref<10000x64xbf16, #tpu.memory_space<vmem_shared>>) target(%dma_start3A_1118 : memref<128x64xbf16, #tpu.memory_space<vmem>>) offsets(%dma_start3A_1125 : memref<128xi32, #tpu.memory_space<vmem>>) semaphore(%arg10 : memref<!tpu.dma_semaphore, #tpu.memory_space<semaphore_mem>>)
      } else {
      }
      %mul3A_471 = arith.constant 8 : i32
      %mul3A_472 = arith.muli %mul3A_302, %mul3A_471 : i32
      %add3A_473 = arith.constant 0 : i32
      %add3A_474 = arith.addi %mul3A_472, %add3A_473 : i32
      %dma_start3A_475 = arith.constant 0 : i32
      %dma_start3A_476 = arith.constant 0 : i32
      %dma_start3A_477 = arith.constant 0 : i32
      %dma_start3A_478 = arith.constant 0 : i32
      %dma_start3A_479 = tpu.memref_slice %arg7[%dma_start3A_475, %dma_start3A_476, %dma_start3A_477, %dma_start3A_478] : memref<2x8x128x64xbf16, #tpu.memory_space<vmem>> -> memref<1x1x128x64xbf16, #tpu.memory_space<vmem>>
      %dma_start3A_480 = tpu.memref_squeeze %dma_start3A_479 : memref<1x1x128x64xbf16, #tpu.memory_space<vmem>> -> memref<128x64xbf16, #tpu.memory_space<vmem>>
      %dma_start3A_481 = arith.constant 0 : i32
      %dma_start3A_482 = arith.constant 0 : i32
      %dma_start3A_483 = tpu.memref_slice %arg6[%scan3A_150, %dma_start3A_481, %dma_start3A_482] : memref<2x80x128xi32, #tpu.memory_space<vmem>> -> memref<1x80x128xi32, #tpu.memory_space<vmem>>
      %dma_start3A_484 = tpu.memref_squeeze %dma_start3A_483 : memref<1x80x128xi32, #tpu.memory_space<vmem>> -> memref<80x128xi32, #tpu.memory_space<vmem>>
      %dma_start3A_485 = arith.constant 0 : i32
      %dma_start3A_486 = tpu.memref_slice %dma_start3A_484[%add3A_474, %dma_start3A_485] : memref<80x128xi32, #tpu.memory_space<vmem>> -> memref<1x128xi32, #tpu.memory_space<vmem>>
      %dma_start3A_487 = tpu.memref_squeeze %dma_start3A_486 : memref<1x128xi32, #tpu.memory_space<vmem>> -> memref<128xi32, #tpu.memory_space<vmem>>
      %dma_start3A_488 = arith.constant 0 : i32
      %dma_start3A_489 = arith.constant 0 : i32
      %dma_start3A_490 = tpu.memref_slice %arg8[%dma_start3A_488, %dma_start3A_489] : memref<10112x64xbf16, #tpu.memory_space<vmem_shared>> -> memref<10112x64xbf16, #tpu.memory_space<vmem_shared>>
      tpu.enqueue_indirect_dma source(%dma_start3A_480 : memref<128x64xbf16, #tpu.memory_space<vmem>>) target(%dma_start3A_490 : memref<10112x64xbf16, #tpu.memory_space<vmem_shared>>) offsets(%dma_start3A_487 : memref<128xi32, #tpu.memory_space<vmem>>) semaphore(%arg11 : memref<!tpu.dma_semaphore, #tpu.memory_space<semaphore_mem>>) {add = true}
      %mul3A_491 = arith.constant 8 : i32
      %mul3A_492 = arith.muli %mul3A_302, %mul3A_491 : i32
      %add3A_493 = arith.constant 1 : i32
      %add3A_494 = arith.addi %mul3A_492, %add3A_493 : i32
      %dma_start3A_495 = arith.constant 0 : i32
      %dma_start3A_496 = arith.constant 1 : i32
      %dma_start3A_497 = arith.constant 0 : i32
      %dma_start3A_498 = arith.constant 0 : i32
      %dma_start3A_499 = tpu.memref_slice %arg7[%dma_start3A_495, %dma_start3A_496, %dma_start3A_497, %dma_start3A_498] : memref<2x8x128x64xbf16, #tpu.memory_space<vmem>> -> memref<1x1x128x64xbf16, #tpu.memory_space<vmem>>
      %dma_start3A_500 = tpu.memref_squeeze %dma_start3A_499 : memref<1x1x128x64xbf16, #tpu.memory_space<vmem>> -> memref<128x64xbf16, #tpu.memory_space<vmem>>
      %dma_start3A_501 = arith.constant 0 : i32
      %dma_start3A_502 = arith.constant 0 : i32
      %dma_start3A_503 = tpu.memref_slice %arg6[%scan3A_150, %dma_start3A_501, %dma_start3A_502] : memref<2x80x128xi32, #tpu.memory_space<vmem>> -> memref<1x80x128xi32, #tpu.memory_space<vmem>>
      %dma_start3A_504 = tpu.memref_squeeze %dma_start3A_503 : memref<1x80x128xi32, #tpu.memory_space<vmem>> -> memref<80x128xi32, #tpu.memory_space<vmem>>
      %dma_start3A_505 = arith.constant 0 : i32
      %dma_start3A_506 = tpu.memref_slice %dma_start3A_504[%add3A_494, %dma_start3A_505] : memref<80x128xi32, #tpu.memory_space<vmem>> -> memref<1x128xi32, #tpu.memory_space<vmem>>
      %dma_start3A_507 = tpu.memref_squeeze %dma_start3A_506 : memref<1x128xi32, #tpu.memory_space<vmem>> -> memref<128xi32, #tpu.memory_space<vmem>>
      %dma_start3A_508 = arith.constant 0 : i32
      %dma_start3A_509 = arith.constant 0 : i32
      %dma_start3A_510 = tpu.memref_slice %arg8[%dma_start3A_508, %dma_start3A_509] : memref<10112x64xbf16, #tpu.memory_space<vmem_shared>> -> memref<10112x64xbf16, #tpu.memory_space<vmem_shared>>
      tpu.enqueue_indirect_dma source(%dma_start3A_500 : memref<128x64xbf16, #tpu.memory_space<vmem>>) target(%dma_start3A_510 : memref<10112x64xbf16, #tpu.memory_space<vmem_shared>>) offsets(%dma_start3A_507 : memref<128xi32, #tpu.memory_space<vmem>>) semaphore(%arg11 : memref<!tpu.dma_semaphore, #tpu.memory_space<semaphore_mem>>) {add = true}
      %mul3A_511 = arith.constant 8 : i32
      %mul3A_512 = arith.muli %mul3A_302, %mul3A_511 : i32
      %add3A_513 = arith.constant 2 : i32
      %add3A_514 = arith.addi %mul3A_512, %add3A_513 : i32
      %dma_start3A_515 = arith.constant 0 : i32
      %dma_start3A_516 = arith.constant 2 : i32
      %dma_start3A_517 = arith.constant 0 : i32
      %dma_start3A_518 = arith.constant 0 : i32
      %dma_start3A_519 = tpu.memref_slice %arg7[%dma_start3A_515, %dma_start3A_516, %dma_start3A_517, %dma_start3A_518] : memref<2x8x128x64xbf16, #tpu.memory_space<vmem>> -> memref<1x1x128x64xbf16, #tpu.memory_space<vmem>>
      %dma_start3A_520 = tpu.memref_squeeze %dma_start3A_519 : memref<1x1x128x64xbf16, #tpu.memory_space<vmem>> -> memref<128x64xbf16, #tpu.memory_space<vmem>>
      %dma_start3A_521 = arith.constant 0 : i32
      %dma_start3A_522 = arith.constant 0 : i32
      %dma_start3A_523 = tpu.memref_slice %arg6[%scan3A_150, %dma_start3A_521, %dma_start3A_522] : memref<2x80x128xi32, #tpu.memory_space<vmem>> -> memref<1x80x128xi32, #tpu.memory_space<vmem>>
      %dma_start3A_524 = tpu.memref_squeeze %dma_start3A_523 : memref<1x80x128xi32, #tpu.memory_space<vmem>> -> memref<80x128xi32, #tpu.memory_space<vmem>>
      %dma_start3A_525 = arith.constant 0 : i32
      %dma_start3A_526 = tpu.memref_slice %dma_start3A_524[%add3A_514, %dma_start3A_525] : memref<80x128xi32, #tpu.memory_space<vmem>> -> memref<1x128xi32, #tpu.memory_space<vmem>>
      %dma_start3A_527 = tpu.memref_squeeze %dma_start3A_526 : memref<1x128xi32, #tpu.memory_space<vmem>> -> memref<128xi32, #tpu.memory_space<vmem>>
      %dma_start3A_528 = arith.constant 0 : i32
      %dma_start3A_529 = arith.constant 0 : i32
      %dma_start3A_530 = tpu.memref_slice %arg8[%dma_start3A_528, %dma_start3A_529] : memref<10112x64xbf16, #tpu.memory_space<vmem_shared>> -> memref<10112x64xbf16, #tpu.memory_space<vmem_shared>>
      tpu.enqueue_indirect_dma source(%dma_start3A_520 : memref<128x64xbf16, #tpu.memory_space<vmem>>) target(%dma_start3A_530 : memref<10112x64xbf16, #tpu.memory_space<vmem_shared>>) offsets(%dma_start3A_527 : memref<128xi32, #tpu.memory_space<vmem>>) semaphore(%arg11 : memref<!tpu.dma_semaphore, #tpu.memory_space<semaphore_mem>>) {add = true}
      %mul3A_531 = arith.constant 8 : i32
      %mul3A_532 = arith.muli %mul3A_302, %mul3A_531 : i32
      %add3A_533 = arith.constant 3 : i32
      %add3A_534 = arith.addi %mul3A_532, %add3A_533 : i32
      %dma_start3A_535 = arith.constant 0 : i32
      %dma_start3A_536 = arith.constant 3 : i32
      %dma_start3A_537 = arith.constant 0 : i32
      %dma_start3A_538 = arith.constant 0 : i32
      %dma_start3A_539 = tpu.memref_slice %arg7[%dma_start3A_535, %dma_start3A_536, %dma_start3A_537, %dma_start3A_538] : memref<2x8x128x64xbf16, #tpu.memory_space<vmem>> -> memref<1x1x128x64xbf16, #tpu.memory_space<vmem>>
      %dma_start3A_540 = tpu.memref_squeeze %dma_start3A_539 : memref<1x1x128x64xbf16, #tpu.memory_space<vmem>> -> memref<128x64xbf16, #tpu.memory_space<vmem>>
      %dma_start3A_541 = arith.constant 0 : i32
      %dma_start3A_542 = arith.constant 0 : i32
      %dma_start3A_543 = tpu.memref_slice %arg6[%scan3A_150, %dma_start3A_541, %dma_start3A_542] : memref<2x80x128xi32, #tpu.memory_space<vmem>> -> memref<1x80x128xi32, #tpu.memory_space<vmem>>
      %dma_start3A_544 = tpu.memref_squeeze %dma_start3A_543 : memref<1x80x128xi32, #tpu.memory_space<vmem>> -> memref<80x128xi32, #tpu.memory_space<vmem>>
      %dma_start3A_545 = arith.constant 0 : i32
      %dma_start3A_546 = tpu.memref_slice %dma_start3A_544[%add3A_534, %dma_start3A_545] : memref<80x128xi32, #tpu.memory_space<vmem>> -> memref<1x128xi32, #tpu.memory_space<vmem>>
      %dma_start3A_547 = tpu.memref_squeeze %dma_start3A_546 : memref<1x128xi32, #tpu.memory_space<vmem>> -> memref<128xi32, #tpu.memory_space<vmem>>
      %dma_start3A_548 = arith.constant 0 : i32
      %dma_start3A_549 = arith.constant 0 : i32
      %dma_start3A_550 = tpu.memref_slice %arg8[%dma_start3A_548, %dma_start3A_549] : memref<10112x64xbf16, #tpu.memory_space<vmem_shared>> -> memref<10112x64xbf16, #tpu.memory_space<vmem_shared>>
      tpu.enqueue_indirect_dma source(%dma_start3A_540 : memref<128x64xbf16, #tpu.memory_space<vmem>>) target(%dma_start3A_550 : memref<10112x64xbf16, #tpu.memory_space<vmem_shared>>) offsets(%dma_start3A_547 : memref<128xi32, #tpu.memory_space<vmem>>) semaphore(%arg11 : memref<!tpu.dma_semaphore, #tpu.memory_space<semaphore_mem>>) {add = true}
      %mul3A_551 = arith.constant 8 : i32
      %mul3A_552 = arith.muli %mul3A_302, %mul3A_551 : i32
      %add3A_553 = arith.constant 4 : i32
      %add3A_554 = arith.addi %mul3A_552, %add3A_553 : i32
      %dma_start3A_555 = arith.constant 0 : i32
      %dma_start3A_556 = arith.constant 4 : i32
      %dma_start3A_557 = arith.constant 0 : i32
      %dma_start3A_558 = arith.constant 0 : i32
      %dma_start3A_559 = tpu.memref_slice %arg7[%dma_start3A_555, %dma_start3A_556, %dma_start3A_557, %dma_start3A_558] : memref<2x8x128x64xbf16, #tpu.memory_space<vmem>> -> memref<1x1x128x64xbf16, #tpu.memory_space<vmem>>
      %dma_start3A_560 = tpu.memref_squeeze %dma_start3A_559 : memref<1x1x128x64xbf16, #tpu.memory_space<vmem>> -> memref<128x64xbf16, #tpu.memory_space<vmem>>
      %dma_start3A_561 = arith.constant 0 : i32
      %dma_start3A_562 = arith.constant 0 : i32
      %dma_start3A_563 = tpu.memref_slice %arg6[%scan3A_150, %dma_start3A_561, %dma_start3A_562] : memref<2x80x128xi32, #tpu.memory_space<vmem>> -> memref<1x80x128xi32, #tpu.memory_space<vmem>>
      %dma_start3A_564 = tpu.memref_squeeze %dma_start3A_563 : memref<1x80x128xi32, #tpu.memory_space<vmem>> -> memref<80x128xi32, #tpu.memory_space<vmem>>
      %dma_start3A_565 = arith.constant 0 : i32
      %dma_start3A_566 = tpu.memref_slice %dma_start3A_564[%add3A_554, %dma_start3A_565] : memref<80x128xi32, #tpu.memory_space<vmem>> -> memref<1x128xi32, #tpu.memory_space<vmem>>
      %dma_start3A_567 = tpu.memref_squeeze %dma_start3A_566 : memref<1x128xi32, #tpu.memory_space<vmem>> -> memref<128xi32, #tpu.memory_space<vmem>>
      %dma_start3A_568 = arith.constant 0 : i32
      %dma_start3A_569 = arith.constant 0 : i32
      %dma_start3A_570 = tpu.memref_slice %arg8[%dma_start3A_568, %dma_start3A_569] : memref<10112x64xbf16, #tpu.memory_space<vmem_shared>> -> memref<10112x64xbf16, #tpu.memory_space<vmem_shared>>
      tpu.enqueue_indirect_dma source(%dma_start3A_560 : memref<128x64xbf16, #tpu.memory_space<vmem>>) target(%dma_start3A_570 : memref<10112x64xbf16, #tpu.memory_space<vmem_shared>>) offsets(%dma_start3A_567 : memref<128xi32, #tpu.memory_space<vmem>>) semaphore(%arg11 : memref<!tpu.dma_semaphore, #tpu.memory_space<semaphore_mem>>) {add = true}
      %mul3A_571 = arith.constant 8 : i32
      %mul3A_572 = arith.muli %mul3A_302, %mul3A_571 : i32
      %add3A_573 = arith.constant 5 : i32
      %add3A_574 = arith.addi %mul3A_572, %add3A_573 : i32
      %dma_start3A_575 = arith.constant 0 : i32
      %dma_start3A_576 = arith.constant 5 : i32
      %dma_start3A_577 = arith.constant 0 : i32
      %dma_start3A_578 = arith.constant 0 : i32
      %dma_start3A_579 = tpu.memref_slice %arg7[%dma_start3A_575, %dma_start3A_576, %dma_start3A_577, %dma_start3A_578] : memref<2x8x128x64xbf16, #tpu.memory_space<vmem>> -> memref<1x1x128x64xbf16, #tpu.memory_space<vmem>>
      %dma_start3A_580 = tpu.memref_squeeze %dma_start3A_579 : memref<1x1x128x64xbf16, #tpu.memory_space<vmem>> -> memref<128x64xbf16, #tpu.memory_space<vmem>>
      %dma_start3A_581 = arith.constant 0 : i32
      %dma_start3A_582 = arith.constant 0 : i32
      %dma_start3A_583 = tpu.memref_slice %arg6[%scan3A_150, %dma_start3A_581, %dma_start3A_582] : memref<2x80x128xi32, #tpu.memory_space<vmem>> -> memref<1x80x128xi32, #tpu.memory_space<vmem>>
      %dma_start3A_584 = tpu.memref_squeeze %dma_start3A_583 : memref<1x80x128xi32, #tpu.memory_space<vmem>> -> memref<80x128xi32, #tpu.memory_space<vmem>>
      %dma_start3A_585 = arith.constant 0 : i32
      %dma_start3A_586 = tpu.memref_slice %dma_start3A_584[%add3A_574, %dma_start3A_585] : memref<80x128xi32, #tpu.memory_space<vmem>> -> memref<1x128xi32, #tpu.memory_space<vmem>>
      %dma_start3A_587 = tpu.memref_squeeze %dma_start3A_586 : memref<1x128xi32, #tpu.memory_space<vmem>> -> memref<128xi32, #tpu.memory_space<vmem>>
      %dma_start3A_588 = arith.constant 0 : i32
      %dma_start3A_589 = arith.constant 0 : i32
      %dma_start3A_590 = tpu.memref_slice %arg8[%dma_start3A_588, %dma_start3A_589] : memref<10112x64xbf16, #tpu.memory_space<vmem_shared>> -> memref<10112x64xbf16, #tpu.memory_space<vmem_shared>>
      tpu.enqueue_indirect_dma source(%dma_start3A_580 : memref<128x64xbf16, #tpu.memory_space<vmem>>) target(%dma_start3A_590 : memref<10112x64xbf16, #tpu.memory_space<vmem_shared>>) offsets(%dma_start3A_587 : memref<128xi32, #tpu.memory_space<vmem>>) semaphore(%arg11 : memref<!tpu.dma_semaphore, #tpu.memory_space<semaphore_mem>>) {add = true}
      %mul3A_591 = arith.constant 8 : i32
      %mul3A_592 = arith.muli %mul3A_302, %mul3A_591 : i32
      %add3A_593 = arith.constant 6 : i32
      %add3A_594 = arith.addi %mul3A_592, %add3A_593 : i32
      %dma_start3A_595 = arith.constant 0 : i32
      %dma_start3A_596 = arith.constant 6 : i32
      %dma_start3A_597 = arith.constant 0 : i32
      %dma_start3A_598 = arith.constant 0 : i32
      %dma_start3A_599 = tpu.memref_slice %arg7[%dma_start3A_595, %dma_start3A_596, %dma_start3A_597, %dma_start3A_598] : memref<2x8x128x64xbf16, #tpu.memory_space<vmem>> -> memref<1x1x128x64xbf16, #tpu.memory_space<vmem>>
      %dma_start3A_600 = tpu.memref_squeeze %dma_start3A_599 : memref<1x1x128x64xbf16, #tpu.memory_space<vmem>> -> memref<128x64xbf16, #tpu.memory_space<vmem>>
      %dma_start3A_601 = arith.constant 0 : i32
      %dma_start3A_602 = arith.constant 0 : i32
      %dma_start3A_603 = tpu.memref_slice %arg6[%scan3A_150, %dma_start3A_601, %dma_start3A_602] : memref<2x80x128xi32, #tpu.memory_space<vmem>> -> memref<1x80x128xi32, #tpu.memory_space<vmem>>
      %dma_start3A_604 = tpu.memref_squeeze %dma_start3A_603 : memref<1x80x128xi32, #tpu.memory_space<vmem>> -> memref<80x128xi32, #tpu.memory_space<vmem>>
      %dma_start3A_605 = arith.constant 0 : i32
      %dma_start3A_606 = tpu.memref_slice %dma_start3A_604[%add3A_594, %dma_start3A_605] : memref<80x128xi32, #tpu.memory_space<vmem>> -> memref<1x128xi32, #tpu.memory_space<vmem>>
      %dma_start3A_607 = tpu.memref_squeeze %dma_start3A_606 : memref<1x128xi32, #tpu.memory_space<vmem>> -> memref<128xi32, #tpu.memory_space<vmem>>
      %dma_start3A_608 = arith.constant 0 : i32
      %dma_start3A_609 = arith.constant 0 : i32
      %dma_start3A_610 = tpu.memref_slice %arg8[%dma_start3A_608, %dma_start3A_609] : memref<10112x64xbf16, #tpu.memory_space<vmem_shared>> -> memref<10112x64xbf16, #tpu.memory_space<vmem_shared>>
      tpu.enqueue_indirect_dma source(%dma_start3A_600 : memref<128x64xbf16, #tpu.memory_space<vmem>>) target(%dma_start3A_610 : memref<10112x64xbf16, #tpu.memory_space<vmem_shared>>) offsets(%dma_start3A_607 : memref<128xi32, #tpu.memory_space<vmem>>) semaphore(%arg11 : memref<!tpu.dma_semaphore, #tpu.memory_space<semaphore_mem>>) {add = true}
      %mul3A_611 = arith.constant 8 : i32
      %mul3A_612 = arith.muli %mul3A_302, %mul3A_611 : i32
      %add3A_613 = arith.constant 7 : i32
      %add3A_614 = arith.addi %mul3A_612, %add3A_613 : i32
      %dma_start3A_615 = arith.constant 0 : i32
      %dma_start3A_616 = arith.constant 7 : i32
      %dma_start3A_617 = arith.constant 0 : i32
      %dma_start3A_618 = arith.constant 0 : i32
      %dma_start3A_619 = tpu.memref_slice %arg7[%dma_start3A_615, %dma_start3A_616, %dma_start3A_617, %dma_start3A_618] : memref<2x8x128x64xbf16, #tpu.memory_space<vmem>> -> memref<1x1x128x64xbf16, #tpu.memory_space<vmem>>
      %dma_start3A_620 = tpu.memref_squeeze %dma_start3A_619 : memref<1x1x128x64xbf16, #tpu.memory_space<vmem>> -> memref<128x64xbf16, #tpu.memory_space<vmem>>
      %dma_start3A_621 = arith.constant 0 : i32
      %dma_start3A_622 = arith.constant 0 : i32
      %dma_start3A_623 = tpu.memref_slice %arg6[%scan3A_150, %dma_start3A_621, %dma_start3A_622] : memref<2x80x128xi32, #tpu.memory_space<vmem>> -> memref<1x80x128xi32, #tpu.memory_space<vmem>>
      %dma_start3A_624 = tpu.memref_squeeze %dma_start3A_623 : memref<1x80x128xi32, #tpu.memory_space<vmem>> -> memref<80x128xi32, #tpu.memory_space<vmem>>
      %dma_start3A_625 = arith.constant 0 : i32
      %dma_start3A_626 = tpu.memref_slice %dma_start3A_624[%add3A_614, %dma_start3A_625] : memref<80x128xi32, #tpu.memory_space<vmem>> -> memref<1x128xi32, #tpu.memory_space<vmem>>
      %dma_start3A_627 = tpu.memref_squeeze %dma_start3A_626 : memref<1x128xi32, #tpu.memory_space<vmem>> -> memref<128xi32, #tpu.memory_space<vmem>>
      %dma_start3A_628 = arith.constant 0 : i32
      %dma_start3A_629 = arith.constant 0 : i32
      %dma_start3A_630 = tpu.memref_slice %arg8[%dma_start3A_628, %dma_start3A_629] : memref<10112x64xbf16, #tpu.memory_space<vmem_shared>> -> memref<10112x64xbf16, #tpu.memory_space<vmem_shared>>
      tpu.enqueue_indirect_dma source(%dma_start3A_620 : memref<128x64xbf16, #tpu.memory_space<vmem>>) target(%dma_start3A_630 : memref<10112x64xbf16, #tpu.memory_space<vmem_shared>>) offsets(%dma_start3A_627 : memref<128xi32, #tpu.memory_space<vmem>>) semaphore(%arg11 : memref<!tpu.dma_semaphore, #tpu.memory_space<semaphore_mem>>) {add = true}
      %mul3A_631 = arith.constant 2 : i32
      %mul3A_632 = arith.muli %mul3A_631, %scan3A_300 : i32
      %add3A_633 = arith.constant 1 : i32
      %add3A_634 = arith.addi %mul3A_632, %add3A_633 : i32
      %mul3A_635 = arith.constant 8 : i32
      %mul3A_636 = arith.muli %add3A_634, %mul3A_635 : i32
      %add3A_637 = arith.constant 0 : i32
      %add3A_638 = arith.addi %mul3A_636, %add3A_637 : i32
      %dma_wait3A_639 = arith.constant 1 : i32
      %dma_wait3A_640 = arith.constant 0 : i32
      %dma_wait3A_641 = arith.constant 0 : i32
      %dma_wait3A_642 = arith.constant 0 : i32
      %dma_wait3A_643 = tpu.memref_slice %arg7[%dma_wait3A_639, %dma_wait3A_640, %dma_wait3A_641, %dma_wait3A_642] : memref<2x8x128x64xbf16, #tpu.memory_space<vmem>> -> memref<1x1x128x64xbf16, #tpu.memory_space<vmem>>
      %dma_wait3A_644 = tpu.memref_squeeze %dma_wait3A_643 : memref<1x1x128x64xbf16, #tpu.memory_space<vmem>> -> memref<128x64xbf16, #tpu.memory_space<vmem>>
      %dma_wait3A_645 = arith.constant 0 : i32
      %dma_wait3A_646 = arith.constant 0 : i32
      %dma_wait3A_647 = tpu.memref_slice %arg6[%scan3A, %dma_wait3A_645, %dma_wait3A_646] : memref<2x80x128xi32, #tpu.memory_space<vmem>> -> memref<1x80x128xi32, #tpu.memory_space<vmem>>
      %dma_wait3A_648 = tpu.memref_squeeze %dma_wait3A_647 : memref<1x80x128xi32, #tpu.memory_space<vmem>> -> memref<80x128xi32, #tpu.memory_space<vmem>>
      %dma_wait3A_649 = arith.constant 0 : i32
      %dma_wait3A_650 = tpu.memref_slice %dma_wait3A_648[%add3A_638, %dma_wait3A_649] : memref<80x128xi32, #tpu.memory_space<vmem>> -> memref<1x128xi32, #tpu.memory_space<vmem>>
      %dma_wait3A_651 = tpu.memref_squeeze %dma_wait3A_650 : memref<1x128xi32, #tpu.memory_space<vmem>> -> memref<128xi32, #tpu.memory_space<vmem>>
      %dma_wait3A_652 = arith.constant 0 : i32
      %dma_wait3A_653 = arith.constant 0 : i32
      %dma_wait3A_654 = tpu.memref_slice %arg9[%dma_wait3A_652, %dma_wait3A_653] : memref<10000x64xbf16, #tpu.memory_space<vmem_shared>> -> memref<10000x64xbf16, #tpu.memory_space<vmem_shared>>
      tpu.wait_indirect_dma semaphore(%arg10 : memref<!tpu.dma_semaphore, #tpu.memory_space<semaphore_mem>>) src(%dma_wait3A_654 : memref<10000x64xbf16, #tpu.memory_space<vmem_shared>>) dst(%dma_wait3A_644 : memref<128x64xbf16, #tpu.memory_space<vmem>>)
      %mul3A_655 = arith.constant 8 : i32
      %mul3A_656 = arith.muli %add3A_634, %mul3A_655 : i32
      %add3A_657 = arith.constant 1 : i32
      %add3A_658 = arith.addi %mul3A_656, %add3A_657 : i32
      %dma_wait3A_659 = arith.constant 1 : i32
      %dma_wait3A_660 = arith.constant 1 : i32
      %dma_wait3A_661 = arith.constant 0 : i32
      %dma_wait3A_662 = arith.constant 0 : i32
      %dma_wait3A_663 = tpu.memref_slice %arg7[%dma_wait3A_659, %dma_wait3A_660, %dma_wait3A_661, %dma_wait3A_662] : memref<2x8x128x64xbf16, #tpu.memory_space<vmem>> -> memref<1x1x128x64xbf16, #tpu.memory_space<vmem>>
      %dma_wait3A_664 = tpu.memref_squeeze %dma_wait3A_663 : memref<1x1x128x64xbf16, #tpu.memory_space<vmem>> -> memref<128x64xbf16, #tpu.memory_space<vmem>>
      %dma_wait3A_665 = arith.constant 0 : i32
      %dma_wait3A_666 = arith.constant 0 : i32
      %dma_wait3A_667 = tpu.memref_slice %arg6[%scan3A, %dma_wait3A_665, %dma_wait3A_666] : memref<2x80x128xi32, #tpu.memory_space<vmem>> -> memref<1x80x128xi32, #tpu.memory_space<vmem>>
      %dma_wait3A_668 = tpu.memref_squeeze %dma_wait3A_667 : memref<1x80x128xi32, #tpu.memory_space<vmem>> -> memref<80x128xi32, #tpu.memory_space<vmem>>
      %dma_wait3A_669 = arith.constant 0 : i32
      %dma_wait3A_670 = tpu.memref_slice %dma_wait3A_668[%add3A_658, %dma_wait3A_669] : memref<80x128xi32, #tpu.memory_space<vmem>> -> memref<1x128xi32, #tpu.memory_space<vmem>>
      %dma_wait3A_671 = tpu.memref_squeeze %dma_wait3A_670 : memref<1x128xi32, #tpu.memory_space<vmem>> -> memref<128xi32, #tpu.memory_space<vmem>>
      %dma_wait3A_672 = arith.constant 0 : i32
      %dma_wait3A_673 = arith.constant 0 : i32
      %dma_wait3A_674 = tpu.memref_slice %arg9[%dma_wait3A_672, %dma_wait3A_673] : memref<10000x64xbf16, #tpu.memory_space<vmem_shared>> -> memref<10000x64xbf16, #tpu.memory_space<vmem_shared>>
      tpu.wait_indirect_dma semaphore(%arg10 : memref<!tpu.dma_semaphore, #tpu.memory_space<semaphore_mem>>) src(%dma_wait3A_674 : memref<10000x64xbf16, #tpu.memory_space<vmem_shared>>) dst(%dma_wait3A_664 : memref<128x64xbf16, #tpu.memory_space<vmem>>)
      %mul3A_675 = arith.constant 8 : i32
      %mul3A_676 = arith.muli %add3A_634, %mul3A_675 : i32
      %add3A_677 = arith.constant 2 : i32
      %add3A_678 = arith.addi %mul3A_676, %add3A_677 : i32
      %dma_wait3A_679 = arith.constant 1 : i32
      %dma_wait3A_680 = arith.constant 2 : i32
      %dma_wait3A_681 = arith.constant 0 : i32
      %dma_wait3A_682 = arith.constant 0 : i32
      %dma_wait3A_683 = tpu.memref_slice %arg7[%dma_wait3A_679, %dma_wait3A_680, %dma_wait3A_681, %dma_wait3A_682] : memref<2x8x128x64xbf16, #tpu.memory_space<vmem>> -> memref<1x1x128x64xbf16, #tpu.memory_space<vmem>>
      %dma_wait3A_684 = tpu.memref_squeeze %dma_wait3A_683 : memref<1x1x128x64xbf16, #tpu.memory_space<vmem>> -> memref<128x64xbf16, #tpu.memory_space<vmem>>
      %dma_wait3A_685 = arith.constant 0 : i32
      %dma_wait3A_686 = arith.constant 0 : i32
      %dma_wait3A_687 = tpu.memref_slice %arg6[%scan3A, %dma_wait3A_685, %dma_wait3A_686] : memref<2x80x128xi32, #tpu.memory_space<vmem>> -> memref<1x80x128xi32, #tpu.memory_space<vmem>>
      %dma_wait3A_688 = tpu.memref_squeeze %dma_wait3A_687 : memref<1x80x128xi32, #tpu.memory_space<vmem>> -> memref<80x128xi32, #tpu.memory_space<vmem>>
      %dma_wait3A_689 = arith.constant 0 : i32
      %dma_wait3A_690 = tpu.memref_slice %dma_wait3A_688[%add3A_678, %dma_wait3A_689] : memref<80x128xi32, #tpu.memory_space<vmem>> -> memref<1x128xi32, #tpu.memory_space<vmem>>
      %dma_wait3A_691 = tpu.memref_squeeze %dma_wait3A_690 : memref<1x128xi32, #tpu.memory_space<vmem>> -> memref<128xi32, #tpu.memory_space<vmem>>
      %dma_wait3A_692 = arith.constant 0 : i32
      %dma_wait3A_693 = arith.constant 0 : i32
      %dma_wait3A_694 = tpu.memref_slice %arg9[%dma_wait3A_692, %dma_wait3A_693] : memref<10000x64xbf16, #tpu.memory_space<vmem_shared>> -> memref<10000x64xbf16, #tpu.memory_space<vmem_shared>>
      tpu.wait_indirect_dma semaphore(%arg10 : memref<!tpu.dma_semaphore, #tpu.memory_space<semaphore_mem>>) src(%dma_wait3A_694 : memref<10000x64xbf16, #tpu.memory_space<vmem_shared>>) dst(%dma_wait3A_684 : memref<128x64xbf16, #tpu.memory_space<vmem>>)
      %mul3A_695 = arith.constant 8 : i32
      %mul3A_696 = arith.muli %add3A_634, %mul3A_695 : i32
      %add3A_697 = arith.constant 3 : i32
      %add3A_698 = arith.addi %mul3A_696, %add3A_697 : i32
      %dma_wait3A_699 = arith.constant 1 : i32
      %dma_wait3A_700 = arith.constant 3 : i32
      %dma_wait3A_701 = arith.constant 0 : i32
      %dma_wait3A_702 = arith.constant 0 : i32
      %dma_wait3A_703 = tpu.memref_slice %arg7[%dma_wait3A_699, %dma_wait3A_700, %dma_wait3A_701, %dma_wait3A_702] : memref<2x8x128x64xbf16, #tpu.memory_space<vmem>> -> memref<1x1x128x64xbf16, #tpu.memory_space<vmem>>
      %dma_wait3A_704 = tpu.memref_squeeze %dma_wait3A_703 : memref<1x1x128x64xbf16, #tpu.memory_space<vmem>> -> memref<128x64xbf16, #tpu.memory_space<vmem>>
      %dma_wait3A_705 = arith.constant 0 : i32
      %dma_wait3A_706 = arith.constant 0 : i32
      %dma_wait3A_707 = tpu.memref_slice %arg6[%scan3A, %dma_wait3A_705, %dma_wait3A_706] : memref<2x80x128xi32, #tpu.memory_space<vmem>> -> memref<1x80x128xi32, #tpu.memory_space<vmem>>
      %dma_wait3A_708 = tpu.memref_squeeze %dma_wait3A_707 : memref<1x80x128xi32, #tpu.memory_space<vmem>> -> memref<80x128xi32, #tpu.memory_space<vmem>>
      %dma_wait3A_709 = arith.constant 0 : i32
      %dma_wait3A_710 = tpu.memref_slice %dma_wait3A_708[%add3A_698, %dma_wait3A_709] : memref<80x128xi32, #tpu.memory_space<vmem>> -> memref<1x128xi32, #tpu.memory_space<vmem>>
      %dma_wait3A_711 = tpu.memref_squeeze %dma_wait3A_710 : memref<1x128xi32, #tpu.memory_space<vmem>> -> memref<128xi32, #tpu.memory_space<vmem>>
      %dma_wait3A_712 = arith.constant 0 : i32
      %dma_wait3A_713 = arith.constant 0 : i32
      %dma_wait3A_714 = tpu.memref_slice %arg9[%dma_wait3A_712, %dma_wait3A_713] : memref<10000x64xbf16, #tpu.memory_space<vmem_shared>> -> memref<10000x64xbf16, #tpu.memory_space<vmem_shared>>
      tpu.wait_indirect_dma semaphore(%arg10 : memref<!tpu.dma_semaphore, #tpu.memory_space<semaphore_mem>>) src(%dma_wait3A_714 : memref<10000x64xbf16, #tpu.memory_space<vmem_shared>>) dst(%dma_wait3A_704 : memref<128x64xbf16, #tpu.memory_space<vmem>>)
      %mul3A_715 = arith.constant 8 : i32
      %mul3A_716 = arith.muli %add3A_634, %mul3A_715 : i32
      %add3A_717 = arith.constant 4 : i32
      %add3A_718 = arith.addi %mul3A_716, %add3A_717 : i32
      %dma_wait3A_719 = arith.constant 1 : i32
      %dma_wait3A_720 = arith.constant 4 : i32
      %dma_wait3A_721 = arith.constant 0 : i32
      %dma_wait3A_722 = arith.constant 0 : i32
      %dma_wait3A_723 = tpu.memref_slice %arg7[%dma_wait3A_719, %dma_wait3A_720, %dma_wait3A_721, %dma_wait3A_722] : memref<2x8x128x64xbf16, #tpu.memory_space<vmem>> -> memref<1x1x128x64xbf16, #tpu.memory_space<vmem>>
      %dma_wait3A_724 = tpu.memref_squeeze %dma_wait3A_723 : memref<1x1x128x64xbf16, #tpu.memory_space<vmem>> -> memref<128x64xbf16, #tpu.memory_space<vmem>>
      %dma_wait3A_725 = arith.constant 0 : i32
      %dma_wait3A_726 = arith.constant 0 : i32
      %dma_wait3A_727 = tpu.memref_slice %arg6[%scan3A, %dma_wait3A_725, %dma_wait3A_726] : memref<2x80x128xi32, #tpu.memory_space<vmem>> -> memref<1x80x128xi32, #tpu.memory_space<vmem>>
      %dma_wait3A_728 = tpu.memref_squeeze %dma_wait3A_727 : memref<1x80x128xi32, #tpu.memory_space<vmem>> -> memref<80x128xi32, #tpu.memory_space<vmem>>
      %dma_wait3A_729 = arith.constant 0 : i32
      %dma_wait3A_730 = tpu.memref_slice %dma_wait3A_728[%add3A_718, %dma_wait3A_729] : memref<80x128xi32, #tpu.memory_space<vmem>> -> memref<1x128xi32, #tpu.memory_space<vmem>>
      %dma_wait3A_731 = tpu.memref_squeeze %dma_wait3A_730 : memref<1x128xi32, #tpu.memory_space<vmem>> -> memref<128xi32, #tpu.memory_space<vmem>>
      %dma_wait3A_732 = arith.constant 0 : i32
      %dma_wait3A_733 = arith.constant 0 : i32
      %dma_wait3A_734 = tpu.memref_slice %arg9[%dma_wait3A_732, %dma_wait3A_733] : memref<10000x64xbf16, #tpu.memory_space<vmem_shared>> -> memref<10000x64xbf16, #tpu.memory_space<vmem_shared>>
      tpu.wait_indirect_dma semaphore(%arg10 : memref<!tpu.dma_semaphore, #tpu.memory_space<semaphore_mem>>) src(%dma_wait3A_734 : memref<10000x64xbf16, #tpu.memory_space<vmem_shared>>) dst(%dma_wait3A_724 : memref<128x64xbf16, #tpu.memory_space<vmem>>)
      %mul3A_735 = arith.constant 8 : i32
      %mul3A_736 = arith.muli %add3A_634, %mul3A_735 : i32
      %add3A_737 = arith.constant 5 : i32
      %add3A_738 = arith.addi %mul3A_736, %add3A_737 : i32
      %dma_wait3A_739 = arith.constant 1 : i32
      %dma_wait3A_740 = arith.constant 5 : i32
      %dma_wait3A_741 = arith.constant 0 : i32
      %dma_wait3A_742 = arith.constant 0 : i32
      %dma_wait3A_743 = tpu.memref_slice %arg7[%dma_wait3A_739, %dma_wait3A_740, %dma_wait3A_741, %dma_wait3A_742] : memref<2x8x128x64xbf16, #tpu.memory_space<vmem>> -> memref<1x1x128x64xbf16, #tpu.memory_space<vmem>>
      %dma_wait3A_744 = tpu.memref_squeeze %dma_wait3A_743 : memref<1x1x128x64xbf16, #tpu.memory_space<vmem>> -> memref<128x64xbf16, #tpu.memory_space<vmem>>
      %dma_wait3A_745 = arith.constant 0 : i32
      %dma_wait3A_746 = arith.constant 0 : i32
      %dma_wait3A_747 = tpu.memref_slice %arg6[%scan3A, %dma_wait3A_745, %dma_wait3A_746] : memref<2x80x128xi32, #tpu.memory_space<vmem>> -> memref<1x80x128xi32, #tpu.memory_space<vmem>>
      %dma_wait3A_748 = tpu.memref_squeeze %dma_wait3A_747 : memref<1x80x128xi32, #tpu.memory_space<vmem>> -> memref<80x128xi32, #tpu.memory_space<vmem>>
      %dma_wait3A_749 = arith.constant 0 : i32
      %dma_wait3A_750 = tpu.memref_slice %dma_wait3A_748[%add3A_738, %dma_wait3A_749] : memref<80x128xi32, #tpu.memory_space<vmem>> -> memref<1x128xi32, #tpu.memory_space<vmem>>
      %dma_wait3A_751 = tpu.memref_squeeze %dma_wait3A_750 : memref<1x128xi32, #tpu.memory_space<vmem>> -> memref<128xi32, #tpu.memory_space<vmem>>
      %dma_wait3A_752 = arith.constant 0 : i32
      %dma_wait3A_753 = arith.constant 0 : i32
      %dma_wait3A_754 = tpu.memref_slice %arg9[%dma_wait3A_752, %dma_wait3A_753] : memref<10000x64xbf16, #tpu.memory_space<vmem_shared>> -> memref<10000x64xbf16, #tpu.memory_space<vmem_shared>>
      tpu.wait_indirect_dma semaphore(%arg10 : memref<!tpu.dma_semaphore, #tpu.memory_space<semaphore_mem>>) src(%dma_wait3A_754 : memref<10000x64xbf16, #tpu.memory_space<vmem_shared>>) dst(%dma_wait3A_744 : memref<128x64xbf16, #tpu.memory_space<vmem>>)
      %mul3A_755 = arith.constant 8 : i32
      %mul3A_756 = arith.muli %add3A_634, %mul3A_755 : i32
      %add3A_757 = arith.constant 6 : i32
      %add3A_758 = arith.addi %mul3A_756, %add3A_757 : i32
      %dma_wait3A_759 = arith.constant 1 : i32
      %dma_wait3A_760 = arith.constant 6 : i32
      %dma_wait3A_761 = arith.constant 0 : i32
      %dma_wait3A_762 = arith.constant 0 : i32
      %dma_wait3A_763 = tpu.memref_slice %arg7[%dma_wait3A_759, %dma_wait3A_760, %dma_wait3A_761, %dma_wait3A_762] : memref<2x8x128x64xbf16, #tpu.memory_space<vmem>> -> memref<1x1x128x64xbf16, #tpu.memory_space<vmem>>
      %dma_wait3A_764 = tpu.memref_squeeze %dma_wait3A_763 : memref<1x1x128x64xbf16, #tpu.memory_space<vmem>> -> memref<128x64xbf16, #tpu.memory_space<vmem>>
      %dma_wait3A_765 = arith.constant 0 : i32
      %dma_wait3A_766 = arith.constant 0 : i32
      %dma_wait3A_767 = tpu.memref_slice %arg6[%scan3A, %dma_wait3A_765, %dma_wait3A_766] : memref<2x80x128xi32, #tpu.memory_space<vmem>> -> memref<1x80x128xi32, #tpu.memory_space<vmem>>
      %dma_wait3A_768 = tpu.memref_squeeze %dma_wait3A_767 : memref<1x80x128xi32, #tpu.memory_space<vmem>> -> memref<80x128xi32, #tpu.memory_space<vmem>>
      %dma_wait3A_769 = arith.constant 0 : i32
      %dma_wait3A_770 = tpu.memref_slice %dma_wait3A_768[%add3A_758, %dma_wait3A_769] : memref<80x128xi32, #tpu.memory_space<vmem>> -> memref<1x128xi32, #tpu.memory_space<vmem>>
      %dma_wait3A_771 = tpu.memref_squeeze %dma_wait3A_770 : memref<1x128xi32, #tpu.memory_space<vmem>> -> memref<128xi32, #tpu.memory_space<vmem>>
      %dma_wait3A_772 = arith.constant 0 : i32
      %dma_wait3A_773 = arith.constant 0 : i32
      %dma_wait3A_774 = tpu.memref_slice %arg9[%dma_wait3A_772, %dma_wait3A_773] : memref<10000x64xbf16, #tpu.memory_space<vmem_shared>> -> memref<10000x64xbf16, #tpu.memory_space<vmem_shared>>
      tpu.wait_indirect_dma semaphore(%arg10 : memref<!tpu.dma_semaphore, #tpu.memory_space<semaphore_mem>>) src(%dma_wait3A_774 : memref<10000x64xbf16, #tpu.memory_space<vmem_shared>>) dst(%dma_wait3A_764 : memref<128x64xbf16, #tpu.memory_space<vmem>>)
      %mul3A_775 = arith.constant 8 : i32
      %mul3A_776 = arith.muli %add3A_634, %mul3A_775 : i32
      %add3A_777 = arith.constant 7 : i32
      %add3A_778 = arith.addi %mul3A_776, %add3A_777 : i32
      %dma_wait3A_779 = arith.constant 1 : i32
      %dma_wait3A_780 = arith.constant 7 : i32
      %dma_wait3A_781 = arith.constant 0 : i32
      %dma_wait3A_782 = arith.constant 0 : i32
      %dma_wait3A_783 = tpu.memref_slice %arg7[%dma_wait3A_779, %dma_wait3A_780, %dma_wait3A_781, %dma_wait3A_782] : memref<2x8x128x64xbf16, #tpu.memory_space<vmem>> -> memref<1x1x128x64xbf16, #tpu.memory_space<vmem>>
      %dma_wait3A_784 = tpu.memref_squeeze %dma_wait3A_783 : memref<1x1x128x64xbf16, #tpu.memory_space<vmem>> -> memref<128x64xbf16, #tpu.memory_space<vmem>>
      %dma_wait3A_785 = arith.constant 0 : i32
      %dma_wait3A_786 = arith.constant 0 : i32
      %dma_wait3A_787 = tpu.memref_slice %arg6[%scan3A, %dma_wait3A_785, %dma_wait3A_786] : memref<2x80x128xi32, #tpu.memory_space<vmem>> -> memref<1x80x128xi32, #tpu.memory_space<vmem>>
      %dma_wait3A_788 = tpu.memref_squeeze %dma_wait3A_787 : memref<1x80x128xi32, #tpu.memory_space<vmem>> -> memref<80x128xi32, #tpu.memory_space<vmem>>
      %dma_wait3A_789 = arith.constant 0 : i32
      %dma_wait3A_790 = tpu.memref_slice %dma_wait3A_788[%add3A_778, %dma_wait3A_789] : memref<80x128xi32, #tpu.memory_space<vmem>> -> memref<1x128xi32, #tpu.memory_space<vmem>>
      %dma_wait3A_791 = tpu.memref_squeeze %dma_wait3A_790 : memref<1x128xi32, #tpu.memory_space<vmem>> -> memref<128xi32, #tpu.memory_space<vmem>>
      %dma_wait3A_792 = arith.constant 0 : i32
      %dma_wait3A_793 = arith.constant 0 : i32
      %dma_wait3A_794 = tpu.memref_slice %arg9[%dma_wait3A_792, %dma_wait3A_793] : memref<10000x64xbf16, #tpu.memory_space<vmem_shared>> -> memref<10000x64xbf16, #tpu.memory_space<vmem_shared>>
      tpu.wait_indirect_dma semaphore(%arg10 : memref<!tpu.dma_semaphore, #tpu.memory_space<semaphore_mem>>) src(%dma_wait3A_794 : memref<10000x64xbf16, #tpu.memory_space<vmem_shared>>) dst(%dma_wait3A_784 : memref<128x64xbf16, #tpu.memory_space<vmem>>)
      %ge3A_795 = arith.constant 1 : i32
      %ge3A_796 = arith.cmpi sge, %add3A_634, %ge3A_795 : i32
      %convert_element_type3A_797 = arith.extui %ge3A_796 : i1 to i32
      %cond3A_798 = arith.constant 0 : i32
      %cond3A_799 = arith.cmpi ne, %convert_element_type3A_797, %cond3A_798 : i32
      scf.if %cond3A_799 {
        %sub3A = arith.constant 1 : i32
        %sub3A_967 = arith.subi %add3A_634, %sub3A : i32
        %mul3A_968 = arith.constant 8 : i32
        %mul3A_969 = arith.muli %sub3A_967, %mul3A_968 : i32
        %add3A_970 = arith.constant 0 : i32
        %add3A_971 = arith.addi %mul3A_969, %add3A_970 : i32
        %dma_wait3A_972 = arith.constant 0 : i32
        %dma_wait3A_973 = arith.constant 0 : i32
        %dma_wait3A_974 = arith.constant 0 : i32
        %dma_wait3A_975 = arith.constant 0 : i32
        %dma_wait3A_976 = tpu.memref_slice %arg7[%dma_wait3A_972, %dma_wait3A_973, %dma_wait3A_974, %dma_wait3A_975] : memref<2x8x128x64xbf16, #tpu.memory_space<vmem>> -> memref<1x1x128x64xbf16, #tpu.memory_space<vmem>>
        %dma_wait3A_977 = tpu.memref_squeeze %dma_wait3A_976 : memref<1x1x128x64xbf16, #tpu.memory_space<vmem>> -> memref<128x64xbf16, #tpu.memory_space<vmem>>
        %dma_wait3A_978 = arith.constant 0 : i32
        %dma_wait3A_979 = arith.constant 0 : i32
        %dma_wait3A_980 = tpu.memref_slice %arg6[%scan3A_150, %dma_wait3A_978, %dma_wait3A_979] : memref<2x80x128xi32, #tpu.memory_space<vmem>> -> memref<1x80x128xi32, #tpu.memory_space<vmem>>
        %dma_wait3A_981 = tpu.memref_squeeze %dma_wait3A_980 : memref<1x80x128xi32, #tpu.memory_space<vmem>> -> memref<80x128xi32, #tpu.memory_space<vmem>>
        %dma_wait3A_982 = arith.constant 0 : i32
        %dma_wait3A_983 = tpu.memref_slice %dma_wait3A_981[%add3A_971, %dma_wait3A_982] : memref<80x128xi32, #tpu.memory_space<vmem>> -> memref<1x128xi32, #tpu.memory_space<vmem>>
        %dma_wait3A_984 = tpu.memref_squeeze %dma_wait3A_983 : memref<1x128xi32, #tpu.memory_space<vmem>> -> memref<128xi32, #tpu.memory_space<vmem>>
        %dma_wait3A_985 = arith.constant 0 : i32
        %dma_wait3A_986 = arith.constant 0 : i32
        %dma_wait3A_987 = tpu.memref_slice %arg8[%dma_wait3A_985, %dma_wait3A_986] : memref<10112x64xbf16, #tpu.memory_space<vmem_shared>> -> memref<10112x64xbf16, #tpu.memory_space<vmem_shared>>
        tpu.wait_indirect_dma semaphore(%arg11 : memref<!tpu.dma_semaphore, #tpu.memory_space<semaphore_mem>>) src(%dma_wait3A_977 : memref<128x64xbf16, #tpu.memory_space<vmem>>) dst(%dma_wait3A_987 : memref<10112x64xbf16, #tpu.memory_space<vmem_shared>>)
        %mul3A_988 = arith.constant 8 : i32
        %mul3A_989 = arith.muli %sub3A_967, %mul3A_988 : i32
        %add3A_990 = arith.constant 1 : i32
        %add3A_991 = arith.addi %mul3A_989, %add3A_990 : i32
        %dma_wait3A_992 = arith.constant 0 : i32
        %dma_wait3A_993 = arith.constant 1 : i32
        %dma_wait3A_994 = arith.constant 0 : i32
        %dma_wait3A_995 = arith.constant 0 : i32
        %dma_wait3A_996 = tpu.memref_slice %arg7[%dma_wait3A_992, %dma_wait3A_993, %dma_wait3A_994, %dma_wait3A_995] : memref<2x8x128x64xbf16, #tpu.memory_space<vmem>> -> memref<1x1x128x64xbf16, #tpu.memory_space<vmem>>
        %dma_wait3A_997 = tpu.memref_squeeze %dma_wait3A_996 : memref<1x1x128x64xbf16, #tpu.memory_space<vmem>> -> memref<128x64xbf16, #tpu.memory_space<vmem>>
        %dma_wait3A_998 = arith.constant 0 : i32
        %dma_wait3A_999 = arith.constant 0 : i32
        %dma_wait3A_1000 = tpu.memref_slice %arg6[%scan3A_150, %dma_wait3A_998, %dma_wait3A_999] : memref<2x80x128xi32, #tpu.memory_space<vmem>> -> memref<1x80x128xi32, #tpu.memory_space<vmem>>
        %dma_wait3A_1001 = tpu.memref_squeeze %dma_wait3A_1000 : memref<1x80x128xi32, #tpu.memory_space<vmem>> -> memref<80x128xi32, #tpu.memory_space<vmem>>
        %dma_wait3A_1002 = arith.constant 0 : i32
        %dma_wait3A_1003 = tpu.memref_slice %dma_wait3A_1001[%add3A_991, %dma_wait3A_1002] : memref<80x128xi32, #tpu.memory_space<vmem>> -> memref<1x128xi32, #tpu.memory_space<vmem>>
        %dma_wait3A_1004 = tpu.memref_squeeze %dma_wait3A_1003 : memref<1x128xi32, #tpu.memory_space<vmem>> -> memref<128xi32, #tpu.memory_space<vmem>>
        %dma_wait3A_1005 = arith.constant 0 : i32
        %dma_wait3A_1006 = arith.constant 0 : i32
        %dma_wait3A_1007 = tpu.memref_slice %arg8[%dma_wait3A_1005, %dma_wait3A_1006] : memref<10112x64xbf16, #tpu.memory_space<vmem_shared>> -> memref<10112x64xbf16, #tpu.memory_space<vmem_shared>>
        tpu.wait_indirect_dma semaphore(%arg11 : memref<!tpu.dma_semaphore, #tpu.memory_space<semaphore_mem>>) src(%dma_wait3A_997 : memref<128x64xbf16, #tpu.memory_space<vmem>>) dst(%dma_wait3A_1007 : memref<10112x64xbf16, #tpu.memory_space<vmem_shared>>)
        %mul3A_1008 = arith.constant 8 : i32
        %mul3A_1009 = arith.muli %sub3A_967, %mul3A_1008 : i32
        %add3A_1010 = arith.constant 2 : i32
        %add3A_1011 = arith.addi %mul3A_1009, %add3A_1010 : i32
        %dma_wait3A_1012 = arith.constant 0 : i32
        %dma_wait3A_1013 = arith.constant 2 : i32
        %dma_wait3A_1014 = arith.constant 0 : i32
        %dma_wait3A_1015 = arith.constant 0 : i32
        %dma_wait3A_1016 = tpu.memref_slice %arg7[%dma_wait3A_1012, %dma_wait3A_1013, %dma_wait3A_1014, %dma_wait3A_1015] : memref<2x8x128x64xbf16, #tpu.memory_space<vmem>> -> memref<1x1x128x64xbf16, #tpu.memory_space<vmem>>
        %dma_wait3A_1017 = tpu.memref_squeeze %dma_wait3A_1016 : memref<1x1x128x64xbf16, #tpu.memory_space<vmem>> -> memref<128x64xbf16, #tpu.memory_space<vmem>>
        %dma_wait3A_1018 = arith.constant 0 : i32
        %dma_wait3A_1019 = arith.constant 0 : i32
        %dma_wait3A_1020 = tpu.memref_slice %arg6[%scan3A_150, %dma_wait3A_1018, %dma_wait3A_1019] : memref<2x80x128xi32, #tpu.memory_space<vmem>> -> memref<1x80x128xi32, #tpu.memory_space<vmem>>
        %dma_wait3A_1021 = tpu.memref_squeeze %dma_wait3A_1020 : memref<1x80x128xi32, #tpu.memory_space<vmem>> -> memref<80x128xi32, #tpu.memory_space<vmem>>
        %dma_wait3A_1022 = arith.constant 0 : i32
        %dma_wait3A_1023 = tpu.memref_slice %dma_wait3A_1021[%add3A_1011, %dma_wait3A_1022] : memref<80x128xi32, #tpu.memory_space<vmem>> -> memref<1x128xi32, #tpu.memory_space<vmem>>
        %dma_wait3A_1024 = tpu.memref_squeeze %dma_wait3A_1023 : memref<1x128xi32, #tpu.memory_space<vmem>> -> memref<128xi32, #tpu.memory_space<vmem>>
        %dma_wait3A_1025 = arith.constant 0 : i32
        %dma_wait3A_1026 = arith.constant 0 : i32
        %dma_wait3A_1027 = tpu.memref_slice %arg8[%dma_wait3A_1025, %dma_wait3A_1026] : memref<10112x64xbf16, #tpu.memory_space<vmem_shared>> -> memref<10112x64xbf16, #tpu.memory_space<vmem_shared>>
        tpu.wait_indirect_dma semaphore(%arg11 : memref<!tpu.dma_semaphore, #tpu.memory_space<semaphore_mem>>) src(%dma_wait3A_1017 : memref<128x64xbf16, #tpu.memory_space<vmem>>) dst(%dma_wait3A_1027 : memref<10112x64xbf16, #tpu.memory_space<vmem_shared>>)
        %mul3A_1028 = arith.constant 8 : i32
        %mul3A_1029 = arith.muli %sub3A_967, %mul3A_1028 : i32
        %add3A_1030 = arith.constant 3 : i32
        %add3A_1031 = arith.addi %mul3A_1029, %add3A_1030 : i32
        %dma_wait3A_1032 = arith.constant 0 : i32
        %dma_wait3A_1033 = arith.constant 3 : i32
        %dma_wait3A_1034 = arith.constant 0 : i32
        %dma_wait3A_1035 = arith.constant 0 : i32
        %dma_wait3A_1036 = tpu.memref_slice %arg7[%dma_wait3A_1032, %dma_wait3A_1033, %dma_wait3A_1034, %dma_wait3A_1035] : memref<2x8x128x64xbf16, #tpu.memory_space<vmem>> -> memref<1x1x128x64xbf16, #tpu.memory_space<vmem>>
        %dma_wait3A_1037 = tpu.memref_squeeze %dma_wait3A_1036 : memref<1x1x128x64xbf16, #tpu.memory_space<vmem>> -> memref<128x64xbf16, #tpu.memory_space<vmem>>
        %dma_wait3A_1038 = arith.constant 0 : i32
        %dma_wait3A_1039 = arith.constant 0 : i32
        %dma_wait3A_1040 = tpu.memref_slice %arg6[%scan3A_150, %dma_wait3A_1038, %dma_wait3A_1039] : memref<2x80x128xi32, #tpu.memory_space<vmem>> -> memref<1x80x128xi32, #tpu.memory_space<vmem>>
        %dma_wait3A_1041 = tpu.memref_squeeze %dma_wait3A_1040 : memref<1x80x128xi32, #tpu.memory_space<vmem>> -> memref<80x128xi32, #tpu.memory_space<vmem>>
        %dma_wait3A_1042 = arith.constant 0 : i32
        %dma_wait3A_1043 = tpu.memref_slice %dma_wait3A_1041[%add3A_1031, %dma_wait3A_1042] : memref<80x128xi32, #tpu.memory_space<vmem>> -> memref<1x128xi32, #tpu.memory_space<vmem>>
        %dma_wait3A_1044 = tpu.memref_squeeze %dma_wait3A_1043 : memref<1x128xi32, #tpu.memory_space<vmem>> -> memref<128xi32, #tpu.memory_space<vmem>>
        %dma_wait3A_1045 = arith.constant 0 : i32
        %dma_wait3A_1046 = arith.constant 0 : i32
        %dma_wait3A_1047 = tpu.memref_slice %arg8[%dma_wait3A_1045, %dma_wait3A_1046] : memref<10112x64xbf16, #tpu.memory_space<vmem_shared>> -> memref<10112x64xbf16, #tpu.memory_space<vmem_shared>>
        tpu.wait_indirect_dma semaphore(%arg11 : memref<!tpu.dma_semaphore, #tpu.memory_space<semaphore_mem>>) src(%dma_wait3A_1037 : memref<128x64xbf16, #tpu.memory_space<vmem>>) dst(%dma_wait3A_1047 : memref<10112x64xbf16, #tpu.memory_space<vmem_shared>>)
        %mul3A_1048 = arith.constant 8 : i32
        %mul3A_1049 = arith.muli %sub3A_967, %mul3A_1048 : i32
        %add3A_1050 = arith.constant 4 : i32
        %add3A_1051 = arith.addi %mul3A_1049, %add3A_1050 : i32
        %dma_wait3A_1052 = arith.constant 0 : i32
        %dma_wait3A_1053 = arith.constant 4 : i32
        %dma_wait3A_1054 = arith.constant 0 : i32
        %dma_wait3A_1055 = arith.constant 0 : i32
        %dma_wait3A_1056 = tpu.memref_slice %arg7[%dma_wait3A_1052, %dma_wait3A_1053, %dma_wait3A_1054, %dma_wait3A_1055] : memref<2x8x128x64xbf16, #tpu.memory_space<vmem>> -> memref<1x1x128x64xbf16, #tpu.memory_space<vmem>>
        %dma_wait3A_1057 = tpu.memref_squeeze %dma_wait3A_1056 : memref<1x1x128x64xbf16, #tpu.memory_space<vmem>> -> memref<128x64xbf16, #tpu.memory_space<vmem>>
        %dma_wait3A_1058 = arith.constant 0 : i32
        %dma_wait3A_1059 = arith.constant 0 : i32
        %dma_wait3A_1060 = tpu.memref_slice %arg6[%scan3A_150, %dma_wait3A_1058, %dma_wait3A_1059] : memref<2x80x128xi32, #tpu.memory_space<vmem>> -> memref<1x80x128xi32, #tpu.memory_space<vmem>>
        %dma_wait3A_1061 = tpu.memref_squeeze %dma_wait3A_1060 : memref<1x80x128xi32, #tpu.memory_space<vmem>> -> memref<80x128xi32, #tpu.memory_space<vmem>>
        %dma_wait3A_1062 = arith.constant 0 : i32
        %dma_wait3A_1063 = tpu.memref_slice %dma_wait3A_1061[%add3A_1051, %dma_wait3A_1062] : memref<80x128xi32, #tpu.memory_space<vmem>> -> memref<1x128xi32, #tpu.memory_space<vmem>>
        %dma_wait3A_1064 = tpu.memref_squeeze %dma_wait3A_1063 : memref<1x128xi32, #tpu.memory_space<vmem>> -> memref<128xi32, #tpu.memory_space<vmem>>
        %dma_wait3A_1065 = arith.constant 0 : i32
        %dma_wait3A_1066 = arith.constant 0 : i32
        %dma_wait3A_1067 = tpu.memref_slice %arg8[%dma_wait3A_1065, %dma_wait3A_1066] : memref<10112x64xbf16, #tpu.memory_space<vmem_shared>> -> memref<10112x64xbf16, #tpu.memory_space<vmem_shared>>
        tpu.wait_indirect_dma semaphore(%arg11 : memref<!tpu.dma_semaphore, #tpu.memory_space<semaphore_mem>>) src(%dma_wait3A_1057 : memref<128x64xbf16, #tpu.memory_space<vmem>>) dst(%dma_wait3A_1067 : memref<10112x64xbf16, #tpu.memory_space<vmem_shared>>)
        %mul3A_1068 = arith.constant 8 : i32
        %mul3A_1069 = arith.muli %sub3A_967, %mul3A_1068 : i32
        %add3A_1070 = arith.constant 5 : i32
        %add3A_1071 = arith.addi %mul3A_1069, %add3A_1070 : i32
        %dma_wait3A_1072 = arith.constant 0 : i32
        %dma_wait3A_1073 = arith.constant 5 : i32
        %dma_wait3A_1074 = arith.constant 0 : i32
        %dma_wait3A_1075 = arith.constant 0 : i32
        %dma_wait3A_1076 = tpu.memref_slice %arg7[%dma_wait3A_1072, %dma_wait3A_1073, %dma_wait3A_1074, %dma_wait3A_1075] : memref<2x8x128x64xbf16, #tpu.memory_space<vmem>> -> memref<1x1x128x64xbf16, #tpu.memory_space<vmem>>
        %dma_wait3A_1077 = tpu.memref_squeeze %dma_wait3A_1076 : memref<1x1x128x64xbf16, #tpu.memory_space<vmem>> -> memref<128x64xbf16, #tpu.memory_space<vmem>>
        %dma_wait3A_1078 = arith.constant 0 : i32
        %dma_wait3A_1079 = arith.constant 0 : i32
        %dma_wait3A_1080 = tpu.memref_slice %arg6[%scan3A_150, %dma_wait3A_1078, %dma_wait3A_1079] : memref<2x80x128xi32, #tpu.memory_space<vmem>> -> memref<1x80x128xi32, #tpu.memory_space<vmem>>
        %dma_wait3A_1081 = tpu.memref_squeeze %dma_wait3A_1080 : memref<1x80x128xi32, #tpu.memory_space<vmem>> -> memref<80x128xi32, #tpu.memory_space<vmem>>
        %dma_wait3A_1082 = arith.constant 0 : i32
        %dma_wait3A_1083 = tpu.memref_slice %dma_wait3A_1081[%add3A_1071, %dma_wait3A_1082] : memref<80x128xi32, #tpu.memory_space<vmem>> -> memref<1x128xi32, #tpu.memory_space<vmem>>
        %dma_wait3A_1084 = tpu.memref_squeeze %dma_wait3A_1083 : memref<1x128xi32, #tpu.memory_space<vmem>> -> memref<128xi32, #tpu.memory_space<vmem>>
        %dma_wait3A_1085 = arith.constant 0 : i32
        %dma_wait3A_1086 = arith.constant 0 : i32
        %dma_wait3A_1087 = tpu.memref_slice %arg8[%dma_wait3A_1085, %dma_wait3A_1086] : memref<10112x64xbf16, #tpu.memory_space<vmem_shared>> -> memref<10112x64xbf16, #tpu.memory_space<vmem_shared>>
        tpu.wait_indirect_dma semaphore(%arg11 : memref<!tpu.dma_semaphore, #tpu.memory_space<semaphore_mem>>) src(%dma_wait3A_1077 : memref<128x64xbf16, #tpu.memory_space<vmem>>) dst(%dma_wait3A_1087 : memref<10112x64xbf16, #tpu.memory_space<vmem_shared>>)
        %mul3A_1088 = arith.constant 8 : i32
        %mul3A_1089 = arith.muli %sub3A_967, %mul3A_1088 : i32
        %add3A_1090 = arith.constant 6 : i32
        %add3A_1091 = arith.addi %mul3A_1089, %add3A_1090 : i32
        %dma_wait3A_1092 = arith.constant 0 : i32
        %dma_wait3A_1093 = arith.constant 6 : i32
        %dma_wait3A_1094 = arith.constant 0 : i32
        %dma_wait3A_1095 = arith.constant 0 : i32
        %dma_wait3A_1096 = tpu.memref_slice %arg7[%dma_wait3A_1092, %dma_wait3A_1093, %dma_wait3A_1094, %dma_wait3A_1095] : memref<2x8x128x64xbf16, #tpu.memory_space<vmem>> -> memref<1x1x128x64xbf16, #tpu.memory_space<vmem>>
        %dma_wait3A_1097 = tpu.memref_squeeze %dma_wait3A_1096 : memref<1x1x128x64xbf16, #tpu.memory_space<vmem>> -> memref<128x64xbf16, #tpu.memory_space<vmem>>
        %dma_wait3A_1098 = arith.constant 0 : i32
        %dma_wait3A_1099 = arith.constant 0 : i32
        %dma_wait3A_1100 = tpu.memref_slice %arg6[%scan3A_150, %dma_wait3A_1098, %dma_wait3A_1099] : memref<2x80x128xi32, #tpu.memory_space<vmem>> -> memref<1x80x128xi32, #tpu.memory_space<vmem>>
        %dma_wait3A_1101 = tpu.memref_squeeze %dma_wait3A_1100 : memref<1x80x128xi32, #tpu.memory_space<vmem>> -> memref<80x128xi32, #tpu.memory_space<vmem>>
        %dma_wait3A_1102 = arith.constant 0 : i32
        %dma_wait3A_1103 = tpu.memref_slice %dma_wait3A_1101[%add3A_1091, %dma_wait3A_1102] : memref<80x128xi32, #tpu.memory_space<vmem>> -> memref<1x128xi32, #tpu.memory_space<vmem>>
        %dma_wait3A_1104 = tpu.memref_squeeze %dma_wait3A_1103 : memref<1x128xi32, #tpu.memory_space<vmem>> -> memref<128xi32, #tpu.memory_space<vmem>>
        %dma_wait3A_1105 = arith.constant 0 : i32
        %dma_wait3A_1106 = arith.constant 0 : i32
        %dma_wait3A_1107 = tpu.memref_slice %arg8[%dma_wait3A_1105, %dma_wait3A_1106] : memref<10112x64xbf16, #tpu.memory_space<vmem_shared>> -> memref<10112x64xbf16, #tpu.memory_space<vmem_shared>>
        tpu.wait_indirect_dma semaphore(%arg11 : memref<!tpu.dma_semaphore, #tpu.memory_space<semaphore_mem>>) src(%dma_wait3A_1097 : memref<128x64xbf16, #tpu.memory_space<vmem>>) dst(%dma_wait3A_1107 : memref<10112x64xbf16, #tpu.memory_space<vmem_shared>>)
        %mul3A_1108 = arith.constant 8 : i32
        %mul3A_1109 = arith.muli %sub3A_967, %mul3A_1108 : i32
        %add3A_1110 = arith.constant 7 : i32
        %add3A_1111 = arith.addi %mul3A_1109, %add3A_1110 : i32
        %dma_wait3A_1112 = arith.constant 0 : i32
        %dma_wait3A_1113 = arith.constant 7 : i32
        %dma_wait3A_1114 = arith.constant 0 : i32
        %dma_wait3A_1115 = arith.constant 0 : i32
        %dma_wait3A_1116 = tpu.memref_slice %arg7[%dma_wait3A_1112, %dma_wait3A_1113, %dma_wait3A_1114, %dma_wait3A_1115] : memref<2x8x128x64xbf16, #tpu.memory_space<vmem>> -> memref<1x1x128x64xbf16, #tpu.memory_space<vmem>>
        %dma_wait3A_1117 = tpu.memref_squeeze %dma_wait3A_1116 : memref<1x1x128x64xbf16, #tpu.memory_space<vmem>> -> memref<128x64xbf16, #tpu.memory_space<vmem>>
        %dma_wait3A_1118 = arith.constant 0 : i32
        %dma_wait3A_1119 = arith.constant 0 : i32
        %dma_wait3A_1120 = tpu.memref_slice %arg6[%scan3A_150, %dma_wait3A_1118, %dma_wait3A_1119] : memref<2x80x128xi32, #tpu.memory_space<vmem>> -> memref<1x80x128xi32, #tpu.memory_space<vmem>>
        %dma_wait3A_1121 = tpu.memref_squeeze %dma_wait3A_1120 : memref<1x80x128xi32, #tpu.memory_space<vmem>> -> memref<80x128xi32, #tpu.memory_space<vmem>>
        %dma_wait3A_1122 = arith.constant 0 : i32
        %dma_wait3A_1123 = tpu.memref_slice %dma_wait3A_1121[%add3A_1111, %dma_wait3A_1122] : memref<80x128xi32, #tpu.memory_space<vmem>> -> memref<1x128xi32, #tpu.memory_space<vmem>>
        %dma_wait3A_1124 = tpu.memref_squeeze %dma_wait3A_1123 : memref<1x128xi32, #tpu.memory_space<vmem>> -> memref<128xi32, #tpu.memory_space<vmem>>
        %dma_wait3A_1125 = arith.constant 0 : i32
        %dma_wait3A_1126 = arith.constant 0 : i32
        %dma_wait3A_1127 = tpu.memref_slice %arg8[%dma_wait3A_1125, %dma_wait3A_1126] : memref<10112x64xbf16, #tpu.memory_space<vmem_shared>> -> memref<10112x64xbf16, #tpu.memory_space<vmem_shared>>
        tpu.wait_indirect_dma semaphore(%arg11 : memref<!tpu.dma_semaphore, #tpu.memory_space<semaphore_mem>>) src(%dma_wait3A_1117 : memref<128x64xbf16, #tpu.memory_space<vmem>>) dst(%dma_wait3A_1127 : memref<10112x64xbf16, #tpu.memory_space<vmem_shared>>)
      } else {
      }
      %add3A_800 = arith.constant 1 : i32
      %add3A_801 = arith.addi %add3A_634, %add3A_800 : i32
      %lt3A_802 = arith.constant 10 : i32
      %lt3A_803 = arith.cmpi slt, %add3A_801, %lt3A_802 : i32
      %convert_element_type3A_804 = arith.extui %lt3A_803 : i1 to i32
      %cond3A_805 = arith.constant 0 : i32
      %cond3A_806 = arith.cmpi ne, %convert_element_type3A_804, %cond3A_805 : i32
      scf.if %cond3A_806 {
        %add3A_967 = arith.constant 1 : i32
        %add3A_968 = arith.addi %add3A_634, %add3A_967 : i32
        %mul3A_969 = arith.constant 8 : i32
        %mul3A_970 = arith.muli %add3A_968, %mul3A_969 : i32
        %add3A_971 = arith.constant 0 : i32
        %add3A_972 = arith.addi %mul3A_970, %add3A_971 : i32
        %dma_start3A_973 = arith.constant 0 : i32
        %dma_start3A_974 = arith.constant 0 : i32
        %dma_start3A_975 = arith.constant 0 : i32
        %dma_start3A_976 = arith.constant 0 : i32
        %dma_start3A_977 = tpu.memref_slice %arg7[%dma_start3A_973, %dma_start3A_974, %dma_start3A_975, %dma_start3A_976] : memref<2x8x128x64xbf16, #tpu.memory_space<vmem>> -> memref<1x1x128x64xbf16, #tpu.memory_space<vmem>>
        %dma_start3A_978 = tpu.memref_squeeze %dma_start3A_977 : memref<1x1x128x64xbf16, #tpu.memory_space<vmem>> -> memref<128x64xbf16, #tpu.memory_space<vmem>>
        %dma_start3A_979 = arith.constant 0 : i32
        %dma_start3A_980 = arith.constant 0 : i32
        %dma_start3A_981 = tpu.memref_slice %arg6[%scan3A, %dma_start3A_979, %dma_start3A_980] : memref<2x80x128xi32, #tpu.memory_space<vmem>> -> memref<1x80x128xi32, #tpu.memory_space<vmem>>
        %dma_start3A_982 = tpu.memref_squeeze %dma_start3A_981 : memref<1x80x128xi32, #tpu.memory_space<vmem>> -> memref<80x128xi32, #tpu.memory_space<vmem>>
        %dma_start3A_983 = arith.constant 0 : i32
        %dma_start3A_984 = tpu.memref_slice %dma_start3A_982[%add3A_972, %dma_start3A_983] : memref<80x128xi32, #tpu.memory_space<vmem>> -> memref<1x128xi32, #tpu.memory_space<vmem>>
        %dma_start3A_985 = tpu.memref_squeeze %dma_start3A_984 : memref<1x128xi32, #tpu.memory_space<vmem>> -> memref<128xi32, #tpu.memory_space<vmem>>
        %dma_start3A_986 = arith.constant 0 : i32
        %dma_start3A_987 = arith.constant 0 : i32
        %dma_start3A_988 = tpu.memref_slice %arg9[%dma_start3A_986, %dma_start3A_987] : memref<10000x64xbf16, #tpu.memory_space<vmem_shared>> -> memref<10000x64xbf16, #tpu.memory_space<vmem_shared>>
        tpu.enqueue_indirect_dma source(%dma_start3A_988 : memref<10000x64xbf16, #tpu.memory_space<vmem_shared>>) target(%dma_start3A_978 : memref<128x64xbf16, #tpu.memory_space<vmem>>) offsets(%dma_start3A_985 : memref<128xi32, #tpu.memory_space<vmem>>) semaphore(%arg10 : memref<!tpu.dma_semaphore, #tpu.memory_space<semaphore_mem>>)
        %mul3A_989 = arith.constant 8 : i32
        %mul3A_990 = arith.muli %add3A_968, %mul3A_989 : i32
        %add3A_991 = arith.constant 1 : i32
        %add3A_992 = arith.addi %mul3A_990, %add3A_991 : i32
        %dma_start3A_993 = arith.constant 0 : i32
        %dma_start3A_994 = arith.constant 1 : i32
        %dma_start3A_995 = arith.constant 0 : i32
        %dma_start3A_996 = arith.constant 0 : i32
        %dma_start3A_997 = tpu.memref_slice %arg7[%dma_start3A_993, %dma_start3A_994, %dma_start3A_995, %dma_start3A_996] : memref<2x8x128x64xbf16, #tpu.memory_space<vmem>> -> memref<1x1x128x64xbf16, #tpu.memory_space<vmem>>
        %dma_start3A_998 = tpu.memref_squeeze %dma_start3A_997 : memref<1x1x128x64xbf16, #tpu.memory_space<vmem>> -> memref<128x64xbf16, #tpu.memory_space<vmem>>
        %dma_start3A_999 = arith.constant 0 : i32
        %dma_start3A_1000 = arith.constant 0 : i32
        %dma_start3A_1001 = tpu.memref_slice %arg6[%scan3A, %dma_start3A_999, %dma_start3A_1000] : memref<2x80x128xi32, #tpu.memory_space<vmem>> -> memref<1x80x128xi32, #tpu.memory_space<vmem>>
        %dma_start3A_1002 = tpu.memref_squeeze %dma_start3A_1001 : memref<1x80x128xi32, #tpu.memory_space<vmem>> -> memref<80x128xi32, #tpu.memory_space<vmem>>
        %dma_start3A_1003 = arith.constant 0 : i32
        %dma_start3A_1004 = tpu.memref_slice %dma_start3A_1002[%add3A_992, %dma_start3A_1003] : memref<80x128xi32, #tpu.memory_space<vmem>> -> memref<1x128xi32, #tpu.memory_space<vmem>>
        %dma_start3A_1005 = tpu.memref_squeeze %dma_start3A_1004 : memref<1x128xi32, #tpu.memory_space<vmem>> -> memref<128xi32, #tpu.memory_space<vmem>>
        %dma_start3A_1006 = arith.constant 0 : i32
        %dma_start3A_1007 = arith.constant 0 : i32
        %dma_start3A_1008 = tpu.memref_slice %arg9[%dma_start3A_1006, %dma_start3A_1007] : memref<10000x64xbf16, #tpu.memory_space<vmem_shared>> -> memref<10000x64xbf16, #tpu.memory_space<vmem_shared>>
        tpu.enqueue_indirect_dma source(%dma_start3A_1008 : memref<10000x64xbf16, #tpu.memory_space<vmem_shared>>) target(%dma_start3A_998 : memref<128x64xbf16, #tpu.memory_space<vmem>>) offsets(%dma_start3A_1005 : memref<128xi32, #tpu.memory_space<vmem>>) semaphore(%arg10 : memref<!tpu.dma_semaphore, #tpu.memory_space<semaphore_mem>>)
        %mul3A_1009 = arith.constant 8 : i32
        %mul3A_1010 = arith.muli %add3A_968, %mul3A_1009 : i32
        %add3A_1011 = arith.constant 2 : i32
        %add3A_1012 = arith.addi %mul3A_1010, %add3A_1011 : i32
        %dma_start3A_1013 = arith.constant 0 : i32
        %dma_start3A_1014 = arith.constant 2 : i32
        %dma_start3A_1015 = arith.constant 0 : i32
        %dma_start3A_1016 = arith.constant 0 : i32
        %dma_start3A_1017 = tpu.memref_slice %arg7[%dma_start3A_1013, %dma_start3A_1014, %dma_start3A_1015, %dma_start3A_1016] : memref<2x8x128x64xbf16, #tpu.memory_space<vmem>> -> memref<1x1x128x64xbf16, #tpu.memory_space<vmem>>
        %dma_start3A_1018 = tpu.memref_squeeze %dma_start3A_1017 : memref<1x1x128x64xbf16, #tpu.memory_space<vmem>> -> memref<128x64xbf16, #tpu.memory_space<vmem>>
        %dma_start3A_1019 = arith.constant 0 : i32
        %dma_start3A_1020 = arith.constant 0 : i32
        %dma_start3A_1021 = tpu.memref_slice %arg6[%scan3A, %dma_start3A_1019, %dma_start3A_1020] : memref<2x80x128xi32, #tpu.memory_space<vmem>> -> memref<1x80x128xi32, #tpu.memory_space<vmem>>
        %dma_start3A_1022 = tpu.memref_squeeze %dma_start3A_1021 : memref<1x80x128xi32, #tpu.memory_space<vmem>> -> memref<80x128xi32, #tpu.memory_space<vmem>>
        %dma_start3A_1023 = arith.constant 0 : i32
        %dma_start3A_1024 = tpu.memref_slice %dma_start3A_1022[%add3A_1012, %dma_start3A_1023] : memref<80x128xi32, #tpu.memory_space<vmem>> -> memref<1x128xi32, #tpu.memory_space<vmem>>
        %dma_start3A_1025 = tpu.memref_squeeze %dma_start3A_1024 : memref<1x128xi32, #tpu.memory_space<vmem>> -> memref<128xi32, #tpu.memory_space<vmem>>
        %dma_start3A_1026 = arith.constant 0 : i32
        %dma_start3A_1027 = arith.constant 0 : i32
        %dma_start3A_1028 = tpu.memref_slice %arg9[%dma_start3A_1026, %dma_start3A_1027] : memref<10000x64xbf16, #tpu.memory_space<vmem_shared>> -> memref<10000x64xbf16, #tpu.memory_space<vmem_shared>>
        tpu.enqueue_indirect_dma source(%dma_start3A_1028 : memref<10000x64xbf16, #tpu.memory_space<vmem_shared>>) target(%dma_start3A_1018 : memref<128x64xbf16, #tpu.memory_space<vmem>>) offsets(%dma_start3A_1025 : memref<128xi32, #tpu.memory_space<vmem>>) semaphore(%arg10 : memref<!tpu.dma_semaphore, #tpu.memory_space<semaphore_mem>>)
        %mul3A_1029 = arith.constant 8 : i32
        %mul3A_1030 = arith.muli %add3A_968, %mul3A_1029 : i32
        %add3A_1031 = arith.constant 3 : i32
        %add3A_1032 = arith.addi %mul3A_1030, %add3A_1031 : i32
        %dma_start3A_1033 = arith.constant 0 : i32
        %dma_start3A_1034 = arith.constant 3 : i32
        %dma_start3A_1035 = arith.constant 0 : i32
        %dma_start3A_1036 = arith.constant 0 : i32
        %dma_start3A_1037 = tpu.memref_slice %arg7[%dma_start3A_1033, %dma_start3A_1034, %dma_start3A_1035, %dma_start3A_1036] : memref<2x8x128x64xbf16, #tpu.memory_space<vmem>> -> memref<1x1x128x64xbf16, #tpu.memory_space<vmem>>
        %dma_start3A_1038 = tpu.memref_squeeze %dma_start3A_1037 : memref<1x1x128x64xbf16, #tpu.memory_space<vmem>> -> memref<128x64xbf16, #tpu.memory_space<vmem>>
        %dma_start3A_1039 = arith.constant 0 : i32
        %dma_start3A_1040 = arith.constant 0 : i32
        %dma_start3A_1041 = tpu.memref_slice %arg6[%scan3A, %dma_start3A_1039, %dma_start3A_1040] : memref<2x80x128xi32, #tpu.memory_space<vmem>> -> memref<1x80x128xi32, #tpu.memory_space<vmem>>
        %dma_start3A_1042 = tpu.memref_squeeze %dma_start3A_1041 : memref<1x80x128xi32, #tpu.memory_space<vmem>> -> memref<80x128xi32, #tpu.memory_space<vmem>>
        %dma_start3A_1043 = arith.constant 0 : i32
        %dma_start3A_1044 = tpu.memref_slice %dma_start3A_1042[%add3A_1032, %dma_start3A_1043] : memref<80x128xi32, #tpu.memory_space<vmem>> -> memref<1x128xi32, #tpu.memory_space<vmem>>
        %dma_start3A_1045 = tpu.memref_squeeze %dma_start3A_1044 : memref<1x128xi32, #tpu.memory_space<vmem>> -> memref<128xi32, #tpu.memory_space<vmem>>
        %dma_start3A_1046 = arith.constant 0 : i32
        %dma_start3A_1047 = arith.constant 0 : i32
        %dma_start3A_1048 = tpu.memref_slice %arg9[%dma_start3A_1046, %dma_start3A_1047] : memref<10000x64xbf16, #tpu.memory_space<vmem_shared>> -> memref<10000x64xbf16, #tpu.memory_space<vmem_shared>>
        tpu.enqueue_indirect_dma source(%dma_start3A_1048 : memref<10000x64xbf16, #tpu.memory_space<vmem_shared>>) target(%dma_start3A_1038 : memref<128x64xbf16, #tpu.memory_space<vmem>>) offsets(%dma_start3A_1045 : memref<128xi32, #tpu.memory_space<vmem>>) semaphore(%arg10 : memref<!tpu.dma_semaphore, #tpu.memory_space<semaphore_mem>>)
        %mul3A_1049 = arith.constant 8 : i32
        %mul3A_1050 = arith.muli %add3A_968, %mul3A_1049 : i32
        %add3A_1051 = arith.constant 4 : i32
        %add3A_1052 = arith.addi %mul3A_1050, %add3A_1051 : i32
        %dma_start3A_1053 = arith.constant 0 : i32
        %dma_start3A_1054 = arith.constant 4 : i32
        %dma_start3A_1055 = arith.constant 0 : i32
        %dma_start3A_1056 = arith.constant 0 : i32
        %dma_start3A_1057 = tpu.memref_slice %arg7[%dma_start3A_1053, %dma_start3A_1054, %dma_start3A_1055, %dma_start3A_1056] : memref<2x8x128x64xbf16, #tpu.memory_space<vmem>> -> memref<1x1x128x64xbf16, #tpu.memory_space<vmem>>
        %dma_start3A_1058 = tpu.memref_squeeze %dma_start3A_1057 : memref<1x1x128x64xbf16, #tpu.memory_space<vmem>> -> memref<128x64xbf16, #tpu.memory_space<vmem>>
        %dma_start3A_1059 = arith.constant 0 : i32
        %dma_start3A_1060 = arith.constant 0 : i32
        %dma_start3A_1061 = tpu.memref_slice %arg6[%scan3A, %dma_start3A_1059, %dma_start3A_1060] : memref<2x80x128xi32, #tpu.memory_space<vmem>> -> memref<1x80x128xi32, #tpu.memory_space<vmem>>
        %dma_start3A_1062 = tpu.memref_squeeze %dma_start3A_1061 : memref<1x80x128xi32, #tpu.memory_space<vmem>> -> memref<80x128xi32, #tpu.memory_space<vmem>>
        %dma_start3A_1063 = arith.constant 0 : i32
        %dma_start3A_1064 = tpu.memref_slice %dma_start3A_1062[%add3A_1052, %dma_start3A_1063] : memref<80x128xi32, #tpu.memory_space<vmem>> -> memref<1x128xi32, #tpu.memory_space<vmem>>
        %dma_start3A_1065 = tpu.memref_squeeze %dma_start3A_1064 : memref<1x128xi32, #tpu.memory_space<vmem>> -> memref<128xi32, #tpu.memory_space<vmem>>
        %dma_start3A_1066 = arith.constant 0 : i32
        %dma_start3A_1067 = arith.constant 0 : i32
        %dma_start3A_1068 = tpu.memref_slice %arg9[%dma_start3A_1066, %dma_start3A_1067] : memref<10000x64xbf16, #tpu.memory_space<vmem_shared>> -> memref<10000x64xbf16, #tpu.memory_space<vmem_shared>>
        tpu.enqueue_indirect_dma source(%dma_start3A_1068 : memref<10000x64xbf16, #tpu.memory_space<vmem_shared>>) target(%dma_start3A_1058 : memref<128x64xbf16, #tpu.memory_space<vmem>>) offsets(%dma_start3A_1065 : memref<128xi32, #tpu.memory_space<vmem>>) semaphore(%arg10 : memref<!tpu.dma_semaphore, #tpu.memory_space<semaphore_mem>>)
        %mul3A_1069 = arith.constant 8 : i32
        %mul3A_1070 = arith.muli %add3A_968, %mul3A_1069 : i32
        %add3A_1071 = arith.constant 5 : i32
        %add3A_1072 = arith.addi %mul3A_1070, %add3A_1071 : i32
        %dma_start3A_1073 = arith.constant 0 : i32
        %dma_start3A_1074 = arith.constant 5 : i32
        %dma_start3A_1075 = arith.constant 0 : i32
        %dma_start3A_1076 = arith.constant 0 : i32
        %dma_start3A_1077 = tpu.memref_slice %arg7[%dma_start3A_1073, %dma_start3A_1074, %dma_start3A_1075, %dma_start3A_1076] : memref<2x8x128x64xbf16, #tpu.memory_space<vmem>> -> memref<1x1x128x64xbf16, #tpu.memory_space<vmem>>
        %dma_start3A_1078 = tpu.memref_squeeze %dma_start3A_1077 : memref<1x1x128x64xbf16, #tpu.memory_space<vmem>> -> memref<128x64xbf16, #tpu.memory_space<vmem>>
        %dma_start3A_1079 = arith.constant 0 : i32
        %dma_start3A_1080 = arith.constant 0 : i32
        %dma_start3A_1081 = tpu.memref_slice %arg6[%scan3A, %dma_start3A_1079, %dma_start3A_1080] : memref<2x80x128xi32, #tpu.memory_space<vmem>> -> memref<1x80x128xi32, #tpu.memory_space<vmem>>
        %dma_start3A_1082 = tpu.memref_squeeze %dma_start3A_1081 : memref<1x80x128xi32, #tpu.memory_space<vmem>> -> memref<80x128xi32, #tpu.memory_space<vmem>>
        %dma_start3A_1083 = arith.constant 0 : i32
        %dma_start3A_1084 = tpu.memref_slice %dma_start3A_1082[%add3A_1072, %dma_start3A_1083] : memref<80x128xi32, #tpu.memory_space<vmem>> -> memref<1x128xi32, #tpu.memory_space<vmem>>
        %dma_start3A_1085 = tpu.memref_squeeze %dma_start3A_1084 : memref<1x128xi32, #tpu.memory_space<vmem>> -> memref<128xi32, #tpu.memory_space<vmem>>
        %dma_start3A_1086 = arith.constant 0 : i32
        %dma_start3A_1087 = arith.constant 0 : i32
        %dma_start3A_1088 = tpu.memref_slice %arg9[%dma_start3A_1086, %dma_start3A_1087] : memref<10000x64xbf16, #tpu.memory_space<vmem_shared>> -> memref<10000x64xbf16, #tpu.memory_space<vmem_shared>>
        tpu.enqueue_indirect_dma source(%dma_start3A_1088 : memref<10000x64xbf16, #tpu.memory_space<vmem_shared>>) target(%dma_start3A_1078 : memref<128x64xbf16, #tpu.memory_space<vmem>>) offsets(%dma_start3A_1085 : memref<128xi32, #tpu.memory_space<vmem>>) semaphore(%arg10 : memref<!tpu.dma_semaphore, #tpu.memory_space<semaphore_mem>>)
        %mul3A_1089 = arith.constant 8 : i32
        %mul3A_1090 = arith.muli %add3A_968, %mul3A_1089 : i32
        %add3A_1091 = arith.constant 6 : i32
        %add3A_1092 = arith.addi %mul3A_1090, %add3A_1091 : i32
        %dma_start3A_1093 = arith.constant 0 : i32
        %dma_start3A_1094 = arith.constant 6 : i32
        %dma_start3A_1095 = arith.constant 0 : i32
        %dma_start3A_1096 = arith.constant 0 : i32
        %dma_start3A_1097 = tpu.memref_slice %arg7[%dma_start3A_1093, %dma_start3A_1094, %dma_start3A_1095, %dma_start3A_1096] : memref<2x8x128x64xbf16, #tpu.memory_space<vmem>> -> memref<1x1x128x64xbf16, #tpu.memory_space<vmem>>
        %dma_start3A_1098 = tpu.memref_squeeze %dma_start3A_1097 : memref<1x1x128x64xbf16, #tpu.memory_space<vmem>> -> memref<128x64xbf16, #tpu.memory_space<vmem>>
        %dma_start3A_1099 = arith.constant 0 : i32
        %dma_start3A_1100 = arith.constant 0 : i32
        %dma_start3A_1101 = tpu.memref_slice %arg6[%scan3A, %dma_start3A_1099, %dma_start3A_1100] : memref<2x80x128xi32, #tpu.memory_space<vmem>> -> memref<1x80x128xi32, #tpu.memory_space<vmem>>
        %dma_start3A_1102 = tpu.memref_squeeze %dma_start3A_1101 : memref<1x80x128xi32, #tpu.memory_space<vmem>> -> memref<80x128xi32, #tpu.memory_space<vmem>>
        %dma_start3A_1103 = arith.constant 0 : i32
        %dma_start3A_1104 = tpu.memref_slice %dma_start3A_1102[%add3A_1092, %dma_start3A_1103] : memref<80x128xi32, #tpu.memory_space<vmem>> -> memref<1x128xi32, #tpu.memory_space<vmem>>
        %dma_start3A_1105 = tpu.memref_squeeze %dma_start3A_1104 : memref<1x128xi32, #tpu.memory_space<vmem>> -> memref<128xi32, #tpu.memory_space<vmem>>
        %dma_start3A_1106 = arith.constant 0 : i32
        %dma_start3A_1107 = arith.constant 0 : i32
        %dma_start3A_1108 = tpu.memref_slice %arg9[%dma_start3A_1106, %dma_start3A_1107] : memref<10000x64xbf16, #tpu.memory_space<vmem_shared>> -> memref<10000x64xbf16, #tpu.memory_space<vmem_shared>>
        tpu.enqueue_indirect_dma source(%dma_start3A_1108 : memref<10000x64xbf16, #tpu.memory_space<vmem_shared>>) target(%dma_start3A_1098 : memref<128x64xbf16, #tpu.memory_space<vmem>>) offsets(%dma_start3A_1105 : memref<128xi32, #tpu.memory_space<vmem>>) semaphore(%arg10 : memref<!tpu.dma_semaphore, #tpu.memory_space<semaphore_mem>>)
        %mul3A_1109 = arith.constant 8 : i32
        %mul3A_1110 = arith.muli %add3A_968, %mul3A_1109 : i32
        %add3A_1111 = arith.constant 7 : i32
        %add3A_1112 = arith.addi %mul3A_1110, %add3A_1111 : i32
        %dma_start3A_1113 = arith.constant 0 : i32
        %dma_start3A_1114 = arith.constant 7 : i32
        %dma_start3A_1115 = arith.constant 0 : i32
        %dma_start3A_1116 = arith.constant 0 : i32
        %dma_start3A_1117 = tpu.memref_slice %arg7[%dma_start3A_1113, %dma_start3A_1114, %dma_start3A_1115, %dma_start3A_1116] : memref<2x8x128x64xbf16, #tpu.memory_space<vmem>> -> memref<1x1x128x64xbf16, #tpu.memory_space<vmem>>
        %dma_start3A_1118 = tpu.memref_squeeze %dma_start3A_1117 : memref<1x1x128x64xbf16, #tpu.memory_space<vmem>> -> memref<128x64xbf16, #tpu.memory_space<vmem>>
        %dma_start3A_1119 = arith.constant 0 : i32
        %dma_start3A_1120 = arith.constant 0 : i32
        %dma_start3A_1121 = tpu.memref_slice %arg6[%scan3A, %dma_start3A_1119, %dma_start3A_1120] : memref<2x80x128xi32, #tpu.memory_space<vmem>> -> memref<1x80x128xi32, #tpu.memory_space<vmem>>
        %dma_start3A_1122 = tpu.memref_squeeze %dma_start3A_1121 : memref<1x80x128xi32, #tpu.memory_space<vmem>> -> memref<80x128xi32, #tpu.memory_space<vmem>>
        %dma_start3A_1123 = arith.constant 0 : i32
        %dma_start3A_1124 = tpu.memref_slice %dma_start3A_1122[%add3A_1112, %dma_start3A_1123] : memref<80x128xi32, #tpu.memory_space<vmem>> -> memref<1x128xi32, #tpu.memory_space<vmem>>
        %dma_start3A_1125 = tpu.memref_squeeze %dma_start3A_1124 : memref<1x128xi32, #tpu.memory_space<vmem>> -> memref<128xi32, #tpu.memory_space<vmem>>
        %dma_start3A_1126 = arith.constant 0 : i32
        %dma_start3A_1127 = arith.constant 0 : i32
        %dma_start3A_1128 = tpu.memref_slice %arg9[%dma_start3A_1126, %dma_start3A_1127] : memref<10000x64xbf16, #tpu.memory_space<vmem_shared>> -> memref<10000x64xbf16, #tpu.memory_space<vmem_shared>>
        tpu.enqueue_indirect_dma source(%dma_start3A_1128 : memref<10000x64xbf16, #tpu.memory_space<vmem_shared>>) target(%dma_start3A_1118 : memref<128x64xbf16, #tpu.memory_space<vmem>>) offsets(%dma_start3A_1125 : memref<128xi32, #tpu.memory_space<vmem>>) semaphore(%arg10 : memref<!tpu.dma_semaphore, #tpu.memory_space<semaphore_mem>>)
      } else {
      }
      %mul3A_807 = arith.constant 8 : i32
      %mul3A_808 = arith.muli %add3A_634, %mul3A_807 : i32
      %add3A_809 = arith.constant 0 : i32
      %add3A_810 = arith.addi %mul3A_808, %add3A_809 : i32
      %dma_start3A_811 = arith.constant 1 : i32
      %dma_start3A_812 = arith.constant 0 : i32
      %dma_start3A_813 = arith.constant 0 : i32
      %dma_start3A_814 = arith.constant 0 : i32
      %dma_start3A_815 = tpu.memref_slice %arg7[%dma_start3A_811, %dma_start3A_812, %dma_start3A_813, %dma_start3A_814] : memref<2x8x128x64xbf16, #tpu.memory_space<vmem>> -> memref<1x1x128x64xbf16, #tpu.memory_space<vmem>>
      %dma_start3A_816 = tpu.memref_squeeze %dma_start3A_815 : memref<1x1x128x64xbf16, #tpu.memory_space<vmem>> -> memref<128x64xbf16, #tpu.memory_space<vmem>>
      %dma_start3A_817 = arith.constant 0 : i32
      %dma_start3A_818 = arith.constant 0 : i32
      %dma_start3A_819 = tpu.memref_slice %arg6[%scan3A_150, %dma_start3A_817, %dma_start3A_818] : memref<2x80x128xi32, #tpu.memory_space<vmem>> -> memref<1x80x128xi32, #tpu.memory_space<vmem>>
      %dma_start3A_820 = tpu.memref_squeeze %dma_start3A_819 : memref<1x80x128xi32, #tpu.memory_space<vmem>> -> memref<80x128xi32, #tpu.memory_space<vmem>>
      %dma_start3A_821 = arith.constant 0 : i32
      %dma_start3A_822 = tpu.memref_slice %dma_start3A_820[%add3A_810, %dma_start3A_821] : memref<80x128xi32, #tpu.memory_space<vmem>> -> memref<1x128xi32, #tpu.memory_space<vmem>>
      %dma_start3A_823 = tpu.memref_squeeze %dma_start3A_822 : memref<1x128xi32, #tpu.memory_space<vmem>> -> memref<128xi32, #tpu.memory_space<vmem>>
      %dma_start3A_824 = arith.constant 0 : i32
      %dma_start3A_825 = arith.constant 0 : i32
      %dma_start3A_826 = tpu.memref_slice %arg8[%dma_start3A_824, %dma_start3A_825] : memref<10112x64xbf16, #tpu.memory_space<vmem_shared>> -> memref<10112x64xbf16, #tpu.memory_space<vmem_shared>>
      tpu.enqueue_indirect_dma source(%dma_start3A_816 : memref<128x64xbf16, #tpu.memory_space<vmem>>) target(%dma_start3A_826 : memref<10112x64xbf16, #tpu.memory_space<vmem_shared>>) offsets(%dma_start3A_823 : memref<128xi32, #tpu.memory_space<vmem>>) semaphore(%arg11 : memref<!tpu.dma_semaphore, #tpu.memory_space<semaphore_mem>>) {add = true}
      %mul3A_827 = arith.constant 8 : i32
      %mul3A_828 = arith.muli %add3A_634, %mul3A_827 : i32
      %add3A_829 = arith.constant 1 : i32
      %add3A_830 = arith.addi %mul3A_828, %add3A_829 : i32
      %dma_start3A_831 = arith.constant 1 : i32
      %dma_start3A_832 = arith.constant 1 : i32
      %dma_start3A_833 = arith.constant 0 : i32
      %dma_start3A_834 = arith.constant 0 : i32
      %dma_start3A_835 = tpu.memref_slice %arg7[%dma_start3A_831, %dma_start3A_832, %dma_start3A_833, %dma_start3A_834] : memref<2x8x128x64xbf16, #tpu.memory_space<vmem>> -> memref<1x1x128x64xbf16, #tpu.memory_space<vmem>>
      %dma_start3A_836 = tpu.memref_squeeze %dma_start3A_835 : memref<1x1x128x64xbf16, #tpu.memory_space<vmem>> -> memref<128x64xbf16, #tpu.memory_space<vmem>>
      %dma_start3A_837 = arith.constant 0 : i32
      %dma_start3A_838 = arith.constant 0 : i32
      %dma_start3A_839 = tpu.memref_slice %arg6[%scan3A_150, %dma_start3A_837, %dma_start3A_838] : memref<2x80x128xi32, #tpu.memory_space<vmem>> -> memref<1x80x128xi32, #tpu.memory_space<vmem>>
      %dma_start3A_840 = tpu.memref_squeeze %dma_start3A_839 : memref<1x80x128xi32, #tpu.memory_space<vmem>> -> memref<80x128xi32, #tpu.memory_space<vmem>>
      %dma_start3A_841 = arith.constant 0 : i32
      %dma_start3A_842 = tpu.memref_slice %dma_start3A_840[%add3A_830, %dma_start3A_841] : memref<80x128xi32, #tpu.memory_space<vmem>> -> memref<1x128xi32, #tpu.memory_space<vmem>>
      %dma_start3A_843 = tpu.memref_squeeze %dma_start3A_842 : memref<1x128xi32, #tpu.memory_space<vmem>> -> memref<128xi32, #tpu.memory_space<vmem>>
      %dma_start3A_844 = arith.constant 0 : i32
      %dma_start3A_845 = arith.constant 0 : i32
      %dma_start3A_846 = tpu.memref_slice %arg8[%dma_start3A_844, %dma_start3A_845] : memref<10112x64xbf16, #tpu.memory_space<vmem_shared>> -> memref<10112x64xbf16, #tpu.memory_space<vmem_shared>>
      tpu.enqueue_indirect_dma source(%dma_start3A_836 : memref<128x64xbf16, #tpu.memory_space<vmem>>) target(%dma_start3A_846 : memref<10112x64xbf16, #tpu.memory_space<vmem_shared>>) offsets(%dma_start3A_843 : memref<128xi32, #tpu.memory_space<vmem>>) semaphore(%arg11 : memref<!tpu.dma_semaphore, #tpu.memory_space<semaphore_mem>>) {add = true}
      %mul3A_847 = arith.constant 8 : i32
      %mul3A_848 = arith.muli %add3A_634, %mul3A_847 : i32
      %add3A_849 = arith.constant 2 : i32
      %add3A_850 = arith.addi %mul3A_848, %add3A_849 : i32
      %dma_start3A_851 = arith.constant 1 : i32
      %dma_start3A_852 = arith.constant 2 : i32
      %dma_start3A_853 = arith.constant 0 : i32
      %dma_start3A_854 = arith.constant 0 : i32
      %dma_start3A_855 = tpu.memref_slice %arg7[%dma_start3A_851, %dma_start3A_852, %dma_start3A_853, %dma_start3A_854] : memref<2x8x128x64xbf16, #tpu.memory_space<vmem>> -> memref<1x1x128x64xbf16, #tpu.memory_space<vmem>>
      %dma_start3A_856 = tpu.memref_squeeze %dma_start3A_855 : memref<1x1x128x64xbf16, #tpu.memory_space<vmem>> -> memref<128x64xbf16, #tpu.memory_space<vmem>>
      %dma_start3A_857 = arith.constant 0 : i32
      %dma_start3A_858 = arith.constant 0 : i32
      %dma_start3A_859 = tpu.memref_slice %arg6[%scan3A_150, %dma_start3A_857, %dma_start3A_858] : memref<2x80x128xi32, #tpu.memory_space<vmem>> -> memref<1x80x128xi32, #tpu.memory_space<vmem>>
      %dma_start3A_860 = tpu.memref_squeeze %dma_start3A_859 : memref<1x80x128xi32, #tpu.memory_space<vmem>> -> memref<80x128xi32, #tpu.memory_space<vmem>>
      %dma_start3A_861 = arith.constant 0 : i32
      %dma_start3A_862 = tpu.memref_slice %dma_start3A_860[%add3A_850, %dma_start3A_861] : memref<80x128xi32, #tpu.memory_space<vmem>> -> memref<1x128xi32, #tpu.memory_space<vmem>>
      %dma_start3A_863 = tpu.memref_squeeze %dma_start3A_862 : memref<1x128xi32, #tpu.memory_space<vmem>> -> memref<128xi32, #tpu.memory_space<vmem>>
      %dma_start3A_864 = arith.constant 0 : i32
      %dma_start3A_865 = arith.constant 0 : i32
      %dma_start3A_866 = tpu.memref_slice %arg8[%dma_start3A_864, %dma_start3A_865] : memref<10112x64xbf16, #tpu.memory_space<vmem_shared>> -> memref<10112x64xbf16, #tpu.memory_space<vmem_shared>>
      tpu.enqueue_indirect_dma source(%dma_start3A_856 : memref<128x64xbf16, #tpu.memory_space<vmem>>) target(%dma_start3A_866 : memref<10112x64xbf16, #tpu.memory_space<vmem_shared>>) offsets(%dma_start3A_863 : memref<128xi32, #tpu.memory_space<vmem>>) semaphore(%arg11 : memref<!tpu.dma_semaphore, #tpu.memory_space<semaphore_mem>>) {add = true}
      %mul3A_867 = arith.constant 8 : i32
      %mul3A_868 = arith.muli %add3A_634, %mul3A_867 : i32
      %add3A_869 = arith.constant 3 : i32
      %add3A_870 = arith.addi %mul3A_868, %add3A_869 : i32
      %dma_start3A_871 = arith.constant 1 : i32
      %dma_start3A_872 = arith.constant 3 : i32
      %dma_start3A_873 = arith.constant 0 : i32
      %dma_start3A_874 = arith.constant 0 : i32
      %dma_start3A_875 = tpu.memref_slice %arg7[%dma_start3A_871, %dma_start3A_872, %dma_start3A_873, %dma_start3A_874] : memref<2x8x128x64xbf16, #tpu.memory_space<vmem>> -> memref<1x1x128x64xbf16, #tpu.memory_space<vmem>>
      %dma_start3A_876 = tpu.memref_squeeze %dma_start3A_875 : memref<1x1x128x64xbf16, #tpu.memory_space<vmem>> -> memref<128x64xbf16, #tpu.memory_space<vmem>>
      %dma_start3A_877 = arith.constant 0 : i32
      %dma_start3A_878 = arith.constant 0 : i32
      %dma_start3A_879 = tpu.memref_slice %arg6[%scan3A_150, %dma_start3A_877, %dma_start3A_878] : memref<2x80x128xi32, #tpu.memory_space<vmem>> -> memref<1x80x128xi32, #tpu.memory_space<vmem>>
      %dma_start3A_880 = tpu.memref_squeeze %dma_start3A_879 : memref<1x80x128xi32, #tpu.memory_space<vmem>> -> memref<80x128xi32, #tpu.memory_space<vmem>>
      %dma_start3A_881 = arith.constant 0 : i32
      %dma_start3A_882 = tpu.memref_slice %dma_start3A_880[%add3A_870, %dma_start3A_881] : memref<80x128xi32, #tpu.memory_space<vmem>> -> memref<1x128xi32, #tpu.memory_space<vmem>>
      %dma_start3A_883 = tpu.memref_squeeze %dma_start3A_882 : memref<1x128xi32, #tpu.memory_space<vmem>> -> memref<128xi32, #tpu.memory_space<vmem>>
      %dma_start3A_884 = arith.constant 0 : i32
      %dma_start3A_885 = arith.constant 0 : i32
      %dma_start3A_886 = tpu.memref_slice %arg8[%dma_start3A_884, %dma_start3A_885] : memref<10112x64xbf16, #tpu.memory_space<vmem_shared>> -> memref<10112x64xbf16, #tpu.memory_space<vmem_shared>>
      tpu.enqueue_indirect_dma source(%dma_start3A_876 : memref<128x64xbf16, #tpu.memory_space<vmem>>) target(%dma_start3A_886 : memref<10112x64xbf16, #tpu.memory_space<vmem_shared>>) offsets(%dma_start3A_883 : memref<128xi32, #tpu.memory_space<vmem>>) semaphore(%arg11 : memref<!tpu.dma_semaphore, #tpu.memory_space<semaphore_mem>>) {add = true}
      %mul3A_887 = arith.constant 8 : i32
      %mul3A_888 = arith.muli %add3A_634, %mul3A_887 : i32
      %add3A_889 = arith.constant 4 : i32
      %add3A_890 = arith.addi %mul3A_888, %add3A_889 : i32
      %dma_start3A_891 = arith.constant 1 : i32
      %dma_start3A_892 = arith.constant 4 : i32
      %dma_start3A_893 = arith.constant 0 : i32
      %dma_start3A_894 = arith.constant 0 : i32
      %dma_start3A_895 = tpu.memref_slice %arg7[%dma_start3A_891, %dma_start3A_892, %dma_start3A_893, %dma_start3A_894] : memref<2x8x128x64xbf16, #tpu.memory_space<vmem>> -> memref<1x1x128x64xbf16, #tpu.memory_space<vmem>>
      %dma_start3A_896 = tpu.memref_squeeze %dma_start3A_895 : memref<1x1x128x64xbf16, #tpu.memory_space<vmem>> -> memref<128x64xbf16, #tpu.memory_space<vmem>>
      %dma_start3A_897 = arith.constant 0 : i32
      %dma_start3A_898 = arith.constant 0 : i32
      %dma_start3A_899 = tpu.memref_slice %arg6[%scan3A_150, %dma_start3A_897, %dma_start3A_898] : memref<2x80x128xi32, #tpu.memory_space<vmem>> -> memref<1x80x128xi32, #tpu.memory_space<vmem>>
      %dma_start3A_900 = tpu.memref_squeeze %dma_start3A_899 : memref<1x80x128xi32, #tpu.memory_space<vmem>> -> memref<80x128xi32, #tpu.memory_space<vmem>>
      %dma_start3A_901 = arith.constant 0 : i32
      %dma_start3A_902 = tpu.memref_slice %dma_start3A_900[%add3A_890, %dma_start3A_901] : memref<80x128xi32, #tpu.memory_space<vmem>> -> memref<1x128xi32, #tpu.memory_space<vmem>>
      %dma_start3A_903 = tpu.memref_squeeze %dma_start3A_902 : memref<1x128xi32, #tpu.memory_space<vmem>> -> memref<128xi32, #tpu.memory_space<vmem>>
      %dma_start3A_904 = arith.constant 0 : i32
      %dma_start3A_905 = arith.constant 0 : i32
      %dma_start3A_906 = tpu.memref_slice %arg8[%dma_start3A_904, %dma_start3A_905] : memref<10112x64xbf16, #tpu.memory_space<vmem_shared>> -> memref<10112x64xbf16, #tpu.memory_space<vmem_shared>>
      tpu.enqueue_indirect_dma source(%dma_start3A_896 : memref<128x64xbf16, #tpu.memory_space<vmem>>) target(%dma_start3A_906 : memref<10112x64xbf16, #tpu.memory_space<vmem_shared>>) offsets(%dma_start3A_903 : memref<128xi32, #tpu.memory_space<vmem>>) semaphore(%arg11 : memref<!tpu.dma_semaphore, #tpu.memory_space<semaphore_mem>>) {add = true}
      %mul3A_907 = arith.constant 8 : i32
      %mul3A_908 = arith.muli %add3A_634, %mul3A_907 : i32
      %add3A_909 = arith.constant 5 : i32
      %add3A_910 = arith.addi %mul3A_908, %add3A_909 : i32
      %dma_start3A_911 = arith.constant 1 : i32
      %dma_start3A_912 = arith.constant 5 : i32
      %dma_start3A_913 = arith.constant 0 : i32
      %dma_start3A_914 = arith.constant 0 : i32
      %dma_start3A_915 = tpu.memref_slice %arg7[%dma_start3A_911, %dma_start3A_912, %dma_start3A_913, %dma_start3A_914] : memref<2x8x128x64xbf16, #tpu.memory_space<vmem>> -> memref<1x1x128x64xbf16, #tpu.memory_space<vmem>>
      %dma_start3A_916 = tpu.memref_squeeze %dma_start3A_915 : memref<1x1x128x64xbf16, #tpu.memory_space<vmem>> -> memref<128x64xbf16, #tpu.memory_space<vmem>>
      %dma_start3A_917 = arith.constant 0 : i32
      %dma_start3A_918 = arith.constant 0 : i32
      %dma_start3A_919 = tpu.memref_slice %arg6[%scan3A_150, %dma_start3A_917, %dma_start3A_918] : memref<2x80x128xi32, #tpu.memory_space<vmem>> -> memref<1x80x128xi32, #tpu.memory_space<vmem>>
      %dma_start3A_920 = tpu.memref_squeeze %dma_start3A_919 : memref<1x80x128xi32, #tpu.memory_space<vmem>> -> memref<80x128xi32, #tpu.memory_space<vmem>>
      %dma_start3A_921 = arith.constant 0 : i32
      %dma_start3A_922 = tpu.memref_slice %dma_start3A_920[%add3A_910, %dma_start3A_921] : memref<80x128xi32, #tpu.memory_space<vmem>> -> memref<1x128xi32, #tpu.memory_space<vmem>>
      %dma_start3A_923 = tpu.memref_squeeze %dma_start3A_922 : memref<1x128xi32, #tpu.memory_space<vmem>> -> memref<128xi32, #tpu.memory_space<vmem>>
      %dma_start3A_924 = arith.constant 0 : i32
      %dma_start3A_925 = arith.constant 0 : i32
      %dma_start3A_926 = tpu.memref_slice %arg8[%dma_start3A_924, %dma_start3A_925] : memref<10112x64xbf16, #tpu.memory_space<vmem_shared>> -> memref<10112x64xbf16, #tpu.memory_space<vmem_shared>>
      tpu.enqueue_indirect_dma source(%dma_start3A_916 : memref<128x64xbf16, #tpu.memory_space<vmem>>) target(%dma_start3A_926 : memref<10112x64xbf16, #tpu.memory_space<vmem_shared>>) offsets(%dma_start3A_923 : memref<128xi32, #tpu.memory_space<vmem>>) semaphore(%arg11 : memref<!tpu.dma_semaphore, #tpu.memory_space<semaphore_mem>>) {add = true}
      %mul3A_927 = arith.constant 8 : i32
      %mul3A_928 = arith.muli %add3A_634, %mul3A_927 : i32
      %add3A_929 = arith.constant 6 : i32
      %add3A_930 = arith.addi %mul3A_928, %add3A_929 : i32
      %dma_start3A_931 = arith.constant 1 : i32
      %dma_start3A_932 = arith.constant 6 : i32
      %dma_start3A_933 = arith.constant 0 : i32
      %dma_start3A_934 = arith.constant 0 : i32
      %dma_start3A_935 = tpu.memref_slice %arg7[%dma_start3A_931, %dma_start3A_932, %dma_start3A_933, %dma_start3A_934] : memref<2x8x128x64xbf16, #tpu.memory_space<vmem>> -> memref<1x1x128x64xbf16, #tpu.memory_space<vmem>>
      %dma_start3A_936 = tpu.memref_squeeze %dma_start3A_935 : memref<1x1x128x64xbf16, #tpu.memory_space<vmem>> -> memref<128x64xbf16, #tpu.memory_space<vmem>>
      %dma_start3A_937 = arith.constant 0 : i32
      %dma_start3A_938 = arith.constant 0 : i32
      %dma_start3A_939 = tpu.memref_slice %arg6[%scan3A_150, %dma_start3A_937, %dma_start3A_938] : memref<2x80x128xi32, #tpu.memory_space<vmem>> -> memref<1x80x128xi32, #tpu.memory_space<vmem>>
      %dma_start3A_940 = tpu.memref_squeeze %dma_start3A_939 : memref<1x80x128xi32, #tpu.memory_space<vmem>> -> memref<80x128xi32, #tpu.memory_space<vmem>>
      %dma_start3A_941 = arith.constant 0 : i32
      %dma_start3A_942 = tpu.memref_slice %dma_start3A_940[%add3A_930, %dma_start3A_941] : memref<80x128xi32, #tpu.memory_space<vmem>> -> memref<1x128xi32, #tpu.memory_space<vmem>>
      %dma_start3A_943 = tpu.memref_squeeze %dma_start3A_942 : memref<1x128xi32, #tpu.memory_space<vmem>> -> memref<128xi32, #tpu.memory_space<vmem>>
      %dma_start3A_944 = arith.constant 0 : i32
      %dma_start3A_945 = arith.constant 0 : i32
      %dma_start3A_946 = tpu.memref_slice %arg8[%dma_start3A_944, %dma_start3A_945] : memref<10112x64xbf16, #tpu.memory_space<vmem_shared>> -> memref<10112x64xbf16, #tpu.memory_space<vmem_shared>>
      tpu.enqueue_indirect_dma source(%dma_start3A_936 : memref<128x64xbf16, #tpu.memory_space<vmem>>) target(%dma_start3A_946 : memref<10112x64xbf16, #tpu.memory_space<vmem_shared>>) offsets(%dma_start3A_943 : memref<128xi32, #tpu.memory_space<vmem>>) semaphore(%arg11 : memref<!tpu.dma_semaphore, #tpu.memory_space<semaphore_mem>>) {add = true}
      %mul3A_947 = arith.constant 8 : i32
      %mul3A_948 = arith.muli %add3A_634, %mul3A_947 : i32
      %add3A_949 = arith.constant 7 : i32
      %add3A_950 = arith.addi %mul3A_948, %add3A_949 : i32
      %dma_start3A_951 = arith.constant 1 : i32
      %dma_start3A_952 = arith.constant 7 : i32
      %dma_start3A_953 = arith.constant 0 : i32
      %dma_start3A_954 = arith.constant 0 : i32
      %dma_start3A_955 = tpu.memref_slice %arg7[%dma_start3A_951, %dma_start3A_952, %dma_start3A_953, %dma_start3A_954] : memref<2x8x128x64xbf16, #tpu.memory_space<vmem>> -> memref<1x1x128x64xbf16, #tpu.memory_space<vmem>>
      %dma_start3A_956 = tpu.memref_squeeze %dma_start3A_955 : memref<1x1x128x64xbf16, #tpu.memory_space<vmem>> -> memref<128x64xbf16, #tpu.memory_space<vmem>>
      %dma_start3A_957 = arith.constant 0 : i32
      %dma_start3A_958 = arith.constant 0 : i32
      %dma_start3A_959 = tpu.memref_slice %arg6[%scan3A_150, %dma_start3A_957, %dma_start3A_958] : memref<2x80x128xi32, #tpu.memory_space<vmem>> -> memref<1x80x128xi32, #tpu.memory_space<vmem>>
      %dma_start3A_960 = tpu.memref_squeeze %dma_start3A_959 : memref<1x80x128xi32, #tpu.memory_space<vmem>> -> memref<80x128xi32, #tpu.memory_space<vmem>>
      %dma_start3A_961 = arith.constant 0 : i32
      %dma_start3A_962 = tpu.memref_slice %dma_start3A_960[%add3A_950, %dma_start3A_961] : memref<80x128xi32, #tpu.memory_space<vmem>> -> memref<1x128xi32, #tpu.memory_space<vmem>>
      %dma_start3A_963 = tpu.memref_squeeze %dma_start3A_962 : memref<1x128xi32, #tpu.memory_space<vmem>> -> memref<128xi32, #tpu.memory_space<vmem>>
      %dma_start3A_964 = arith.constant 0 : i32
      %dma_start3A_965 = arith.constant 0 : i32
      %dma_start3A_966 = tpu.memref_slice %arg8[%dma_start3A_964, %dma_start3A_965] : memref<10112x64xbf16, #tpu.memory_space<vmem_shared>> -> memref<10112x64xbf16, #tpu.memory_space<vmem_shared>>
      tpu.enqueue_indirect_dma source(%dma_start3A_956 : memref<128x64xbf16, #tpu.memory_space<vmem>>) target(%dma_start3A_966 : memref<10112x64xbf16, #tpu.memory_space<vmem_shared>>) offsets(%dma_start3A_963 : memref<128xi32, #tpu.memory_space<vmem>>) semaphore(%arg11 : memref<!tpu.dma_semaphore, #tpu.memory_space<semaphore_mem>>) {add = true}
    }
    %scan3A_155 = arith.constant 5 : i32
    %dma_wait3A = arith.constant 1 : i32
    %dma_wait3A_156 = arith.constant 0 : i32
    %dma_wait3A_157 = arith.constant 1 : i32
    %dma_wait3A_158 = arith.constant 72 : i32
    %dma_wait3A_159 = arith.constant 0 : i32
    %dma_wait3A_160 = arith.constant 0 : i32
    %dma_wait3A_161 = tpu.memref_slice %arg7[%dma_wait3A, %dma_wait3A_156, %dma_wait3A_159, %dma_wait3A_160] : memref<2x8x128x64xbf16, #tpu.memory_space<vmem>> -> memref<1x1x128x64xbf16, #tpu.memory_space<vmem>>
    %dma_wait3A_162 = tpu.memref_squeeze %dma_wait3A_161 : memref<1x1x128x64xbf16, #tpu.memory_space<vmem>> -> memref<128x64xbf16, #tpu.memory_space<vmem>>
    %dma_wait3A_163 = arith.constant 0 : i32
    %dma_wait3A_164 = arith.constant 0 : i32
    %dma_wait3A_165 = tpu.memref_slice %arg6[%dma_wait3A_157, %dma_wait3A_163, %dma_wait3A_164] : memref<2x80x128xi32, #tpu.memory_space<vmem>> -> memref<1x80x128xi32, #tpu.memory_space<vmem>>
    %dma_wait3A_166 = tpu.memref_squeeze %dma_wait3A_165 : memref<1x80x128xi32, #tpu.memory_space<vmem>> -> memref<80x128xi32, #tpu.memory_space<vmem>>
    %dma_wait3A_167 = arith.constant 0 : i32
    %dma_wait3A_168 = tpu.memref_slice %dma_wait3A_166[%dma_wait3A_158, %dma_wait3A_167] : memref<80x128xi32, #tpu.memory_space<vmem>> -> memref<1x128xi32, #tpu.memory_space<vmem>>
    %dma_wait3A_169 = tpu.memref_squeeze %dma_wait3A_168 : memref<1x128xi32, #tpu.memory_space<vmem>> -> memref<128xi32, #tpu.memory_space<vmem>>
    %dma_wait3A_170 = arith.constant 0 : i32
    %dma_wait3A_171 = arith.constant 0 : i32
    %dma_wait3A_172 = tpu.memref_slice %arg8[%dma_wait3A_170, %dma_wait3A_171] : memref<10112x64xbf16, #tpu.memory_space<vmem_shared>> -> memref<10112x64xbf16, #tpu.memory_space<vmem_shared>>
    tpu.wait_indirect_dma semaphore(%arg11 : memref<!tpu.dma_semaphore, #tpu.memory_space<semaphore_mem>>) src(%dma_wait3A_162 : memref<128x64xbf16, #tpu.memory_space<vmem>>) dst(%dma_wait3A_172 : memref<10112x64xbf16, #tpu.memory_space<vmem_shared>>)
    %dma_wait3A_173 = arith.constant 1 : i32
    %dma_wait3A_174 = arith.constant 1 : i32
    %dma_wait3A_175 = arith.constant 1 : i32
    %dma_wait3A_176 = arith.constant 73 : i32
    %dma_wait3A_177 = arith.constant 0 : i32
    %dma_wait3A_178 = arith.constant 0 : i32
    %dma_wait3A_179 = tpu.memref_slice %arg7[%dma_wait3A_173, %dma_wait3A_174, %dma_wait3A_177, %dma_wait3A_178] : memref<2x8x128x64xbf16, #tpu.memory_space<vmem>> -> memref<1x1x128x64xbf16, #tpu.memory_space<vmem>>
    %dma_wait3A_180 = tpu.memref_squeeze %dma_wait3A_179 : memref<1x1x128x64xbf16, #tpu.memory_space<vmem>> -> memref<128x64xbf16, #tpu.memory_space<vmem>>
    %dma_wait3A_181 = arith.constant 0 : i32
    %dma_wait3A_182 = arith.constant 0 : i32
    %dma_wait3A_183 = tpu.memref_slice %arg6[%dma_wait3A_175, %dma_wait3A_181, %dma_wait3A_182] : memref<2x80x128xi32, #tpu.memory_space<vmem>> -> memref<1x80x128xi32, #tpu.memory_space<vmem>>
    %dma_wait3A_184 = tpu.memref_squeeze %dma_wait3A_183 : memref<1x80x128xi32, #tpu.memory_space<vmem>> -> memref<80x128xi32, #tpu.memory_space<vmem>>
    %dma_wait3A_185 = arith.constant 0 : i32
    %dma_wait3A_186 = tpu.memref_slice %dma_wait3A_184[%dma_wait3A_176, %dma_wait3A_185] : memref<80x128xi32, #tpu.memory_space<vmem>> -> memref<1x128xi32, #tpu.memory_space<vmem>>
    %dma_wait3A_187 = tpu.memref_squeeze %dma_wait3A_186 : memref<1x128xi32, #tpu.memory_space<vmem>> -> memref<128xi32, #tpu.memory_space<vmem>>
    %dma_wait3A_188 = arith.constant 0 : i32
    %dma_wait3A_189 = arith.constant 0 : i32
    %dma_wait3A_190 = tpu.memref_slice %arg8[%dma_wait3A_188, %dma_wait3A_189] : memref<10112x64xbf16, #tpu.memory_space<vmem_shared>> -> memref<10112x64xbf16, #tpu.memory_space<vmem_shared>>
    tpu.wait_indirect_dma semaphore(%arg11 : memref<!tpu.dma_semaphore, #tpu.memory_space<semaphore_mem>>) src(%dma_wait3A_180 : memref<128x64xbf16, #tpu.memory_space<vmem>>) dst(%dma_wait3A_190 : memref<10112x64xbf16, #tpu.memory_space<vmem_shared>>)
    %dma_wait3A_191 = arith.constant 1 : i32
    %dma_wait3A_192 = arith.constant 2 : i32
    %dma_wait3A_193 = arith.constant 1 : i32
    %dma_wait3A_194 = arith.constant 74 : i32
    %dma_wait3A_195 = arith.constant 0 : i32
    %dma_wait3A_196 = arith.constant 0 : i32
    %dma_wait3A_197 = tpu.memref_slice %arg7[%dma_wait3A_191, %dma_wait3A_192, %dma_wait3A_195, %dma_wait3A_196] : memref<2x8x128x64xbf16, #tpu.memory_space<vmem>> -> memref<1x1x128x64xbf16, #tpu.memory_space<vmem>>
    %dma_wait3A_198 = tpu.memref_squeeze %dma_wait3A_197 : memref<1x1x128x64xbf16, #tpu.memory_space<vmem>> -> memref<128x64xbf16, #tpu.memory_space<vmem>>
    %dma_wait3A_199 = arith.constant 0 : i32
    %dma_wait3A_200 = arith.constant 0 : i32
    %dma_wait3A_201 = tpu.memref_slice %arg6[%dma_wait3A_193, %dma_wait3A_199, %dma_wait3A_200] : memref<2x80x128xi32, #tpu.memory_space<vmem>> -> memref<1x80x128xi32, #tpu.memory_space<vmem>>
    %dma_wait3A_202 = tpu.memref_squeeze %dma_wait3A_201 : memref<1x80x128xi32, #tpu.memory_space<vmem>> -> memref<80x128xi32, #tpu.memory_space<vmem>>
    %dma_wait3A_203 = arith.constant 0 : i32
    %dma_wait3A_204 = tpu.memref_slice %dma_wait3A_202[%dma_wait3A_194, %dma_wait3A_203] : memref<80x128xi32, #tpu.memory_space<vmem>> -> memref<1x128xi32, #tpu.memory_space<vmem>>
    %dma_wait3A_205 = tpu.memref_squeeze %dma_wait3A_204 : memref<1x128xi32, #tpu.memory_space<vmem>> -> memref<128xi32, #tpu.memory_space<vmem>>
    %dma_wait3A_206 = arith.constant 0 : i32
    %dma_wait3A_207 = arith.constant 0 : i32
    %dma_wait3A_208 = tpu.memref_slice %arg8[%dma_wait3A_206, %dma_wait3A_207] : memref<10112x64xbf16, #tpu.memory_space<vmem_shared>> -> memref<10112x64xbf16, #tpu.memory_space<vmem_shared>>
    tpu.wait_indirect_dma semaphore(%arg11 : memref<!tpu.dma_semaphore, #tpu.memory_space<semaphore_mem>>) src(%dma_wait3A_198 : memref<128x64xbf16, #tpu.memory_space<vmem>>) dst(%dma_wait3A_208 : memref<10112x64xbf16, #tpu.memory_space<vmem_shared>>)
    %dma_wait3A_209 = arith.constant 1 : i32
    %dma_wait3A_210 = arith.constant 3 : i32
    %dma_wait3A_211 = arith.constant 1 : i32
    %dma_wait3A_212 = arith.constant 75 : i32
    %dma_wait3A_213 = arith.constant 0 : i32
    %dma_wait3A_214 = arith.constant 0 : i32
    %dma_wait3A_215 = tpu.memref_slice %arg7[%dma_wait3A_209, %dma_wait3A_210, %dma_wait3A_213, %dma_wait3A_214] : memref<2x8x128x64xbf16, #tpu.memory_space<vmem>> -> memref<1x1x128x64xbf16, #tpu.memory_space<vmem>>
    %dma_wait3A_216 = tpu.memref_squeeze %dma_wait3A_215 : memref<1x1x128x64xbf16, #tpu.memory_space<vmem>> -> memref<128x64xbf16, #tpu.memory_space<vmem>>
    %dma_wait3A_217 = arith.constant 0 : i32
    %dma_wait3A_218 = arith.constant 0 : i32
    %dma_wait3A_219 = tpu.memref_slice %arg6[%dma_wait3A_211, %dma_wait3A_217, %dma_wait3A_218] : memref<2x80x128xi32, #tpu.memory_space<vmem>> -> memref<1x80x128xi32, #tpu.memory_space<vmem>>
    %dma_wait3A_220 = tpu.memref_squeeze %dma_wait3A_219 : memref<1x80x128xi32, #tpu.memory_space<vmem>> -> memref<80x128xi32, #tpu.memory_space<vmem>>
    %dma_wait3A_221 = arith.constant 0 : i32
    %dma_wait3A_222 = tpu.memref_slice %dma_wait3A_220[%dma_wait3A_212, %dma_wait3A_221] : memref<80x128xi32, #tpu.memory_space<vmem>> -> memref<1x128xi32, #tpu.memory_space<vmem>>
    %dma_wait3A_223 = tpu.memref_squeeze %dma_wait3A_222 : memref<1x128xi32, #tpu.memory_space<vmem>> -> memref<128xi32, #tpu.memory_space<vmem>>
    %dma_wait3A_224 = arith.constant 0 : i32
    %dma_wait3A_225 = arith.constant 0 : i32
    %dma_wait3A_226 = tpu.memref_slice %arg8[%dma_wait3A_224, %dma_wait3A_225] : memref<10112x64xbf16, #tpu.memory_space<vmem_shared>> -> memref<10112x64xbf16, #tpu.memory_space<vmem_shared>>
    tpu.wait_indirect_dma semaphore(%arg11 : memref<!tpu.dma_semaphore, #tpu.memory_space<semaphore_mem>>) src(%dma_wait3A_216 : memref<128x64xbf16, #tpu.memory_space<vmem>>) dst(%dma_wait3A_226 : memref<10112x64xbf16, #tpu.memory_space<vmem_shared>>)
    %dma_wait3A_227 = arith.constant 1 : i32
    %dma_wait3A_228 = arith.constant 4 : i32
    %dma_wait3A_229 = arith.constant 1 : i32
    %dma_wait3A_230 = arith.constant 76 : i32
    %dma_wait3A_231 = arith.constant 0 : i32
    %dma_wait3A_232 = arith.constant 0 : i32
    %dma_wait3A_233 = tpu.memref_slice %arg7[%dma_wait3A_227, %dma_wait3A_228, %dma_wait3A_231, %dma_wait3A_232] : memref<2x8x128x64xbf16, #tpu.memory_space<vmem>> -> memref<1x1x128x64xbf16, #tpu.memory_space<vmem>>
    %dma_wait3A_234 = tpu.memref_squeeze %dma_wait3A_233 : memref<1x1x128x64xbf16, #tpu.memory_space<vmem>> -> memref<128x64xbf16, #tpu.memory_space<vmem>>
    %dma_wait3A_235 = arith.constant 0 : i32
    %dma_wait3A_236 = arith.constant 0 : i32
    %dma_wait3A_237 = tpu.memref_slice %arg6[%dma_wait3A_229, %dma_wait3A_235, %dma_wait3A_236] : memref<2x80x128xi32, #tpu.memory_space<vmem>> -> memref<1x80x128xi32, #tpu.memory_space<vmem>>
    %dma_wait3A_238 = tpu.memref_squeeze %dma_wait3A_237 : memref<1x80x128xi32, #tpu.memory_space<vmem>> -> memref<80x128xi32, #tpu.memory_space<vmem>>
    %dma_wait3A_239 = arith.constant 0 : i32
    %dma_wait3A_240 = tpu.memref_slice %dma_wait3A_238[%dma_wait3A_230, %dma_wait3A_239] : memref<80x128xi32, #tpu.memory_space<vmem>> -> memref<1x128xi32, #tpu.memory_space<vmem>>
    %dma_wait3A_241 = tpu.memref_squeeze %dma_wait3A_240 : memref<1x128xi32, #tpu.memory_space<vmem>> -> memref<128xi32, #tpu.memory_space<vmem>>
    %dma_wait3A_242 = arith.constant 0 : i32
    %dma_wait3A_243 = arith.constant 0 : i32
    %dma_wait3A_244 = tpu.memref_slice %arg8[%dma_wait3A_242, %dma_wait3A_243] : memref<10112x64xbf16, #tpu.memory_space<vmem_shared>> -> memref<10112x64xbf16, #tpu.memory_space<vmem_shared>>
    tpu.wait_indirect_dma semaphore(%arg11 : memref<!tpu.dma_semaphore, #tpu.memory_space<semaphore_mem>>) src(%dma_wait3A_234 : memref<128x64xbf16, #tpu.memory_space<vmem>>) dst(%dma_wait3A_244 : memref<10112x64xbf16, #tpu.memory_space<vmem_shared>>)
    %dma_wait3A_245 = arith.constant 1 : i32
    %dma_wait3A_246 = arith.constant 5 : i32
    %dma_wait3A_247 = arith.constant 1 : i32
    %dma_wait3A_248 = arith.constant 77 : i32
    %dma_wait3A_249 = arith.constant 0 : i32
    %dma_wait3A_250 = arith.constant 0 : i32
    %dma_wait3A_251 = tpu.memref_slice %arg7[%dma_wait3A_245, %dma_wait3A_246, %dma_wait3A_249, %dma_wait3A_250] : memref<2x8x128x64xbf16, #tpu.memory_space<vmem>> -> memref<1x1x128x64xbf16, #tpu.memory_space<vmem>>
    %dma_wait3A_252 = tpu.memref_squeeze %dma_wait3A_251 : memref<1x1x128x64xbf16, #tpu.memory_space<vmem>> -> memref<128x64xbf16, #tpu.memory_space<vmem>>
    %dma_wait3A_253 = arith.constant 0 : i32
    %dma_wait3A_254 = arith.constant 0 : i32
    %dma_wait3A_255 = tpu.memref_slice %arg6[%dma_wait3A_247, %dma_wait3A_253, %dma_wait3A_254] : memref<2x80x128xi32, #tpu.memory_space<vmem>> -> memref<1x80x128xi32, #tpu.memory_space<vmem>>
    %dma_wait3A_256 = tpu.memref_squeeze %dma_wait3A_255 : memref<1x80x128xi32, #tpu.memory_space<vmem>> -> memref<80x128xi32, #tpu.memory_space<vmem>>
    %dma_wait3A_257 = arith.constant 0 : i32
    %dma_wait3A_258 = tpu.memref_slice %dma_wait3A_256[%dma_wait3A_248, %dma_wait3A_257] : memref<80x128xi32, #tpu.memory_space<vmem>> -> memref<1x128xi32, #tpu.memory_space<vmem>>
    %dma_wait3A_259 = tpu.memref_squeeze %dma_wait3A_258 : memref<1x128xi32, #tpu.memory_space<vmem>> -> memref<128xi32, #tpu.memory_space<vmem>>
    %dma_wait3A_260 = arith.constant 0 : i32
    %dma_wait3A_261 = arith.constant 0 : i32
    %dma_wait3A_262 = tpu.memref_slice %arg8[%dma_wait3A_260, %dma_wait3A_261] : memref<10112x64xbf16, #tpu.memory_space<vmem_shared>> -> memref<10112x64xbf16, #tpu.memory_space<vmem_shared>>
    tpu.wait_indirect_dma semaphore(%arg11 : memref<!tpu.dma_semaphore, #tpu.memory_space<semaphore_mem>>) src(%dma_wait3A_252 : memref<128x64xbf16, #tpu.memory_space<vmem>>) dst(%dma_wait3A_262 : memref<10112x64xbf16, #tpu.memory_space<vmem_shared>>)
    %dma_wait3A_263 = arith.constant 1 : i32
    %dma_wait3A_264 = arith.constant 6 : i32
    %dma_wait3A_265 = arith.constant 1 : i32
    %dma_wait3A_266 = arith.constant 78 : i32
    %dma_wait3A_267 = arith.constant 0 : i32
    %dma_wait3A_268 = arith.constant 0 : i32
    %dma_wait3A_269 = tpu.memref_slice %arg7[%dma_wait3A_263, %dma_wait3A_264, %dma_wait3A_267, %dma_wait3A_268] : memref<2x8x128x64xbf16, #tpu.memory_space<vmem>> -> memref<1x1x128x64xbf16, #tpu.memory_space<vmem>>
    %dma_wait3A_270 = tpu.memref_squeeze %dma_wait3A_269 : memref<1x1x128x64xbf16, #tpu.memory_space<vmem>> -> memref<128x64xbf16, #tpu.memory_space<vmem>>
    %dma_wait3A_271 = arith.constant 0 : i32
    %dma_wait3A_272 = arith.constant 0 : i32
    %dma_wait3A_273 = tpu.memref_slice %arg6[%dma_wait3A_265, %dma_wait3A_271, %dma_wait3A_272] : memref<2x80x128xi32, #tpu.memory_space<vmem>> -> memref<1x80x128xi32, #tpu.memory_space<vmem>>
    %dma_wait3A_274 = tpu.memref_squeeze %dma_wait3A_273 : memref<1x80x128xi32, #tpu.memory_space<vmem>> -> memref<80x128xi32, #tpu.memory_space<vmem>>
    %dma_wait3A_275 = arith.constant 0 : i32
    %dma_wait3A_276 = tpu.memref_slice %dma_wait3A_274[%dma_wait3A_266, %dma_wait3A_275] : memref<80x128xi32, #tpu.memory_space<vmem>> -> memref<1x128xi32, #tpu.memory_space<vmem>>
    %dma_wait3A_277 = tpu.memref_squeeze %dma_wait3A_276 : memref<1x128xi32, #tpu.memory_space<vmem>> -> memref<128xi32, #tpu.memory_space<vmem>>
    %dma_wait3A_278 = arith.constant 0 : i32
    %dma_wait3A_279 = arith.constant 0 : i32
    %dma_wait3A_280 = tpu.memref_slice %arg8[%dma_wait3A_278, %dma_wait3A_279] : memref<10112x64xbf16, #tpu.memory_space<vmem_shared>> -> memref<10112x64xbf16, #tpu.memory_space<vmem_shared>>
    tpu.wait_indirect_dma semaphore(%arg11 : memref<!tpu.dma_semaphore, #tpu.memory_space<semaphore_mem>>) src(%dma_wait3A_270 : memref<128x64xbf16, #tpu.memory_space<vmem>>) dst(%dma_wait3A_280 : memref<10112x64xbf16, #tpu.memory_space<vmem_shared>>)
    %dma_wait3A_281 = arith.constant 1 : i32
    %dma_wait3A_282 = arith.constant 7 : i32
    %dma_wait3A_283 = arith.constant 1 : i32
    %dma_wait3A_284 = arith.constant 79 : i32
    %dma_wait3A_285 = arith.constant 0 : i32
    %dma_wait3A_286 = arith.constant 0 : i32
    %dma_wait3A_287 = tpu.memref_slice %arg7[%dma_wait3A_281, %dma_wait3A_282, %dma_wait3A_285, %dma_wait3A_286] : memref<2x8x128x64xbf16, #tpu.memory_space<vmem>> -> memref<1x1x128x64xbf16, #tpu.memory_space<vmem>>
    %dma_wait3A_288 = tpu.memref_squeeze %dma_wait3A_287 : memref<1x1x128x64xbf16, #tpu.memory_space<vmem>> -> memref<128x64xbf16, #tpu.memory_space<vmem>>
    %dma_wait3A_289 = arith.constant 0 : i32
    %dma_wait3A_290 = arith.constant 0 : i32
    %dma_wait3A_291 = tpu.memref_slice %arg6[%dma_wait3A_283, %dma_wait3A_289, %dma_wait3A_290] : memref<2x80x128xi32, #tpu.memory_space<vmem>> -> memref<1x80x128xi32, #tpu.memory_space<vmem>>
    %dma_wait3A_292 = tpu.memref_squeeze %dma_wait3A_291 : memref<1x80x128xi32, #tpu.memory_space<vmem>> -> memref<80x128xi32, #tpu.memory_space<vmem>>
    %dma_wait3A_293 = arith.constant 0 : i32
    %dma_wait3A_294 = tpu.memref_slice %dma_wait3A_292[%dma_wait3A_284, %dma_wait3A_293] : memref<80x128xi32, #tpu.memory_space<vmem>> -> memref<1x128xi32, #tpu.memory_space<vmem>>
    %dma_wait3A_295 = tpu.memref_squeeze %dma_wait3A_294 : memref<1x128xi32, #tpu.memory_space<vmem>> -> memref<128xi32, #tpu.memory_space<vmem>>
    %dma_wait3A_296 = arith.constant 0 : i32
    %dma_wait3A_297 = arith.constant 0 : i32
    %dma_wait3A_298 = tpu.memref_slice %arg8[%dma_wait3A_296, %dma_wait3A_297] : memref<10112x64xbf16, #tpu.memory_space<vmem_shared>> -> memref<10112x64xbf16, #tpu.memory_space<vmem_shared>>
    tpu.wait_indirect_dma semaphore(%arg11 : memref<!tpu.dma_semaphore, #tpu.memory_space<semaphore_mem>>) src(%dma_wait3A_288 : memref<128x64xbf16, #tpu.memory_space<vmem>>) dst(%dma_wait3A_298 : memref<10112x64xbf16, #tpu.memory_space<vmem_shared>>)
    %barrier3A_299 = arith.constant 0 : index
    tpu.barrier barrier_id(%barrier3A_299)
    "tpu.region"() ({
      %run_scoped3A = tpu.sem_alloc : memref<!tpu.dma_semaphore, #tpu.memory_space<semaphore_mem>>
      %dma_start3A_300 = arith.constant 0 : i32
      %dma_start3A_301 = tpu.memref_slice %arg5[%arg0, %mul3A_2, %dma_start3A_300] : memref<2x10112x64xbf16, #tpu.memory_space<hbm>> -> memref<1x632x64xbf16, #tpu.memory_space<hbm>>
      %dma_start3A_302 = tpu.memref_squeeze %dma_start3A_301 : memref<1x632x64xbf16, #tpu.memory_space<hbm>> -> memref<632x64xbf16, #tpu.memory_space<hbm>>
      %dma_start3A_303 = arith.constant 0 : i32
      %dma_start3A_304 = tpu.memref_slice %arg8[%mul3A_2, %dma_start3A_303] : memref<10112x64xbf16, #tpu.memory_space<vmem_shared>> -> memref<632x64xbf16, #tpu.memory_space<vmem_shared>>
      tpu.enqueue_dma source(%dma_start3A_304 : memref<632x64xbf16, #tpu.memory_space<vmem_shared>>) target(%dma_start3A_302 : memref<632x64xbf16, #tpu.memory_space<hbm>>) target_semaphore(%run_scoped3A : memref<!tpu.dma_semaphore, #tpu.memory_space<semaphore_mem>>)
      %dma_wait3A_305 = arith.constant 0 : i32
      %dma_wait3A_306 = tpu.memref_slice %arg5[%arg0, %mul3A_2, %dma_wait3A_305] : memref<2x10112x64xbf16, #tpu.memory_space<hbm>> -> memref<1x632x64xbf16, #tpu.memory_space<hbm>>
      %dma_wait3A_307 = tpu.memref_squeeze %dma_wait3A_306 : memref<1x632x64xbf16, #tpu.memory_space<hbm>> -> memref<632x64xbf16, #tpu.memory_space<hbm>>
      %dma_wait3A_308 = arith.constant 0 : i32
      %dma_wait3A_309 = tpu.memref_slice %arg8[%mul3A_2, %dma_wait3A_308] : memref<10112x64xbf16, #tpu.memory_space<vmem_shared>> -> memref<632x64xbf16, #tpu.memory_space<vmem_shared>>
      tpu.wait_dma2 semaphore(%run_scoped3A : memref<!tpu.dma_semaphore, #tpu.memory_space<semaphore_mem>>) src(%dma_wait3A_309 : memref<632x64xbf16, #tpu.memory_space<vmem_shared>>) dst(%dma_wait3A_307 : memref<632x64xbf16, #tpu.memory_space<hbm>>)
      tpu.yield
    }) : () -> ()
    return
  }
}

module attributes {stable_mosaic.version = 14 : i64} {
  func.func @_proj_body(%arg0: i32, %arg1: memref<2000x128xf32, #tpu.memory_space<vmem>>, %arg2: memref<128x64xf32, #tpu.memory_space<vmem>>, %arg3: memref<2000x64xf32, #tpu.memory_space<vmem>>, %arg4: memref<2000x64xbf16, #tpu.memory_space<vmem>>) attributes {dimension_semantics = [#tpu.dimension_semantics<arbitrary>], iteration_bounds = array<i64: 5>, scalar_prefetch = 0 : i64, scratch_operands = 0 : i64, tpu.core_type = #tpu.core_type<tc>, window_params = [{transform_indices = @transform_0, window_bounds = array<i64: 2000, 128>}, {pipeline_mode = #tpu.pipeline_mode<synchronous>, transform_indices = @transform_1, window_bounds = array<i64: 128, 64>}, {transform_indices = @transform_2, window_bounds = array<i64: 2000, 64>}, {transform_indices = @transform_3, window_bounds = array<i64: 2000, 64>}]} {
    %get3A = arith.constant 0 : index
    %get3A_0 = arith.constant 0 : index
    %get3A_1 = vector.load %arg1[%get3A, %get3A_0] : memref<2000x128xf32, #tpu.memory_space<vmem>>, vector<2000x128xf32>
    %get3A_2 = arith.constant 0 : index
    %get3A_3 = arith.constant 0 : index
    %get3A_4 = vector.load %arg2[%get3A_2, %get3A_3] : memref<128x64xf32, #tpu.memory_space<vmem>>, vector<128x64xf32>
    %dot_general3A = arith.constant dense<0.000000e+00> : vector<2000x64xf32>
    %dot_general3A_5 = tpu.matmul %get3A_1, %get3A_4, %dot_general3A {dimension_numbers = #tpu.dot_dimension_numbers<[1], [0], [0], [1], [0, 0, 1, 1], [], []>, transpose_lhs_hint = false} : vector<2000x128xf32>, vector<128x64xf32>, vector<2000x64xf32> -> vector<2000x64xf32>
    %swap3A = arith.constant 0 : index
    %swap3A_6 = arith.constant 0 : index
    %swap3A_7 = vector.load %arg3[%swap3A, %swap3A_6] : memref<2000x64xf32, #tpu.memory_space<vmem>>, vector<2000x64xf32>
    tpu.vector_store %arg3[%swap3A, %swap3A_6], %dot_general3A_5 {strides = array<i32>} : memref<2000x64xf32, #tpu.memory_space<vmem>>, vector<2000x64xf32>,
    %convert_element_type3A = arith.truncf %dot_general3A_5 : vector<2000x64xf32> to vector<2000x64xbf16>
    %swap3A_8 = arith.constant 0 : index
    %swap3A_9 = arith.constant 0 : index
    %swap3A_10 = vector.load %arg4[%swap3A_8, %swap3A_9] : memref<2000x64xbf16, #tpu.memory_space<vmem>>, vector<2000x64xbf16>
    tpu.vector_store %arg4[%swap3A_8, %swap3A_9], %convert_element_type3A {strides = array<i32>} : memref<2000x64xbf16, #tpu.memory_space<vmem>>, vector<2000x64xbf16>,
    return
  }
  func.func @transform_0(%arg0: i32) -> (i32, i32) {
    %c0_i32 = arith.constant 0 : i32
    %c0_i32_0 = arith.constant 0 : i32
    return %arg0, %c0_i32 : i32, i32
  }
  func.func @transform_1(%arg0: i32) -> (i32, i32) {
    %c0_i32 = arith.constant 0 : i32
    %c0_i32_0 = arith.constant 0 : i32
    %c0_i32_1 = arith.constant 0 : i32
    return %c0_i32, %c0_i32_0 : i32, i32
  }
  func.func @transform_2(%arg0: i32) -> (i32, i32) {
    %c0_i32 = arith.constant 0 : i32
    %c0_i32_0 = arith.constant 0 : i32
    return %arg0, %c0_i32 : i32, i32
  }
  func.func @transform_3(%arg0: i32) -> (i32, i32) {
    %c0_i32 = arith.constant 0 : i32
    %c0_i32_0 = arith.constant 0 : i32
    return %arg0, %c0_i32 : i32, i32
  }
}

module attributes {stable_mosaic.version = 14 : i64} {
  func.func @_tail_body(%arg0: i32, %arg1: memref<2x2000x64xbf16, #tpu.memory_space<vmem>>, %arg2: memref<2000x64xf32, #tpu.memory_space<vmem>>, %arg3: memref<64x64xf32, #tpu.memory_space<vmem>>, %arg4: memref<64x64xf32, #tpu.memory_space<vmem>>, %arg5: memref<1x2xf32, #tpu.memory_space<vmem>>, %arg6: memref<2x64xf32, #tpu.memory_space<vmem>>, %arg7: memref<1x9xf32, #tpu.memory_space<vmem>>, %arg8: memref<9x64xf32, #tpu.memory_space<vmem>>, %arg9: memref<64x64xf32, #tpu.memory_space<vmem>>, %arg10: memref<1x64xf32, #tpu.memory_space<vmem>>, %arg11: memref<64x1xf32, #tpu.memory_space<vmem>>, %arg12: memref<1x1xf32, #tpu.memory_space<vmem>>, %arg13: memref<1x1xf32, #tpu.memory_space<vmem>>, %arg14: memref<1x64xf32, #tpu.memory_space<vmem>>) attributes {dimension_semantics = [#tpu.dimension_semantics<arbitrary>], iteration_bounds = array<i64: 5>, scalar_prefetch = 0 : i64, scratch_operands = 1 : i64, tpu.core_type = #tpu.core_type<tc>, window_params = [{transform_indices = @transform_0, window_bounds = array<i64: 2, 2000, 64>}, {transform_indices = @transform_1, window_bounds = array<i64: 2000, 64>}, {pipeline_mode = #tpu.pipeline_mode<synchronous>, transform_indices = @transform_2, window_bounds = array<i64: 64, 64>}, {pipeline_mode = #tpu.pipeline_mode<synchronous>, transform_indices = @transform_3, window_bounds = array<i64: 64, 64>}, {pipeline_mode = #tpu.pipeline_mode<synchronous>, transform_indices = @transform_4, window_bounds = array<i64: 1, 2>}, {pipeline_mode = #tpu.pipeline_mode<synchronous>, transform_indices = @transform_5, window_bounds = array<i64: 2, 64>}, {pipeline_mode = #tpu.pipeline_mode<synchronous>, transform_indices = @transform_6, window_bounds = array<i64: 1, 9>}, {pipeline_mode = #tpu.pipeline_mode<synchronous>, transform_indices = @transform_7, window_bounds = array<i64: 9, 64>}, {pipeline_mode = #tpu.pipeline_mode<synchronous>, transform_indices = @transform_8, window_bounds = array<i64: 64, 64>}, {pipeline_mode = #tpu.pipeline_mode<synchronous>, transform_indices = @transform_9, window_bounds = array<i64: 1, 64>}, {pipeline_mode = #tpu.pipeline_mode<synchronous>, transform_indices = @transform_10, window_bounds = array<i64: 64, 1>}, {pipeline_mode = #tpu.pipeline_mode<synchronous>, transform_indices = @transform_11, window_bounds = array<i64: 1, 1>}, {pipeline_mode = #tpu.pipeline_mode<synchronous>, transform_indices = @transform_12, window_bounds = array<i64: 1, 1>}]} {
    %eq3A = arith.constant 0 : i32
    %eq3A_0 = arith.cmpi eq, %arg0, %eq3A : i32
    %convert_element_type3A = arith.extui %eq3A_0 : i1 to i32
    %cond3A = arith.constant 0 : i32
    %cond3A_1 = arith.cmpi ne, %convert_element_type3A, %cond3A : i32
    scf.if %cond3A_1 {
      %broadcast_in_dim3A_43 = arith.constant 0.000000e+00 : f32
      %broadcast_in_dim3A_44 = vector.broadcast %broadcast_in_dim3A_43 : f32 to vector<1x64xf32>
      %swap3A_45 = arith.constant 0 : index
      %swap3A_46 = arith.constant 0 : index
      %swap3A_47 = vector.load %arg14[%swap3A_45, %swap3A_46] : memref<1x64xf32, #tpu.memory_space<vmem>>, vector<1x64xf32>
      tpu.vector_store %arg14[%swap3A_45, %swap3A_46], %broadcast_in_dim3A_44 {strides = array<i32>} : memref<1x64xf32, #tpu.memory_space<vmem>>, vector<1x64xf32>,
    } else {
    }
    %get3A = arith.constant 0 : index
    %get3A_2 = arith.constant 0 : index
    %get3A_3 = arith.constant 0 : index
    %get3A_4 = vector.load %arg1[%get3A, %get3A_2, %get3A_3] : memref<2x2000x64xbf16, #tpu.memory_space<vmem>>, vector<1x2000x64xbf16>
    %get3A_5 = vector.shape_cast %get3A_4 : vector<1x2000x64xbf16> to vector<2000x64xbf16>
    %convert_element_type3A_6 = arith.extf %get3A_5 : vector<2000x64xbf16> to vector<2000x64xf32>
    %get3A_7 = arith.constant 1 : index
    %get3A_8 = arith.constant 0 : index
    %get3A_9 = arith.constant 0 : index
    %get3A_10 = vector.load %arg1[%get3A_7, %get3A_8, %get3A_9] : memref<2x2000x64xbf16, #tpu.memory_space<vmem>>, vector<1x2000x64xbf16>
    %get3A_11 = vector.shape_cast %get3A_10 : vector<1x2000x64xbf16> to vector<2000x64xbf16>
    %convert_element_type3A_12 = arith.extf %get3A_11 : vector<2000x64xbf16> to vector<2000x64xf32>
    %add3A = arith.addf %convert_element_type3A_6, %convert_element_type3A_12 : vector<2000x64xf32>
    %get3A_13 = arith.constant 0 : index
    %get3A_14 = arith.constant 0 : index
    %get3A_15 = vector.load %arg3[%get3A_13, %get3A_14] : memref<64x64xf32, #tpu.memory_space<vmem>>, vector<64x64xf32>
    %dot_general3A = arith.constant dense<0.000000e+00> : vector<2000x64xf32>
    %dot_general3A_16 = tpu.matmul %add3A, %get3A_15, %dot_general3A {dimension_numbers = #tpu.dot_dimension_numbers<[1], [0], [0], [1], [0, 0, 1, 1], [], []>, transpose_lhs_hint = false} : vector<2000x64xf32>, vector<64x64xf32>, vector<2000x64xf32> -> vector<2000x64xf32>
    %get3A_17 = arith.constant 0 : index
    %get3A_18 = arith.constant 0 : index
    %get3A_19 = vector.load %arg2[%get3A_17, %get3A_18] : memref<2000x64xf32, #tpu.memory_space<vmem>>, vector<2000x64xf32>
    %get3A_20 = arith.constant 0 : index
    %get3A_21 = arith.constant 0 : index
    %get3A_22 = vector.load %arg4[%get3A_20, %get3A_21] : memref<64x64xf32, #tpu.memory_space<vmem>>, vector<64x64xf32>
    %dot_general3A_23 = arith.constant dense<0.000000e+00> : vector<2000x64xf32>
    %dot_general3A_24 = tpu.matmul %get3A_19, %get3A_22, %dot_general3A_23 {dimension_numbers = #tpu.dot_dimension_numbers<[1], [0], [0], [1], [0, 0, 1, 1], [], []>, transpose_lhs_hint = false} : vector<2000x64xf32>, vector<64x64xf32>, vector<2000x64xf32> -> vector<2000x64xf32>
    %add3A_25 = arith.addf %dot_general3A_24, %dot_general3A_16 : vector<2000x64xf32>
    %logistic3A = arith.negf %add3A_25 : vector<2000x64xf32>
    %logistic3A_26 = math.exp %logistic3A : vector<2000x64xf32>
    %logistic3A_27 = arith.constant 1.000000e+00 : f32
    %logistic3A_28 = vector.broadcast %logistic3A_27 : f32 to vector<2000x64xf32>
    %logistic3A_29 = arith.addf %logistic3A_28, %logistic3A_26 : vector<2000x64xf32>
    %logistic3A_30 = arith.divf %logistic3A_28, %logistic3A_29 : vector<2000x64xf32>
    %mul3A = arith.mulf %add3A_25, %logistic3A_30 : vector<2000x64xf32>
    %get3A_31 = arith.constant 0 : index
    %get3A_32 = arith.constant 0 : index
    %get3A_33 = vector.load %arg14[%get3A_31, %get3A_32] : memref<1x64xf32, #tpu.memory_space<vmem>>, vector<1x64xf32>
    %reduce_sum3A = arith.constant dense<0.000000e+00> : vector<64xf32>
    %reduce_sum3A_34 = vector.multi_reduction <add>, %mul3A, %reduce_sum3A [0] : vector<2000x64xf32> to vector<64xf32>
    %broadcast_in_dim3A = vector.shape_cast %reduce_sum3A_34 : vector<64xf32> to vector<1x64xf32>
    %add3A_35 = arith.addf %get3A_33, %broadcast_in_dim3A : vector<1x64xf32>
    %swap3A = arith.constant 0 : index
    %swap3A_36 = arith.constant 0 : index
    %swap3A_37 = vector.load %arg14[%swap3A, %swap3A_36] : memref<1x64xf32, #tpu.memory_space<vmem>>, vector<1x64xf32>
    tpu.vector_store %arg14[%swap3A, %swap3A_36], %add3A_35 {strides = array<i32>} : memref<1x64xf32, #tpu.memory_space<vmem>>, vector<1x64xf32>,
    %eq3A_38 = arith.constant 4 : i32
    %eq3A_39 = arith.cmpi eq, %arg0, %eq3A_38 : i32
    %convert_element_type3A_40 = arith.extui %eq3A_39 : i1 to i32
    %cond3A_41 = arith.constant 0 : i32
    %cond3A_42 = arith.cmpi ne, %convert_element_type3A_40, %cond3A_41 : i32
    scf.if %cond3A_42 {
      %get3A_43 = arith.constant 0 : index
      %get3A_44 = arith.constant 0 : index
      %get3A_45 = vector.load %arg5[%get3A_43, %get3A_44] : memref<1x2xf32, #tpu.memory_space<vmem>>, vector<1x2xf32>
      %get3A_46 = arith.constant 0 : index
      %get3A_47 = arith.constant 0 : index
      %get3A_48 = vector.load %arg6[%get3A_46, %get3A_47] : memref<2x64xf32, #tpu.memory_space<vmem>>, vector<2x64xf32>
      %dot_general3A_49 = arith.constant dense<0.000000e+00> : vector<1x64xf32>
      %dot_general3A_50 = tpu.matmul %get3A_45, %get3A_48, %dot_general3A_49 {dimension_numbers = #tpu.dot_dimension_numbers<[1], [0], [0], [1], [0, 0, 1, 1], [], []>, transpose_lhs_hint = false} : vector<1x2xf32>, vector<2x64xf32>, vector<1x64xf32> -> vector<1x64xf32>
      %get3A_51 = arith.constant 0 : index
      %get3A_52 = arith.constant 0 : index
      %get3A_53 = vector.load %arg7[%get3A_51, %get3A_52] : memref<1x9xf32, #tpu.memory_space<vmem>>, vector<1x9xf32>
      %get3A_54 = arith.constant 0 : index
      %get3A_55 = arith.constant 0 : index
      %get3A_56 = vector.load %arg8[%get3A_54, %get3A_55] : memref<9x64xf32, #tpu.memory_space<vmem>>, vector<9x64xf32>
      %dot_general3A_57 = arith.constant dense<0.000000e+00> : vector<1x64xf32>
      %dot_general3A_58 = tpu.matmul %get3A_53, %get3A_56, %dot_general3A_57 {dimension_numbers = #tpu.dot_dimension_numbers<[1], [0], [0], [1], [0, 0, 1, 1], [], []>, transpose_lhs_hint = false} : vector<1x9xf32>, vector<9x64xf32>, vector<1x64xf32> -> vector<1x64xf32>
      %add3A_59 = arith.addf %dot_general3A_50, %dot_general3A_58 : vector<1x64xf32>
      %get3A_60 = arith.constant 0 : index
      %get3A_61 = arith.constant 0 : index
      %get3A_62 = vector.load %arg14[%get3A_60, %get3A_61] : memref<1x64xf32, #tpu.memory_space<vmem>>, vector<1x64xf32>
      %div3A = arith.constant 1.000000e+04 : f32
      %div3A_63 = vector.broadcast %div3A : f32 to vector<1x64xf32>
      %div3A_64 = arith.divf %get3A_62, %div3A_63 : vector<1x64xf32>
      %add3A_65 = arith.addf %div3A_64, %add3A_59 : vector<1x64xf32>
      %get3A_66 = arith.constant 0 : index
      %get3A_67 = arith.constant 0 : index
      %get3A_68 = vector.load %arg9[%get3A_66, %get3A_67] : memref<64x64xf32, #tpu.memory_space<vmem>>, vector<64x64xf32>
      %dot_general3A_69 = arith.constant dense<0.000000e+00> : vector<1x64xf32>
      %dot_general3A_70 = tpu.matmul %add3A_65, %get3A_68, %dot_general3A_69 {dimension_numbers = #tpu.dot_dimension_numbers<[1], [0], [0], [1], [0, 0, 1, 1], [], []>, transpose_lhs_hint = false} : vector<1x64xf32>, vector<64x64xf32>, vector<1x64xf32> -> vector<1x64xf32>
      %get3A_71 = arith.constant 0 : index
      %get3A_72 = arith.constant 0 : index
      %get3A_73 = vector.load %arg10[%get3A_71, %get3A_72] : memref<1x64xf32, #tpu.memory_space<vmem>>, vector<1x64xf32>
      %add3A_74 = arith.addf %dot_general3A_70, %get3A_73 : vector<1x64xf32>
      %logistic3A_75 = arith.negf %add3A_74 : vector<1x64xf32>
      %logistic3A_76 = math.exp %logistic3A_75 : vector<1x64xf32>
      %logistic3A_77 = arith.constant 1.000000e+00 : f32
      %logistic3A_78 = vector.broadcast %logistic3A_77 : f32 to vector<1x64xf32>
      %logistic3A_79 = arith.addf %logistic3A_78, %logistic3A_76 : vector<1x64xf32>
      %logistic3A_80 = arith.divf %logistic3A_78, %logistic3A_79 : vector<1x64xf32>
      %mul3A_81 = arith.mulf %add3A_74, %logistic3A_80 : vector<1x64xf32>
      %get3A_82 = arith.constant 0 : index
      %get3A_83 = arith.constant 0 : index
      %get3A_84 = vector.load %arg11[%get3A_82, %get3A_83] : memref<64x1xf32, #tpu.memory_space<vmem>>, vector<64x1xf32>
      %dot_general3A_85 = arith.constant dense<0.000000e+00> : vector<1x1xf32>
      %dot_general3A_86 = tpu.matmul %mul3A_81, %get3A_84, %dot_general3A_85 {dimension_numbers = #tpu.dot_dimension_numbers<[1], [0], [0], [1], [0, 0, 1, 1], [], []>, transpose_lhs_hint = false} : vector<1x64xf32>, vector<64x1xf32>, vector<1x1xf32> -> vector<1x1xf32>
      %get3A_87 = arith.constant 0 : index
      %get3A_88 = arith.constant 0 : index
      %get3A_89 = vector.load %arg12[%get3A_87, %get3A_88] : memref<1x1xf32, #tpu.memory_space<vmem>>, vector<1x1xf32>
      %add3A_90 = arith.addf %dot_general3A_86, %get3A_89 : vector<1x1xf32>
      %swap3A_91 = arith.constant 0 : index
      %swap3A_92 = arith.constant 0 : index
      %swap3A_93 = vector.load %arg13[%swap3A_91, %swap3A_92] : memref<1x1xf32, #tpu.memory_space<vmem>>, vector<1x1xf32>
      tpu.vector_store %arg13[%swap3A_91, %swap3A_92], %add3A_90 {strides = array<i32>} : memref<1x1xf32, #tpu.memory_space<vmem>>, vector<1x1xf32>,
    } else {
    }
    return
  }
  func.func @transform_0(%arg0: i32) -> (i32, i32, i32) {
    %c0_i32 = arith.constant 0 : i32
    %c0_i32_0 = arith.constant 0 : i32
    %c0_i32_1 = arith.constant 0 : i32
    return %c0_i32, %arg0, %c0_i32_0 : i32, i32, i32
  }
  func.func @transform_1(%arg0: i32) -> (i32, i32) {
    %c0_i32 = arith.constant 0 : i32
    %c0_i32_0 = arith.constant 0 : i32
    return %arg0, %c0_i32 : i32, i32
  }
  func.func @transform_2(%arg0: i32) -> (i32, i32) {
    %c0_i32 = arith.constant 0 : i32
    %c0_i32_0 = arith.constant 0 : i32
    %c0_i32_1 = arith.constant 0 : i32
    return %c0_i32, %c0_i32_0 : i32, i32
  }
  func.func @transform_3(%arg0: i32) -> (i32, i32) {
    %c0_i32 = arith.constant 0 : i32
    %c0_i32_0 = arith.constant 0 : i32
    %c0_i32_1 = arith.constant 0 : i32
    return %c0_i32, %c0_i32_0 : i32, i32
  }
  func.func @transform_4(%arg0: i32) -> (i32, i32) {
    %c0_i32 = arith.constant 0 : i32
    %c0_i32_0 = arith.constant 0 : i32
    %c0_i32_1 = arith.constant 0 : i32
    return %c0_i32, %c0_i32_0 : i32, i32
  }
  func.func @transform_5(%arg0: i32) -> (i32, i32) {
    %c0_i32 = arith.constant 0 : i32
    %c0_i32_0 = arith.constant 0 : i32
    %c0_i32_1 = arith.constant 0 : i32
    return %c0_i32, %c0_i32_0 : i32, i32
  }
  func.func @transform_6(%arg0: i32) -> (i32, i32) {
    %c0_i32 = arith.constant 0 : i32
    %c0_i32_0 = arith.constant 0 : i32
    %c0_i32_1 = arith.constant 0 : i32
    return %c0_i32, %c0_i32_0 : i32, i32
  }
  func.func @transform_7(%arg0: i32) -> (i32, i32) {
    %c0_i32 = arith.constant 0 : i32
    %c0_i32_0 = arith.constant 0 : i32
    %c0_i32_1 = arith.constant 0 : i32
    return %c0_i32, %c0_i32_0 : i32, i32
  }
  func.func @transform_8(%arg0: i32) -> (i32, i32) {
    %c0_i32 = arith.constant 0 : i32
    %c0_i32_0 = arith.constant 0 : i32
    %c0_i32_1 = arith.constant 0 : i32
    return %c0_i32, %c0_i32_0 : i32, i32
  }
  func.func @transform_9(%arg0: i32) -> (i32, i32) {
    %c0_i32 = arith.constant 0 : i32
    %c0_i32_0 = arith.constant 0 : i32
    %c0_i32_1 = arith.constant 0 : i32
    return %c0_i32, %c0_i32_0 : i32, i32
  }
  func.func @transform_10(%arg0: i32) -> (i32, i32) {
    %c0_i32 = arith.constant 0 : i32
    %c0_i32_0 = arith.constant 0 : i32
    %c0_i32_1 = arith.constant 0 : i32
    return %c0_i32, %c0_i32_0 : i32, i32
  }
  func.func @transform_11(%arg0: i32) -> (i32, i32) {
    %c0_i32 = arith.constant 0 : i32
    %c0_i32_0 = arith.constant 0 : i32
    %c0_i32_1 = arith.constant 0 : i32
    return %c0_i32, %c0_i32_0 : i32, i32
  }
  func.func @transform_12(%arg0: i32) -> (i32, i32) {
    %c0_i32 = arith.constant 0 : i32
    %c0_i32_0 = arith.constant 0 : i32
    %c0_i32_1 = arith.constant 0 : i32
    return %c0_i32, %c0_i32_0 : i32, i32
  }
}

</mosaic_0001>

<sc_bundles>
// kernel: kernel.5.cloned.1.call-start
scs
__scs_entry_jumppad:
0x0: {  	(pc) =	sbr.rel $0x88, $3  }
0x1: {  	(tag) =	ssettag $0x0;
	lr =	simm.s32 $0x1  }
0x2: {  	[smem:$0x3F94] =	sst lr;
	_ =	strace $0xD0000000  }
0x3: {  	_ = 	snop  }
0x4: {  	_ = 	snop  }
0x5: {  	_ = 	snop  }
0x6: {  	_ = 	snop  }
0x7: {  	_ = 	snop  }
__scs_overlays_trampoline_lowered:
0x8: {  	[smem:$0x3FA3] =	sst s0  }
0x9: {  	[smem:$0x3FA4] =	sst s1  }
0xa: {  	[smem:$0x3FA5] =	sst s2  }
0xb: {  	[smem:$0x3FA6] =	sst s3  }
0xc: {  	[smem:$0x3FA7] =	sst s4  }
0xd: {  	[smem:$0x3FA8] =	sst s5  }
0xe: {  	[smem:$0x3FA9] =	sst s6  }
0xf: {  	[smem:$0x3FAA] =	sst s7  }
0x10: {  	[smem:$0x3FAB] =	sst s8  }
0x11: {  	[smem:$0x3FAC] =	sst s9;
	s0 =	simm.s32 @!p0 $0x0  }
0x12: {  	s1 =	sld [smem:$0x3F92];
	s0 =	simm.s32 @p0 $0x1  }
0x13: {  	[smem:$0x3FAD] =	sst s0;
	s0 =	simm.s32 @!p1 $0x0  }
0x14: {  	s2 =	sld [smem:$0x3F91];
	s0 =	simm.s32 @p1 $0x1  }
0x15: {  	[smem:$0x3FAE] =	sst s0;
	s0 =	simm.s32 @!p2 $0x0  }
0x16: {  	s3 =	sld [smem:$0x3FDB];
	s0 =	simm.s32 @p2 $0x1  }
0x17: {  	s4 =	simm.s32 $0x1BF5;
	[smem:$0x3FB0] =	sst s0  }
0x18: {  	s0 =	sld [smem:$0x3F93];
	_ =	swait.ge [sflag:s4], $0x0  }
0x19: {  	s7 =	sld [smem:$0x3F94]  }
0x1a: {  	s8 =	sadd.s32 $0xFFFFE003, lr  }
0x1b: {  	s9 =	sadd.s32 $0xFFFFFEF7, lr;
	s5 =	simm.s32 $0xFFFFFFFF;
	p2 =	slt.u32 s8, $0xFFFFF086  }
0x1c: {  	p1 =	slt.u32 s9, $0xF7A;
	s5 =	simm.s32 @!p2 $0x0  }
0x1d: {  	s5 =	simm.s32 @p1 $0x1;
	p0 =	seq.s32 s7, s2  }
0x1e: {  	s7 =	smul.u32 @!p0 $0xF7A, s2;
	p2 =	seq.s32 @!p0 s5, $0x0  }
0x1f: {  	s9 =	smul.u32 $0xF7A, s1;
	s8 =	simm.s32 @!p0 $0x1BF5;
	p2 =	por !p2, p0  }
0x20: {  	[sflag:s8] =	ssyncset.s32 @!p0 $0xFFFFF086;
	s6 =	sadd.s32 @!p0 s3, s7;
	s7 =	simm.s32 @!p0 $0x108  }
0x21: {  	s3 =	sadd.s32 s3, s9;
	s6 =	sadd.s32 @!p0 $0x88, s6;
	s7 =	simm.s32 @p2 $0x1082  }
0x22: {  	[simem:s7], [sflag:s8] =	dma.local @!p0 [hbm:s6], $0xF7A  }
0x23: {  	s9 =	sor.u32 $0xD0000000, s2;
	s6 =	simm.s32 $0x108;
	_ =	swait.ge @!p0 [sflag:s8], $0x0  }
0x24: {  	s3 =	sadd.s32 $0x88, s3;
	s6 =	simm.s32 @!p1 $0x1082;
	[sflag:s4] =	ssyncset.s32 $0xFFFFF086  }
0x25: {  	[simem:s6], [sflag:s4] =	dma.local [hbm:s3], $0xF7A  }
0x26: {  	[smem:$0x3F94] =	sst s1;
	(tag) =	ssettag s2;
	_ =	strace s9  }
0x27: {  	s1 =	sld [smem:$0x3FA4]  }
0x28: {  	s2 =	sld [smem:$0x3FA5]  }
0x29: {  	s4 =	sld [smem:$0x3FA7]  }
0x2a: {  	p0 =	seq.s32 s5, $0x0;
	s5 =	sld [smem:$0x3FA8]  }
0x2b: {  	s6 =	sld [smem:$0x3FA9]  }
0x2c: {  	s7 =	sld [smem:$0x3FAA]  }
0x2d: {  	s3 =	simm.s32 $0x108;
	s8 =	sld [smem:$0x3FAB]  }
0x2e: {  	s3 =	simm.s32 @!p0 $0x1082;
	s9 =	sld [smem:$0x3FAC]  }
0x2f: {  	lr =	sadd.s32 s0, s3;
	s0 =	sld [smem:$0x3FA3]  }
0x30: {  	s3 =	sld [smem:$0x3FA6]  }
0x31: {  	[smem:$0x3FAF] =	sst s10  }
0x32: {  	s10 =	sld [smem:$0x3FAD];
	_ =	sdelay $0x3  }
0x33: {  	p0 =	seq.s32 s10, $0x1;
	s10 =	sld [smem:$0x3FAF];
	_ =	sdelay $0x3  }
0x34: {  	[smem:$0x3FAF] =	sst s10  }
0x35: {  	s10 =	sld [smem:$0x3FAE];
	_ =	sdelay $0x3  }
0x36: {  	p1 =	seq.s32 s10, $0x1;
	s10 =	sld [smem:$0x3FAF];
	_ =	sdelay $0x3  }
0x37: {  	[smem:$0x3FAF] =	sst s10  }
0x38: {  	s10 =	sld [smem:$0x3FB0]  }
0x39: {  	_ = 	snop;
	(pc) =	sbr.ind lr, $3  }
0x3a: {  	_ = 	snop  }
0x3b: {  	_ = 	snop  }
0x3c: {  	p2 =	seq.s32 s10, $0x1;
	s10 =	sld [smem:$0x3FAF]  }
0x3d: {  	_ =	shalt  }
0x3e: {  	_ =	shalt  }
0x3f: {  	_ =	shalt  }
0x40: {  	_ =	shalt  }
0x41: {  	_ =	shalt  }
0x42: {  	_ =	shalt  }
0x43: {  	_ =	shalt  }
0x44: {  	_ =	shalt  }
0x45: {  	_ =	shalt  }
0x46: {  	_ =	shalt  }
0x47: {  	_ =	shalt  }
0x48: {  	_ =	shalt  }
0x49: {  	_ =	shalt  }
0x4a: {  	_ =	shalt  }
0x4b: {  	_ =	shalt  }
0x4c: {  	_ =	shalt  }
0x4d: {  	_ =	shalt  }
0x4e: {  	_ =	shalt  }
0x4f: {  	_ =	shalt  }
0x50: {  	_ =	shalt  }
0x51: {  	_ =	shalt  }
0x52: {  	_ =	shalt  }
0x53: {  	_ =	shalt  }
0x54: {  	_ =	shalt  }
0x55: {  	_ =	shalt  }
0x56: {  	_ =	shalt  }
0x57: {  	_ =	shalt  }
0x58: {  	_ =	shalt  }
0x59: {  	_ =	shalt  }
0x5a: {  	_ =	shalt  }
0x5b: {  	_ =	shalt  }
0x5c: {  	_ =	shalt  }
0x5d: {  	_ =	shalt  }
0x5e: {  	_ =	shalt  }
0x5f: {  	_ =	shalt  }
0x60: {  	_ =	shalt  }
0x61: {  	_ =	shalt  }
0x62: {  	_ =	shalt  }
0x63: {  	_ =	shalt  }
0x64: {  	_ =	shalt  }
0x65: {  	_ =	shalt  }
0x66: {  	_ =	shalt  }
0x67: {  	_ =	shalt  }
0x68: {  	_ =	shalt  }
0x69: {  	_ =	shalt  }
0x6a: {  	_ =	shalt  }
0x6b: {  	_ =	shalt  }
0x6c: {  	_ =	shalt  }
0x6d: {  	_ =	shalt  }
0x6e: {  	_ =	shalt  }
0x6f: {  	_ =	shalt  }
0x70: {  	_ =	shalt  }
0x71: {  	_ =	shalt  }
0x72: {  	_ =	shalt  }
0x73: {  	_ =	shalt  }
0x74: {  	_ =	shalt  }
0x75: {  	_ =	shalt  }
0x76: {  	_ =	shalt  }
0x77: {  	_ =	shalt  }
0x78: {  	_ =	shalt  }
0x79: {  	_ =	shalt  }
0x7a: {  	_ =	shalt  }
0x7b: {  	_ =	shalt  }
0x7c: {  	_ =	shalt  }
0x7d: {  	_ =	shalt  }
0x7e: {  	_ =	shalt  }
0x7f: {  	_ =	shalt  }
0x80: {  	_ =	shalt  }
0x81: {  	_ =	shalt  }
0x82: {  	_ =	shalt  }
0x83: {  	_ =	shalt  }
0x84: {  	_ =	shalt  }
0x85: {  	_ =	shalt  }
0x86: {  	_ =	shalt  }
0x87: {  	_ =	shalt  }
.Lfunc_end0:
.L_simem_size_0:
called_computation_lowered:
.L_overlay_start_0:
0x88: {  	s2 =	sld [smem:$0x3FD9]  }
0x89: {  	s3 =	sld [smem:$0x3FFE];
	_ =	sdelay $0x1  }
0x8a: {  	s1 =	srdreg.scid  }
0x8b: {  	s0 =	sand.u32 $0x1, s1  }
0x8c: {  	s16 =	sshll.u32 s0, $0xA;
	s2 =	sadd.s32 s3, s2  }
0x8d: {  	s2 =	sadd.s32 s2, s16  }
0x8e: {  	[smem:$0x3FBB] =	sst s2  }
0x8f: {  	_ = 	snop  }
0x90: {  	(tm) =	ssettm $0x1  }
0x91: {  	s17 =	sld [smem:$0x3FFB];
	_ =	sdelay $0x3  }
0x92: {  	_ =	strace s17  }
0x93: {  	s2 =	sld [smem:$0x3FFC];
	_ =	sdelay $0x3  }
0x94: {  	_ =	strace s2  }
0x95: {  	s2 =	sld [smem:$0x3FFD];
	_ =	sdelay $0x3  }
0x96: {  	_ =	strace s2  }
0x97: {  	_ =	strace $0x8FFFFFFF  }
0x98: {  	s18 =	sld [smem:$0x3FDB];
	_ =	sdelay $0x1  }
0x99: {  	s19 =	simm.s32 $_scs_section_size  }
0x9a: {  	s4 =	simm.s32 $_size__tile_overlayer_lowered;
	s5 =	simm.s32 $_tile_overlayer_lowered  }
0x9b: {  	s22 =	simm.s32 $0x1BFF;
	s21 =	sshll.u32 s5, $0x1;
	s2 =	sadd.s32 s19, s18  }
0x9c: {  	s6 =	simm.s32 $0x0;
	s20 =	sshll.u32 s4, $0x1;
	s4 =	sadd.s32 s21, s2  }
0x9d: {  	[timem:s6], [sflag:s22] =	dma.local [hbm:s4], s20  }
0x9e: {  	_ =	swait.ge [sflag:s22], s20  }
0x9f: {  	s3 =	ssub.s32 $0x0, s20;
	[sflag:s22] =	ssyncset.done $0x0  }
0xa0: {  	[sflag:s22] =	ssyncadd.s32 s3;
	_ =	sdelay $0x1  }
0xa1: {  	s23 =	simm.s32 $0x1B8B  }
0xa2: {  	_ =	swait.ge [sflag:s23], $0x1  }
0xa3: {  	[sflag:s23] =	ssyncset.done $0x0  }
0xa4: {  	s25 =	simm.s32 $0x1B8E;
	s24 =	sld [smem:$0x3FFE];
	[sflag:s23] =	ssyncadd.s32 $0xFFFFFFFF  }
0xa5: {  	s26 =	simm.s32 $execute0_lowered;
	[smem:$0x3FD2] =	sst s25  }
0xa6: {  	s4 =	sshll.u32 s26, $0x1;
	_ =	strace $0x80000046;
	[dreg:$0x1] =	wrdreg $0xFFFFFFFF  }
0xa7: {  	s28 =	simm.s32 $_size_execute0_lowered;
	s2 =	sadd.s32 s2, s4;
	[dreg:$0x0] =	wrdreg $0x0  }
0xa8: {  	s4 =	sshll.u32 s28, $0x1;
	[dreg:$0x2] =	wrdreg s2  }
0xa9: {  	[dreg:$0x3] =	wrdreg s4  }
0xaa: {  	[dreg:$0x4] =	wrdreg $0xC0  }
0xab: {  	_ =	task [dreg:s6], $0x5FFFF  }
0xac: {  	[dreg:$0x1] =	wrdreg $0xFFFFFFFF  }
0xad: {  	[dreg:$0x0] =	wrdreg $0x60  }
0xae: {  	[dreg:$0x2] =	wrdreg s24  }
0xaf: {  	[dreg:$0x3] =	wrdreg $0x19F000  }
0xb0: {  	[dreg:$0x4] =	wrdreg $0x150000  }
0xb1: {  	[dreg:$0x5] =	wrdreg $0x9  }
0xb2: {  	_ =	task.clear_ibuf [dreg:s6], $0x6FFFF;
	_ =	strace $0x90000046  }
0xb3: {  	s29 =	simm.s32 $0x9;
	_ =	strace $0x80000048  }
0xb4: {  	_ =	swait.ge [sflag:s29], $0x1  }
0xb5: {  	[sflag:s29] =	ssyncadd.s32 $0xFFFFFFFF  }
0xb6: {  	_ =	strace $0x90000048  }
0xb7: {  	_ =	sfence  }
0xb8: {  	s30 =	sld [smem:$0x0];
	_ =	sdelay $0x2  }
0xb9: {  	s31 =	sshll.u32 s1, $0xD;
	s1 =	sshrl.u32 s1, $0x2  }
0xba: {  	s3 =	sand.u32 $0x4000, s31;
	s1 =	sadd.s32 s1, s30  }
0xbb: {  	s0 =	sor.u32 s3, s0;
	s1 =	sshll.u32 s1, $0x11  }
0xbc: {  	s0 =	sor.u32 s1, s0  }
0xbd: {  	s0 =	sadd.s32 $0x8F2B, s0  }
0xbe: {  	[sflag:s0] =	ssyncadd.remote.s32 $0x1  }
0xbf: {  	_ =	sfence.sel $0xFFFF  }
0xc0: {  	[dreg:$0x0] =	wrdreg $0xFFFFFFFF;
	(pc) =	sbr.abs _section_cstart, $3  }
0xc1: {  	[dreg:$0x1] =	wrdreg $0xFFFFFFFF  }
0xc2: {  	_ =	task.clear_ibuf [dreg:s6], $0x2FFFF;
	_ =	strace $0x9FFFFFFF  }
0xc3: {  	(tm) =	ssettm $0x7FFFFFFF  }
tec
execute0_lowered:
.L_overlay_start_1:
0x0: {  	(tag) =	ssettag $0x1  }
0x1: {  	s0 =	srdreg.scid;
	s1 =	rddreg [dreg:$0x0]  }
0x2: {  	s11 =	stileid.u32;
	s2 =	rddreg [dreg:$0x1];
	s7 =	simm.s32 $0x0  }
0x3: {  	s14 =	simm.s32 $0x80;
	s15 =	simm.s32 $0x5000;
	s16 =	simm.s32 $0x6000  }
0x4: {  	s18 =	simm.s32 $0x7000;
	s20 =	simm.s32 $0x8000;
	s29 =	simm.s32 $0xC000  }
0x5: {  	s30 =	simm.s32 $0x1;
	s31 =	simm.s32 $0xD000;
	s17 =	simm.s32 $0x10000  }
0x6: {  	s19 =	simm.s32 $0x11000;
	s28 =	simm.s32 $0x2;
	s4 =	smul.u32 $0x9C40, s11  }
0x7: {  	s0 =	sand.u32 $0x1, s0;
	s6 =	smul.u32 $0x9E00, s11;
	[smem:$0x7FF] =	sst s7  }
0x8: {  	s25 =	sshll.u32 s11, $0x6;
	s3 =	sshll.u32 s0, $0x4;
	s8 =	smul.u32 $0x9E000, s0  }
0x9: {  	s0 =	ssub.s32 $0x2, s0;
	s5 =	sor.u32 s11, s3;
	s3 =	rddreg [dreg:$0x2]  }
0xa: {  	s21 =	sshrl.u32 s4, $0x4;
	_ =	strace $0x80000047;
	s9 =	sshrl.u32 s6, $0x4  }
0xb: {  	s10 =	sshrl.u32 s0, $0x1;
	s4 =	sshrl.u32 s4, $0x1;
	s22 =	sshrl.u32 s6, $0x1  }
0xc: {  	s5 =	smul.u32 $0xA00, s5;
	s7 =	sadd.s32 s21, s1;
	s8 =	sadd.s32 s6, s8  }
0xd: {  	s9 =	sadd.s32 s9, s1;
	s0 =	ssub.s32 s0, s10;
	s4 =	sadd.s32 s4, s2  }
0xe: {  	s21 =	simm.s32 $0x12000;
	s8 =	sshrl.u32 s8, $0x4;
	s23 =	sadd.s32 $0xC00, s7  }
0xf: {  	s24 =	sadd.s32 $0xAA00, s9;
	s0 =	smax.u32 s0, $0x1;
	[dreg:$0x5] =	wrdreg s23  }
0x10: {  	s7 =	simm.s32 $0x3;
	s26 =	sshrl.u32 s4, $0x3;
	[dreg:$0x6] =	wrdreg s24  }
0x11: {  	s4 =	simm.s32 $0x0;
	s5 =	sadd.s32 s5, s1;
	[dreg:$0x8] =	wrdreg s0  }
0x12: {  	s1 =	sadd.s32 s8, s1;
	s8 =	sor.u32 $0x1C03, s25;
	[dreg:$0xa] =	wrdreg s26  }
0x13: {  	s24 =	simm.s32 $0xA000;
	s26 =	simm.s32 $0xB000;
	s0 =	simm.s32 $0xF000  }
0x14: {  	s23 =	simm.s32 $0x13000;
	s5 =	sadd.s32 $0x14800, s5;
	[dreg:$0x9] =	wrdreg s8  }
0x15: {  	s1 =	sadd.s32 $0x28800, s1;
	[dreg:$0x4] =	wrdreg s5;
	s5 =	sadd.s32 s22, s3  }
0x16: {  	s25 =	simm.s32 $0x14000;
	[dreg:$0x7] =	wrdreg s1;
	s10 =	sshrl.u32 s5, $0x3  }
0x17: {  	s22 =	simm.s32 $0x9000;
	s1 =	simm.s32 $0xE000;
	[dreg:$0xb] =	wrdreg s10  }
.LBB2_1:
0x18: {  	s5 =	simm.s32 $0x0;
	s6 =	rddreg [dreg:$0x4]  }
0x19: {  	[tilespmem:s5], [sflag:$0x3] =	stream.linear.gather [hbm4b:s6+s5], $0x5000, $0x38;
	[tilespmem:$0x1ED20] =	vst v63  }
0x1a: {  	_ =	swait.ge [sflag:s7], $0x5000  }
0x1b: {  	[sflag:s7] =	ssyncset.done $0x0;
	s12 =	rddreg [dreg:$0x5]  }
0x1c: {  	s9 =	rddreg [dreg:$0xa];
	[sflag:s7] =	ssyncadd.s32 $0xFFFFB000  }
0x1d: {  	[spmem:s9], [sflag:s8] =	dma.local [hbm:s12], $0x9C4  }
0x1e: {  	_ =	swait.ge [sflag:s7], $0x9C4  }
0x1f: {  	[sflag:s7] =	ssyncset.done $0x0  }
0x20: {  	s13 =	rddreg [dreg:$0x6];
	[sflag:s7] =	ssyncadd.s32 $0xFFFFF63C  }
0x21: {  	[spmem:s10], [sflag:s8] =	dma.local [hbm:s13], $0x9E0  }
0x22: {  	_ =	swait.ge [sflag:s7], $0x9E0  }
0x23: {  	[sflag:s7] =	ssyncset.done $0x0  }
0x24: {  	[sflag:s7] =	ssyncadd.s32 $0xFFFFF620  }
0x25: {  	[bflag:$0x0] =	sbarrier.arrive $0xFFFF  }
0x26: {  	[tilespmem:s15], [sflag:$0x1] =	stream.indirect.gather [spmem:s2], $0x20, s5, s14, $0xb8;
	[tilespmem:$0x1ED20] =	vst v63  }
0x27: {  	_ = 	snop  }
0x28: {  	[tilespmem:s16], [sflag:$0x1] =	stream.indirect.gather [spmem:s2], $0x20, s14, s14, $0xb8;
	[tilespmem:$0x1ED20] =	vst v63  }
0x29: {  	s9 =	simm.s32 $0x100  }
0x2a: {  	[tilespmem:s18], [sflag:$0x1] =	stream.indirect.gather [spmem:s2], $0x20, s9, s14, $0xb8;
	[tilespmem:$0x1ED20] =	vst v63  }
0x2b: {  	s10 =	simm.s32 $0x180  }
0x2c: {  	[tilespmem:s20], [sflag:$0x1] =	stream.indirect.gather [spmem:s2], $0x20, s10, s14, $0xb8;
	[tilespmem:$0x1ED20] =	vst v63  }
0x2d: {  	s11 =	simm.s32 $0x200  }
0x2e: {  	[tilespmem:s22], [sflag:$0x1] =	stream.indirect.gather [spmem:s2], $0x20, s11, s14, $0xb8;
	[tilespmem:$0x1ED20] =	vst v63  }
0x2f: {  	s12 =	simm.s32 $0x280  }
0x30: {  	[tilespmem:s24], [sflag:$0x1] =	stream.indirect.gather [spmem:s2], $0x20, s12, s14, $0xb8;
	[tilespmem:$0x1ED20] =	vst v63  }
0x31: {  	s13 =	simm.s32 $0x300  }
0x32: {  	[tilespmem:s26], [sflag:$0x1] =	stream.indirect.gather [spmem:s2], $0x20, s13, s14, $0xb8;
	[tilespmem:$0x1ED20] =	vst v63  }
0x33: {  	s6 =	simm.s32 $0x380  }
0x34: {  	[tilespmem:s29], [sflag:$0x1] =	stream.indirect.gather [spmem:s2], $0x20, s6, s14, $0xb8;
	[tilespmem:$0x1ED20] =	vst v63  }
0x35: {  	_ =	swait.ge [sflag:s30], $0x1000  }
0x36: {  	[sflag:s30] =	ssyncset.done $0x0  }
0x37: {  	[sflag:s30] =	ssyncadd.s32 $0xFFFFF000  }
0x38: {  	_ =	swait.ge [sflag:s30], $0x1000  }
0x39: {  	[sflag:s30] =	ssyncset.done $0x0  }
0x3a: {  	[sflag:s30] =	ssyncadd.s32 $0xFFFFF000  }
0x3b: {  	_ =	swait.ge [sflag:s30], $0x1000  }
0x3c: {  	[sflag:s30] =	ssyncset.done $0x0  }
0x3d: {  	[sflag:s30] =	ssyncadd.s32 $0xFFFFF000  }
0x3e: {  	_ =	swait.ge [sflag:s30], $0x1000  }
0x3f: {  	[sflag:s30] =	ssyncset.done $0x0  }
0x40: {  	[sflag:s30] =	ssyncadd.s32 $0xFFFFF000  }
0x41: {  	_ =	swait.ge [sflag:s30], $0x1000  }
0x42: {  	[sflag:s30] =	ssyncset.done $0x0  }
0x43: {  	[sflag:s30] =	ssyncadd.s32 $0xFFFFF000  }
0x44: {  	_ =	swait.ge [sflag:s30], $0x1000  }
0x45: {  	[sflag:s30] =	ssyncset.done $0x0  }
0x46: {  	[sflag:s30] =	ssyncadd.s32 $0xFFFFF000  }
0x47: {  	_ =	swait.ge [sflag:s30], $0x1000  }
0x48: {  	[sflag:s30] =	ssyncset.done $0x0  }
0x49: {  	[sflag:s30] =	ssyncadd.s32 $0xFFFFF000  }
0x4a: {  	_ =	swait.ge [sflag:s30], $0x1000  }
0x4b: {  	p0 =	por $0x1, $0x1;
	[sflag:s30] =	ssyncset.done $0x0  }
0x4c: {  	s5 =	simm.s32 @!p0 $0x2;
	[sflag:s30] =	ssyncadd.s32 $0xFFFFF000  }
0x4d: {  	_ =	swait.ge @!p0 [sflag:s5], $0x1000  }
0x4e: {  	[sflag:s5] =	ssyncset.done @!p0 $0x0  }
0x4f: {  	[sflag:s5] =	ssyncadd.s32 @!p0 $0xFFFFF000  }
0x50: {  	_ =	swait.ge @!p0 [sflag:s5], $0x1000  }
0x51: {  	[sflag:s5] =	ssyncset.done @!p0 $0x0  }
0x52: {  	[sflag:s5] =	ssyncadd.s32 @!p0 $0xFFFFF000  }
0x53: {  	_ =	swait.ge @!p0 [sflag:s5], $0x1000  }
0x54: {  	[sflag:s5] =	ssyncset.done @!p0 $0x0  }
0x55: {  	[sflag:s5] =	ssyncadd.s32 @!p0 $0xFFFFF000  }
0x56: {  	_ =	swait.ge @!p0 [sflag:s5], $0x1000  }
0x57: {  	[sflag:s5] =	ssyncset.done @!p0 $0x0  }
0x58: {  	[sflag:s5] =	ssyncadd.s32 @!p0 $0xFFFFF000  }
0x59: {  	_ =	swait.ge @!p0 [sflag:s5], $0x1000  }
0x5a: {  	[sflag:s5] =	ssyncset.done @!p0 $0x0  }
0x5b: {  	[sflag:s5] =	ssyncadd.s32 @!p0 $0xFFFFF000  }
0x5c: {  	_ =	swait.ge @!p0 [sflag:s5], $0x1000  }
0x5d: {  	[sflag:s5] =	ssyncset.done @!p0 $0x0  }
0x5e: {  	[sflag:s5] =	ssyncadd.s32 @!p0 $0xFFFFF000  }
0x5f: {  	_ =	swait.ge @!p0 [sflag:s5], $0x1000  }
0x60: {  	[sflag:s5] =	ssyncset.done @!p0 $0x0  }
0x61: {  	[sflag:s5] =	ssyncadd.s32 @!p0 $0xFFFFF000  }
0x62: {  	_ =	swait.ge @!p0 [sflag:s5], $0x1000  }
0x63: {  	[sflag:s5] =	ssyncset.done @!p0 $0x0  }
0x64: {  	s7 =	simm.s32 $0x400;
	[sflag:s5] =	ssyncadd.s32 @!p0 $0xFFFFF000  }
0x65: {  	[tilespmem:s31], [sflag:$0x1] =	stream.indirect.gather [spmem:s2], $0x20, s7, s14, $0xb8;
	[tilespmem:$0x1ED20] =	vst v63  }
0x66: {  	s8 =	simm.s32 $0x480  }
0x67: {  	[tilespmem:s1], [sflag:$0x1] =	stream.indirect.gather [spmem:s2], $0x20, s8, s14, $0xb8;
	[tilespmem:$0x1ED20] =	vst v63  }
0x68: {  	s9 =	simm.s32 $0x500  }
0x69: {  	[tilespmem:s0], [sflag:$0x1] =	stream.indirect.gather [spmem:s2], $0x20, s9, s14, $0xb8;
	[tilespmem:$0x1ED20] =	vst v63  }
0x6a: {  	s10 =	simm.s32 $0x580  }
0x6b: {  	[tilespmem:s17], [sflag:$0x1] =	stream.indirect.gather [spmem:s2], $0x20, s10, s14, $0xb8;
	[tilespmem:$0x1ED20] =	vst v63  }
0x6c: {  	s11 =	simm.s32 $0x600  }
0x6d: {  	[tilespmem:s19], [sflag:$0x1] =	stream.indirect.gather [spmem:s2], $0x20, s11, s14, $0xb8;
	[tilespmem:$0x1ED20] =	vst v63  }
0x6e: {  	s12 =	simm.s32 $0x680  }
0x6f: {  	[tilespmem:s21], [sflag:$0x1] =	stream.indirect.gather [spmem:s2], $0x20, s12, s14, $0xb8;
	[tilespmem:$0x1ED20] =	vst v63  }
0x70: {  	s13 =	simm.s32 $0x700  }
0x71: {  	[tilespmem:s23], [sflag:$0x1] =	stream.indirect.gather [spmem:s2], $0x20, s13, s14, $0xb8;
	[tilespmem:$0x1ED20] =	vst v63  }
0x72: {  	s6 =	simm.s32 $0x780  }
0x73: {  	[tilespmem:s25], [sflag:$0x1] =	stream.indirect.gather [spmem:s2], $0x20, s6, s14, $0xb8;
	[tilespmem:$0x1ED20] =	vst v63  }
0x74: {  	s7 =	simm.s32 $0x2800  }
0x75: {  	[spmem:s3] =	stream.indirect.scatter.add.bf16 [tilespmem:s15], [sflag:$0x2], $0x20, s7, s14, $0xb8;
	[tilespmem:$0x1ED20] =	vst v63  }
0x76: {  	s8 =	simm.s32 $0x2880  }
0x77: {  	[spmem:s3] =	stream.indirect.scatter.add.bf16 [tilespmem:s16], [sflag:$0x2], $0x20, s8, s14, $0xb8;
	[tilespmem:$0x1ED20] =	vst v63  }
0x78: {  	s9 =	simm.s32 $0x2900  }
0x79: {  	[spmem:s3] =	stream.indirect.scatter.add.bf16 [tilespmem:s18], [sflag:$0x2], $0x20, s9, s14, $0xb8;
	[tilespmem:$0x1ED20] =	vst v63  }
0x7a: {  	s10 =	simm.s32 $0x2980  }
0x7b: {  	[spmem:s3] =	stream.indirect.scatter.add.bf16 [tilespmem:s20], [sflag:$0x2], $0x20, s10, s14, $0xb8;
	[tilespmem:$0x1ED20] =	vst v63  }
0x7c: {  	s11 =	simm.s32 $0x2A00  }
0x7d: {  	[spmem:s3] =	stream.indirect.scatter.add.bf16 [tilespmem:s22], [sflag:$0x2], $0x20, s11, s14, $0xb8;
	[tilespmem:$0x1ED20] =	vst v63  }
0x7e: {  	s12 =	simm.s32 $0x2A80  }
0x7f: {  	[spmem:s3] =	stream.indirect.scatter.add.bf16 [tilespmem:s24], [sflag:$0x2], $0x20, s12, s14, $0xb8;
	[tilespmem:$0x1ED20] =	vst v63  }
0x80: {  	s13 =	simm.s32 $0x2B00  }
0x81: {  	[spmem:s3] =	stream.indirect.scatter.add.bf16 [tilespmem:s26], [sflag:$0x2], $0x20, s13, s14, $0xb8;
	[tilespmem:$0x1ED20] =	vst v63  }
0x82: {  	s6 =	simm.s32 $0x2B80  }
0x83: {  	[spmem:s3] =	stream.indirect.scatter.add.bf16 [tilespmem:s29], [sflag:$0x2], $0x20, s6, s14, $0xb8;
	[tilespmem:$0x1ED20] =	vst v63  }
0x84: {  	_ =	swait.ge [sflag:s30], $0x1000  }
0x85: {  	[sflag:s30] =	ssyncset.done $0x0  }
0x86: {  	[sflag:s30] =	ssyncadd.s32 $0xFFFFF000  }
0x87: {  	_ =	swait.ge [sflag:s30], $0x1000  }
0x88: {  	[sflag:s30] =	ssyncset.done $0x0  }
0x89: {  	[sflag:s30] =	ssyncadd.s32 $0xFFFFF000  }
0x8a: {  	_ =	swait.ge [sflag:s30], $0x1000  }
0x8b: {  	[sflag:s30] =	ssyncset.done $0x0  }
0x8c: {  	[sflag:s30] =	ssyncadd.s32 $0xFFFFF000  }
0x8d: {  	_ =	swait.ge [sflag:s30], $0x1000  }
0x8e: {  	[sflag:s30] =	ssyncset.done $0x0  }
0x8f: {  	[sflag:s30] =	ssyncadd.s32 $0xFFFFF000  }
0x90: {  	_ =	swait.ge [sflag:s30], $0x1000  }
0x91: {  	[sflag:s30] =	ssyncset.done $0x0  }
0x92: {  	[sflag:s30] =	ssyncadd.s32 $0xFFFFF000  }
0x93: {  	_ =	swait.ge [sflag:s30], $0x1000  }
0x94: {  	[sflag:s30] =	ssyncset.done $0x0  }
0x95: {  	[sflag:s30] =	ssyncadd.s32 $0xFFFFF000  }
0x96: {  	_ =	swait.ge [sflag:s30], $0x1000  }
0x97: {  	[sflag:s30] =	ssyncset.done $0x0  }
0x98: {  	[sflag:s30] =	ssyncadd.s32 $0xFFFFF000  }
0x99: {  	_ =	swait.ge [sflag:s30], $0x1000  }
0x9a: {  	[sflag:s30] =	ssyncset.done $0x0  }
0x9b: {  	[sflag:s30] =	ssyncadd.s32 $0xFFFFF000  }
0x9c: {  	_ =	swait.ge [sflag:s28], $0x1000  }
0x9d: {  	[sflag:s28] =	ssyncset.done $0x0  }
0x9e: {  	[sflag:s28] =	ssyncadd.s32 $0xFFFFF000  }
0x9f: {  	_ =	swait.ge [sflag:s28], $0x1000  }
0xa0: {  	[sflag:s28] =	ssyncset.done $0x0  }
0xa1: {  	[sflag:s28] =	ssyncadd.s32 $0xFFFFF000  }
0xa2: {  	_ =	swait.ge [sflag:s28], $0x1000  }
0xa3: {  	[sflag:s28] =	ssyncset.done $0x0  }
0xa4: {  	[sflag:s28] =	ssyncadd.s32 $0xFFFFF000  }
0xa5: {  	_ =	swait.ge [sflag:s28], $0x1000  }
0xa6: {  	[sflag:s28] =	ssyncset.done $0x0  }
0xa7: {  	[sflag:s28] =	ssyncadd.s32 $0xFFFFF000  }
0xa8: {  	_ =	swait.ge [sflag:s28], $0x1000  }
0xa9: {  	[sflag:s28] =	ssyncset.done $0x0  }
0xaa: {  	[sflag:s28] =	ssyncadd.s32 $0xFFFFF000  }
0xab: {  	_ =	swait.ge [sflag:s28], $0x1000  }
0xac: {  	[sflag:s28] =	ssyncset.done $0x0  }
0xad: {  	[sflag:s28] =	ssyncadd.s32 $0xFFFFF000  }
0xae: {  	_ =	swait.ge [sflag:s28], $0x1000  }
0xaf: {  	[sflag:s28] =	ssyncset.done $0x0  }
0xb0: {  	[sflag:s28] =	ssyncadd.s32 $0xFFFFF000  }
0xb1: {  	p0 =	por $0x0, $0x0;
	_ =	swait.ge [sflag:s28], $0x1000  }
0xb2: {  	s5 =	simm.s32 @!p0 $0x5000;
	[sflag:s28] =	ssyncset.done $0x0  }
0xb3: {  	s7 =	simm.s32 @!p0 $0x80;
	s6 =	simm.s32 @!p0 $0x800;
	[sflag:s28] =	ssyncadd.s32 $0xFFFFF000  }
0xb4: {  	[tilespmem:s5], [sflag:$0x1] =	stream.indirect.gather @!p0 [spmem:s2], $0x20, s6, s7, $0xb8;
	[tilespmem:$0x1ED20] =	vst v63  }
0xb5: {  	s5 =	simm.s32 @!p0 $0x880;
	s6 =	simm.s32 @!p0 $0x6000  }
0xb6: {  	[tilespmem:s6], [sflag:$0x1] =	stream.indirect.gather @!p0 [spmem:s2], $0x20, s5, s7, $0xb8;
	[tilespmem:$0x1ED20] =	vst v63  }
0xb7: {  	s5 =	simm.s32 @!p0 $0x900;
	s6 =	simm.s32 @!p0 $0x7000  }
0xb8: {  	[tilespmem:s6], [sflag:$0x1] =	stream.indirect.gather @!p0 [spmem:s2], $0x20, s5, s7, $0xb8;
	[tilespmem:$0x1ED20] =	vst v63  }
0xb9: {  	s5 =	simm.s32 @!p0 $0x980;
	s6 =	simm.s32 @!p0 $0x8000  }
0xba: {  	[tilespmem:s6], [sflag:$0x1] =	stream.indirect.gather @!p0 [spmem:s2], $0x20, s5, s7, $0xb8;
	[tilespmem:$0x1ED20] =	vst v63  }
0xbb: {  	s5 =	simm.s32 @!p0 $0xA00;
	s6 =	simm.s32 @!p0 $0x9000  }
0xbc: {  	[tilespmem:s6], [sflag:$0x1] =	stream.indirect.gather @!p0 [spmem:s2], $0x20, s5, s7, $0xb8;
	[tilespmem:$0x1ED20] =	vst v63  }
0xbd: {  	s5 =	simm.s32 @!p0 $0xA80;
	s6 =	simm.s32 @!p0 $0xA000  }
0xbe: {  	[tilespmem:s6], [sflag:$0x1] =	stream.indirect.gather @!p0 [spmem:s2], $0x20, s5, s7, $0xb8;
	[tilespmem:$0x1ED20] =	vst v63  }
0xbf: {  	s5 =	simm.s32 @!p0 $0xB00;
	s6 =	simm.s32 @!p0 $0xB000  }
0xc0: {  	[tilespmem:s6], [sflag:$0x1] =	stream.indirect.gather @!p0 [spmem:s2], $0x20, s5, s7, $0xb8;
	[tilespmem:$0x1ED20] =	vst v63  }
0xc1: {  	s5 =	simm.s32 @!p0 $0xB80;
	s6 =	simm.s32 @!p0 $0xC000  }
0xc2: {  	[tilespmem:s6], [sflag:$0x1] =	stream.indirect.gather @!p0 [spmem:s2], $0x20, s5, s7, $0xb8;
	[tilespmem:$0x1ED20] =	vst v63  }
0xc3: {  	s7 =	simm.s32 $0x2C00  }
0xc4: {  	[spmem:s3] =	stream.indirect.scatter.add.bf16 [tilespmem:s31], [sflag:$0x2], $0x20, s7, s14, $0xb8;
	[tilespmem:$0x1ED20] =	vst v63  }
0xc5: {  	s8 =	simm.s32 $0x2C80  }
0xc6: {  	[spmem:s3] =	stream.indirect.scatter.add.bf16 [tilespmem:s1], [sflag:$0x2], $0x20, s8, s14, $0xb8;
	[tilespmem:$0x1ED20] =	vst v63  }
0xc7: {  	s9 =	simm.s32 $0x2D00  }
0xc8: {  	[spmem:s3] =	stream.indirect.scatter.add.bf16 [tilespmem:s0], [sflag:$0x2], $0x20, s9, s14, $0xb8;
	[tilespmem:$0x1ED20] =	vst v63  }
0xc9: {  	s10 =	simm.s32 $0x2D80  }
0xca: {  	[spmem:s3] =	stream.indirect.scatter.add.bf16 [tilespmem:s17], [sflag:$0x2], $0x20, s10, s14, $0xb8;
	[tilespmem:$0x1ED20] =	vst v63  }
0xcb: {  	s11 =	simm.s32 $0x2E00  }
0xcc: {  	[spmem:s3] =	stream.indirect.scatter.add.bf16 [tilespmem:s19], [sflag:$0x2], $0x20, s11, s14, $0xb8;
	[tilespmem:$0x1ED20] =	vst v63  }
0xcd: {  	s12 =	simm.s32 $0x2E80  }
0xce: {  	[spmem:s3] =	stream.indirect.scatter.add.bf16 [tilespmem:s21], [sflag:$0x2], $0x20, s12, s14, $0xb8;
	[tilespmem:$0x1ED20] =	vst v63  }
0xcf: {  	s13 =	simm.s32 $0x2F00;
	s5 =	simm.s32 $0x2000;
	s6 =	simm.s32 $0x2F80  }
0xd0: {  	[spmem:s3] =	stream.indirect.scatter.add.bf16 [tilespmem:s23], [sflag:$0x2], $0x20, s13, s14, $0xb8;
	[tilespmem:$0x1ED20] =	vst v63  }
.LBB2_2:
0xd1: {  	[spmem:s3] =	stream.indirect.scatter.add.bf16 [tilespmem:s25], [sflag:$0x2], $0x20, s6, s14, $0xb8;
	[tilespmem:$0x1ED20] =	vst v63  }
0xd2: {  	s6 =	smov.u32 s5;
	s5 =	sadd.s32 $0x2000, s5;
	_ =	swait.ge [sflag:s30], $0x1000  }
0xd3: {  	p0 =	sne.s32 s5, $0xA000;
	[sflag:s30] =	ssyncset.done $0x0  }
0xd4: {  	[sflag:s30] =	ssyncadd.s32 $0xFFFFF000  }
0xd5: {  	_ =	swait.ge [sflag:s30], $0x1000  }
0xd6: {  	[sflag:s30] =	ssyncset.done $0x0  }
0xd7: {  	[sflag:s30] =	ssyncadd.s32 $0xFFFFF000  }
0xd8: {  	_ =	swait.ge [sflag:s30], $0x1000  }
0xd9: {  	[sflag:s30] =	ssyncset.done $0x0  }
0xda: {  	[sflag:s30] =	ssyncadd.s32 $0xFFFFF000  }
0xdb: {  	_ =	swait.ge [sflag:s30], $0x1000  }
0xdc: {  	[sflag:s30] =	ssyncset.done $0x0  }
0xdd: {  	[sflag:s30] =	ssyncadd.s32 $0xFFFFF000  }
0xde: {  	_ =	swait.ge [sflag:s30], $0x1000  }
0xdf: {  	[sflag:s30] =	ssyncset.done $0x0  }
0xe0: {  	[sflag:s30] =	ssyncadd.s32 $0xFFFFF000  }
0xe1: {  	_ =	swait.ge [sflag:s30], $0x1000  }
0xe2: {  	[sflag:s30] =	ssyncset.done $0x0  }
0xe3: {  	[sflag:s30] =	ssyncadd.s32 $0xFFFFF000  }
0xe4: {  	_ =	swait.ge [sflag:s30], $0x1000  }
0xe5: {  	[sflag:s30] =	ssyncset.done $0x0  }
0xe6: {  	[sflag:s30] =	ssyncadd.s32 $0xFFFFF000  }
0xe7: {  	_ =	swait.ge [sflag:s30], $0x1000  }
0xe8: {  	p1 =	seq.s32 s6, $0x0;
	[sflag:s30] =	ssyncset.done $0x0  }
0xe9: {  	s8 =	simm.s32 @!p1 $0x2;
	[sflag:s30] =	ssyncadd.s32 $0xFFFFF000  }
0xea: {  	_ =	swait.ge @!p1 [sflag:s8], $0x1000  }
0xeb: {  	[sflag:s8] =	ssyncset.done @!p1 $0x0  }
0xec: {  	[sflag:s8] =	ssyncadd.s32 @!p1 $0xFFFFF000  }
0xed: {  	_ =	swait.ge @!p1 [sflag:s8], $0x1000  }
0xee: {  	[sflag:s8] =	ssyncset.done @!p1 $0x0  }
0xef: {  	[sflag:s8] =	ssyncadd.s32 @!p1 $0xFFFFF000  }
0xf0: {  	_ =	swait.ge @!p1 [sflag:s8], $0x1000  }
0xf1: {  	[sflag:s8] =	ssyncset.done @!p1 $0x0  }
0xf2: {  	[sflag:s8] =	ssyncadd.s32 @!p1 $0xFFFFF000  }
0xf3: {  	_ =	swait.ge @!p1 [sflag:s8], $0x1000  }
0xf4: {  	[sflag:s8] =	ssyncset.done @!p1 $0x0  }
0xf5: {  	[sflag:s8] =	ssyncadd.s32 @!p1 $0xFFFFF000  }
0xf6: {  	_ =	swait.ge @!p1 [sflag:s8], $0x1000  }
0xf7: {  	[sflag:s8] =	ssyncset.done @!p1 $0x0  }
0xf8: {  	[sflag:s8] =	ssyncadd.s32 @!p1 $0xFFFFF000  }
0xf9: {  	_ =	swait.ge @!p1 [sflag:s8], $0x1000  }
0xfa: {  	[sflag:s8] =	ssyncset.done @!p1 $0x0  }
0xfb: {  	[sflag:s8] =	ssyncadd.s32 @!p1 $0xFFFFF000  }
0xfc: {  	_ =	swait.ge @!p1 [sflag:s8], $0x1000  }
0xfd: {  	[sflag:s8] =	ssyncset.done @!p1 $0x0  }
0xfe: {  	[sflag:s8] =	ssyncadd.s32 @!p1 $0xFFFFF000  }
0xff: {  	_ =	swait.ge @!p1 [sflag:s8], $0x1000  }
0x100: {  	s7 =	sshra.s32 s6, $0x2;
	[sflag:s8] =	ssyncset.done @!p1 $0x0  }
0x101: {  	[sflag:s8] =	ssyncadd.s32 @!p1 $0xFFFFF000;
	s8 =	sadd.s32 $0x400, s7  }
0x102: {  	[tilespmem:s31], [sflag:$0x1] =	stream.indirect.gather [spmem:s2], $0x20, s8, s14, $0xb8;
	[tilespmem:$0x1ED20] =	vst v63  }
0x103: {  	s8 =	sadd.s32 $0x480, s7  }
0x104: {  	[tilespmem:s1], [sflag:$0x1] =	stream.indirect.gather [spmem:s2], $0x20, s8, s14, $0xb8;
	[tilespmem:$0x1ED20] =	vst v63  }
0x105: {  	s8 =	sadd.s32 $0x500, s7  }
0x106: {  	[tilespmem:s0], [sflag:$0x1] =	stream.indirect.gather [spmem:s2], $0x20, s8, s14, $0xb8;
	[tilespmem:$0x1ED20] =	vst v63  }
0x107: {  	s8 =	sadd.s32 $0x580, s7  }
0x108: {  	[tilespmem:s17], [sflag:$0x1] =	stream.indirect.gather [spmem:s2], $0x20, s8, s14, $0xb8;
	[tilespmem:$0x1ED20] =	vst v63  }
0x109: {  	s8 =	sadd.s32 $0x600, s7  }
0x10a: {  	[tilespmem:s19], [sflag:$0x1] =	stream.indirect.gather [spmem:s2], $0x20, s8, s14, $0xb8;
	[tilespmem:$0x1ED20] =	vst v63  }
0x10b: {  	s8 =	sadd.s32 $0x680, s7  }
0x10c: {  	[tilespmem:s21], [sflag:$0x1] =	stream.indirect.gather [spmem:s2], $0x20, s8, s14, $0xb8;
	[tilespmem:$0x1ED20] =	vst v63  }
0x10d: {  	s8 =	sadd.s32 $0x700, s7  }
0x10e: {  	[tilespmem:s23], [sflag:$0x1] =	stream.indirect.gather [spmem:s2], $0x20, s8, s14, $0xb8;
	[tilespmem:$0x1ED20] =	vst v63  }
0x10f: {  	s8 =	sadd.s32 $0x780, s7  }
0x110: {  	[tilespmem:s25], [sflag:$0x1] =	stream.indirect.gather [spmem:s2], $0x20, s8, s14, $0xb8;
	[tilespmem:$0x1ED20] =	vst v63  }
0x111: {  	s8 =	sadd.s32 $0x2800, s7  }
0x112: {  	[spmem:s3] =	stream.indirect.scatter.add.bf16 [tilespmem:s15], [sflag:$0x2], $0x20, s8, s14, $0xb8;
	[tilespmem:$0x1ED20] =	vst v63  }
0x113: {  	s8 =	sadd.s32 $0x2880, s7  }
0x114: {  	[spmem:s3] =	stream.indirect.scatter.add.bf16 [tilespmem:s16], [sflag:$0x2], $0x20, s8, s14, $0xb8;
	[tilespmem:$0x1ED20] =	vst v63  }
0x115: {  	s8 =	sadd.s32 $0x2900, s7  }
0x116: {  	[spmem:s3] =	stream.indirect.scatter.add.bf16 [tilespmem:s18], [sflag:$0x2], $0x20, s8, s14, $0xb8;
	[tilespmem:$0x1ED20] =	vst v63  }
0x117: {  	s8 =	sadd.s32 $0x2980, s7  }
0x118: {  	[spmem:s3] =	stream.indirect.scatter.add.bf16 [tilespmem:s20], [sflag:$0x2], $0x20, s8, s14, $0xb8;
	[tilespmem:$0x1ED20] =	vst v63  }
0x119: {  	s8 =	sadd.s32 $0x2A00, s7  }
0x11a: {  	[spmem:s3] =	stream.indirect.scatter.add.bf16 [tilespmem:s22], [sflag:$0x2], $0x20, s8, s14, $0xb8;
	[tilespmem:$0x1ED20] =	vst v63  }
0x11b: {  	s8 =	sadd.s32 $0x2A80, s7  }
0x11c: {  	[spmem:s3] =	stream.indirect.scatter.add.bf16 [tilespmem:s24], [sflag:$0x2], $0x20, s8, s14, $0xb8;
	[tilespmem:$0x1ED20] =	vst v63  }
0x11d: {  	s8 =	sadd.s32 $0x2B00, s7  }
0x11e: {  	[spmem:s3] =	stream.indirect.scatter.add.bf16 [tilespmem:s26], [sflag:$0x2], $0x20, s8, s14, $0xb8;
	[tilespmem:$0x1ED20] =	vst v63  }
0x11f: {  	s8 =	sadd.s32 $0x2B80, s7  }
0x120: {  	[spmem:s3] =	stream.indirect.scatter.add.bf16 [tilespmem:s29], [sflag:$0x2], $0x20, s8, s14, $0xb8;
	[tilespmem:$0x1ED20] =	vst v63  }
0x121: {  	_ =	swait.ge [sflag:s30], $0x1000  }
0x122: {  	[sflag:s30] =	ssyncset.done $0x0  }
0x123: {  	[sflag:s30] =	ssyncadd.s32 $0xFFFFF000  }
0x124: {  	_ =	swait.ge [sflag:s30], $0x1000  }
0x125: {  	[sflag:s30] =	ssyncset.done $0x0  }
0x126: {  	[sflag:s30] =	ssyncadd.s32 $0xFFFFF000  }
0x127: {  	_ =	swait.ge [sflag:s30], $0x1000  }
0x128: {  	[sflag:s30] =	ssyncset.done $0x0  }
0x129: {  	[sflag:s30] =	ssyncadd.s32 $0xFFFFF000  }
0x12a: {  	_ =	swait.ge [sflag:s30], $0x1000  }
0x12b: {  	[sflag:s30] =	ssyncset.done $0x0  }
0x12c: {  	[sflag:s30] =	ssyncadd.s32 $0xFFFFF000  }
0x12d: {  	_ =	swait.ge [sflag:s30], $0x1000  }
0x12e: {  	[sflag:s30] =	ssyncset.done $0x0  }
0x12f: {  	[sflag:s30] =	ssyncadd.s32 $0xFFFFF000  }
0x130: {  	_ =	swait.ge [sflag:s30], $0x1000  }
0x131: {  	[sflag:s30] =	ssyncset.done $0x0  }
0x132: {  	[sflag:s30] =	ssyncadd.s32 $0xFFFFF000  }
0x133: {  	_ =	swait.ge [sflag:s30], $0x1000  }
0x134: {  	[sflag:s30] =	ssyncset.done $0x0  }
0x135: {  	[sflag:s30] =	ssyncadd.s32 $0xFFFFF000  }
0x136: {  	_ =	swait.ge [sflag:s30], $0x1000  }
0x137: {  	[sflag:s30] =	ssyncset.done $0x0  }
0x138: {  	[sflag:s30] =	ssyncadd.s32 $0xFFFFF000  }
0x139: {  	_ =	swait.ge [sflag:s28], $0x1000  }
0x13a: {  	[sflag:s28] =	ssyncset.done $0x0  }
0x13b: {  	[sflag:s28] =	ssyncadd.s32 $0xFFFFF000  }
0x13c: {  	_ =	swait.ge [sflag:s28], $0x1000  }
0x13d: {  	[sflag:s28] =	ssyncset.done $0x0  }
0x13e: {  	[sflag:s28] =	ssyncadd.s32 $0xFFFFF000  }
0x13f: {  	_ =	swait.ge [sflag:s28], $0x1000  }
0x140: {  	[sflag:s28] =	ssyncset.done $0x0  }
0x141: {  	[sflag:s28] =	ssyncadd.s32 $0xFFFFF000  }
0x142: {  	_ =	swait.ge [sflag:s28], $0x1000  }
0x143: {  	[sflag:s28] =	ssyncset.done $0x0  }
0x144: {  	[sflag:s28] =	ssyncadd.s32 $0xFFFFF000  }
0x145: {  	_ =	swait.ge [sflag:s28], $0x1000  }
0x146: {  	[sflag:s28] =	ssyncset.done $0x0  }
0x147: {  	[sflag:s28] =	ssyncadd.s32 $0xFFFFF000  }
0x148: {  	_ =	swait.ge [sflag:s28], $0x1000  }
0x149: {  	[sflag:s28] =	ssyncset.done $0x0  }
0x14a: {  	[sflag:s28] =	ssyncadd.s32 $0xFFFFF000  }
0x14b: {  	_ =	swait.ge [sflag:s28], $0x1000  }
0x14c: {  	[sflag:s28] =	ssyncset.done $0x0  }
0x14d: {  	[sflag:s28] =	ssyncadd.s32 $0xFFFFF000  }
0x14e: {  	p1 =	seq.s32 s6, $0x8000;
	_ =	swait.ge [sflag:s28], $0x1000  }
0x14f: {  	s6 =	sshra.s32 @!p1 s6, $0x2;
	s8 =	simm.s32 @!p1 $0x5000;
	[sflag:s28] =	ssyncset.done $0x0  }
0x150: {  	s12 =	simm.s32 @!p1 $0x80;
	s9 =	sadd.s32 @!p1 $0x800, s6;
	[sflag:s28] =	ssyncadd.s32 $0xFFFFF000  }
0x151: {  	[tilespmem:s8], [sflag:$0x1] =	stream.indirect.gather @!p1 [spmem:s2], $0x20, s9, s12, $0xb8;
	[tilespmem:$0x1ED20] =	vst v63  }
0x152: {  	s13 =	sadd.s32 @!p1 $0x900, s6;
	s8 =	sadd.s32 @!p1 $0x880, s6;
	s9 =	simm.s32 @!p1 $0x6000  }
0x153: {  	[tilespmem:s9], [sflag:$0x1] =	stream.indirect.gather @!p1 [spmem:s2], $0x20, s8, s12, $0xb8;
	[tilespmem:$0x1ED20] =	vst v63  }
0x154: {  	s11 =	sadd.s32 @!p1 $0xA00, s6;
	s8 =	simm.s32 @!p1 $0x7000;
	s9 =	sadd.s32 @!p1 $0x980, s6  }
0x155: {  	[tilespmem:s8], [sflag:$0x1] =	stream.indirect.gather @!p1 [spmem:s2], $0x20, s13, s12, $0xb8;
	[tilespmem:$0x1ED20] =	vst v63  }
0x156: {  	s10 =	sadd.s32 @!p1 $0xB00, s6;
	s8 =	simm.s32 @!p1 $0x8000;
	s13 =	sadd.s32 @!p1 $0xA80, s6  }
0x157: {  	[tilespmem:s8], [sflag:$0x1] =	stream.indirect.gather @!p1 [spmem:s2], $0x20, s9, s12, $0xb8;
	[tilespmem:$0x1ED20] =	vst v63  }
0x158: {  	s6 =	sadd.s32 @!p1 $0xB80, s6;
	s8 =	simm.s32 @!p1 $0x9000  }
0x159: {  	[tilespmem:s8], [sflag:$0x1] =	stream.indirect.gather @!p1 [spmem:s2], $0x20, s11, s12, $0xb8;
	[tilespmem:$0x1ED20] =	vst v63  }
0x15a: {  	s8 =	simm.s32 @!p1 $0xA000  }
0x15b: {  	[tilespmem:s8], [sflag:$0x1] =	stream.indirect.gather @!p1 [spmem:s2], $0x20, s13, s12, $0xb8;
	[tilespmem:$0x1ED20] =	vst v63  }
0x15c: {  	s8 =	simm.s32 @!p1 $0xB000  }
0x15d: {  	[tilespmem:s8], [sflag:$0x1] =	stream.indirect.gather @!p1 [spmem:s2], $0x20, s10, s12, $0xb8;
	[tilespmem:$0x1ED20] =	vst v63  }
0x15e: {  	s8 =	simm.s32 @!p1 $0xC000  }
0x15f: {  	[tilespmem:s8], [sflag:$0x1] =	stream.indirect.gather @!p1 [spmem:s2], $0x20, s6, s12, $0xb8;
	[tilespmem:$0x1ED20] =	vst v63  }
0x160: {  	s6 =	sadd.s32 $0x2C00, s7  }
0x161: {  	[spmem:s3] =	stream.indirect.scatter.add.bf16 [tilespmem:s31], [sflag:$0x2], $0x20, s6, s14, $0xb8;
	[tilespmem:$0x1ED20] =	vst v63  }
0x162: {  	s6 =	sadd.s32 $0x2C80, s7  }
0x163: {  	[spmem:s3] =	stream.indirect.scatter.add.bf16 [tilespmem:s1], [sflag:$0x2], $0x20, s6, s14, $0xb8;
	[tilespmem:$0x1ED20] =	vst v63  }
0x164: {  	s6 =	sadd.s32 $0x2D00, s7  }
0x165: {  	[spmem:s3] =	stream.indirect.scatter.add.bf16 [tilespmem:s0], [sflag:$0x2], $0x20, s6, s14, $0xb8;
	[tilespmem:$0x1ED20] =	vst v63  }
0x166: {  	s6 =	sadd.s32 $0x2D80, s7  }
0x167: {  	[spmem:s3] =	stream.indirect.scatter.add.bf16 [tilespmem:s17], [sflag:$0x2], $0x20, s6, s14, $0xb8;
	[tilespmem:$0x1ED20] =	vst v63  }
0x168: {  	s6 =	sadd.s32 $0x2E00, s7  }
0x169: {  	[spmem:s3] =	stream.indirect.scatter.add.bf16 [tilespmem:s19], [sflag:$0x2], $0x20, s6, s14, $0xb8;
	[tilespmem:$0x1ED20] =	vst v63  }
.Ltmp0:
0x16a: {  	s6 =	sadd.s32 $0x2E80, s7;
	(pc) =	sbr.rel @p0 .LBB2_2-.Ltmp0, $4  }
0x16b: {  	[spmem:s3] =	stream.indirect.scatter.add.bf16 [tilespmem:s21], [sflag:$0x2], $0x20, s6, s14, $0xb8;
	[tilespmem:$0x1ED20] =	vst v63  }
0x16c: {  	s6 =	sadd.s32 $0x2F00, s7  }
0x16d: {  	[spmem:s3] =	stream.indirect.scatter.add.bf16 [tilespmem:s23], [sflag:$0x2], $0x20, s6, s14, $0xb8;
	[tilespmem:$0x1ED20] =	vst v63  }
0x16e: {  	s6 =	sadd.s32 $0x2F80, s7  }
0x16f: {  	[spmem:s3] =	stream.indirect.scatter.add.bf16 [tilespmem:s25], [sflag:$0x2], $0x20, s6, s14, $0xb8;
	[tilespmem:$0x1ED20] =	vst v63  }
0x170: {  	_ =	swait.ge [sflag:s28], $0x1000  }
0x171: {  	[sflag:s28] =	ssyncset.done $0x0  }
0x172: {  	[sflag:s28] =	ssyncadd.s32 $0xFFFFF000  }
0x173: {  	_ =	swait.ge [sflag:s28], $0x1000  }
0x174: {  	[sflag:s28] =	ssyncset.done $0x0  }
0x175: {  	[sflag:s28] =	ssyncadd.s32 $0xFFFFF000  }
0x176: {  	_ =	swait.ge [sflag:s28], $0x1000  }
0x177: {  	[sflag:s28] =	ssyncset.done $0x0  }
0x178: {  	[sflag:s28] =	ssyncadd.s32 $0xFFFFF000  }
0x179: {  	_ =	swait.ge [sflag:s28], $0x1000  }
0x17a: {  	[sflag:s28] =	ssyncset.done $0x0  }
0x17b: {  	[sflag:s28] =	ssyncadd.s32 $0xFFFFF000  }
0x17c: {  	_ =	swait.ge [sflag:s28], $0x1000  }
0x17d: {  	[sflag:s28] =	ssyncset.done $0x0  }
0x17e: {  	[sflag:s28] =	ssyncadd.s32 $0xFFFFF000  }
0x17f: {  	_ =	swait.ge [sflag:s28], $0x1000  }
0x180: {  	[sflag:s28] =	ssyncset.done $0x0  }
0x181: {  	[sflag:s28] =	ssyncadd.s32 $0xFFFFF000  }
0x182: {  	_ =	swait.ge [sflag:s28], $0x1000  }
0x183: {  	[sflag:s28] =	ssyncset.done $0x0  }
0x184: {  	[sflag:s28] =	ssyncadd.s32 $0xFFFFF000  }
0x185: {  	_ =	swait.ge [sflag:s28], $0x1000  }
0x186: {  	[sflag:s28] =	ssyncset.done $0x0  }
0x187: {  	[sflag:s28] =	ssyncadd.s32 $0xFFFFF000  }
0x188: {  	[bflag:$0x0] =	sbarrier.arrive $0xFFFF  }
0x189: {  	s5 =	rddreg [dreg:$0x7]  }
0x18a: {  	s8 =	rddreg [dreg:$0x9]  }
0x18b: {  	s7 =	simm.s32 $0x3;
	s10 =	rddreg [dreg:$0xb]  }
0x18c: {  	[hbm:s5], [sflag:s8] =	dma.local [spmem:s10], $0x9E0  }
0x18d: {  	_ =	swait.ge [sflag:s7], $0x9E0  }
0x18e: {  	s4 =	sadd.s32 $0x1, s4;
	s13 =	rddreg [dreg:$0x8]  }
0x18f: {  	p0 =	sne.s32 s4, s13  }
.Ltmp1:
0x190: {  	_ = 	snop;
	(pc) =	sbr.rel @p0 .LBB2_1-.Ltmp1, $3  }
0x191: {  	_ =	sdelay $0x1  }
0x192: {  	[sflag:s7] =	ssyncset.done $0x0  }
0x193: {  	[sflag:s7] =	ssyncadd.s32 $0xFFFFF620  }
0x194: {  	_ =	sfence.sel $0x180000  }
0x195: {  	[bflag:$0x0] =	sbarrier.arrive $0xFFFF  }
0x196: {  	_ =	strace $0x90000047  }
0x197: {  	s0 =	stileid.u32;
	[bflag:$0x2] =	sbarrier.arrive $0xFFFF  }
0x198: {  	p0 =	sne.s32 s0, $0x0;
	s0 =	rddreg [dreg:$0x3]  }
0x199: {  	s0 =	sadd.s32 @!p0 $0x100000, s0  }
0x19a: {  	[sflag:s0] =	ssyncadd.tile.s32 @!p0 $0x1;
	_ =	shalt  }
.Lfunc_end2:
_tile_overlayer_lowered:
.L_overlay_start_2:
0x19b: {  	(tag) =	ssettag $0x2  }
0x19c: {  	s0 =	rddreg [dreg:$0x0];
	s2 =	stileid.u32  }
0x19d: {  	s1 =	rddreg [dreg:$0x1];
	p0 =	sne.s32 s2, $0x0  }
0x19e: {  	s3 =	rddreg [dreg:$0x2];
	[bflag:$0x3] =	sbarrier.arrive $0xFFFF;
	s2 =	simm.s32 @!p0 $0x1C03  }
0x19f: {  	[timem:s3], [sflag:s2] =	dma.local @!p0 [hbm:s0], s1  }
0x1a0: {  	s0 =	simm.s32 @!p0 $0x3  }
0x1a1: {  	_ =	swait.ge @!p0 [sflag:s0], s1  }
0x1a2: {  	s1 =	ssub.s32 @!p0 $0x0, s1;
	[sflag:s0] =	ssyncset.done @!p0 $0x0  }
0x1a3: {  	[sflag:s0] =	ssyncadd.s32 @!p0 s1  }
0x1a4: {  	[bflag:$0x3] =	sbarrier.arrive $0xFFFF  }
0x1a5: {  	_ =	shalt  }

</sc_bundles>
